<compile_context>
chip_gen: v7x
topology: tpu7x:2x2x1
jax: 0.10.2.dev20260603
libtpu: 0.0.44.dev20260713+nightly
codegen_flags: <defaults>
</compile_context>

<pallas_src>
import functools

import jax
import jax.numpy as jnp
from jax import lax
from jax.experimental import pallas as pl
from jax.experimental.pallas import tpu as pltpu
from jax.experimental.pallas import tpu_sc as plsc

F32 = jnp.float32

_N1 = 5000
_N2 = 5000
_N = _N1 + _N2
_E = 320000
_D = 128

_NC = 2
_NS = 16
_NW = _NC * _NS
_CH = 128
_CHC = 128
_NCHUNK = 79
_EPT = _NCHUNK * _CH
_EPAD = _EPT * _NW
_NPAD = _N + 240
_RPT = _NPAD // _NS


def _dot_t(a, w):
    return lax.dot_general(a, w, (((1,), (1,)), ((), ())),
                           precision=lax.Precision.HIGHEST,
                           preferred_element_type=F32)



_BR = 1000
_NB = _N // _BR

_full = pl.BlockSpec((1, _D), lambda i: (0, 0))
_wfull = pl.BlockSpec((_D, _D), lambda i: (0, 0))
_rows = pl.BlockSpec((_BR, _D), lambda i: (i, 0))
_acc_bs = pl.BlockSpec((2, _BR, _D), lambda i: (0, i, 0))
_rcp_bs = pl.BlockSpec((_BR, 1), lambda i: (i, 0))


def _proj(x, ws, bs, wd, bd):
    def body(x_ref, ws_ref, bs_ref, wd_ref, bd_ref, o_ref):
        i = pl.program_id(0)
        first = i < (_N1 // _BR)
        w = jnp.where(first, ws_ref[...], wd_ref[...])
        bias = jnp.where(first, bs_ref[...], bd_ref[...])
        o_ref[...] = _dot_t(x_ref[...], w) + bias

    return pl.pallas_call(
        body,
        grid=(_NB,),
        in_specs=[_rows, _wfull, _full, _wfull, _full],
        out_specs=_rows,
        out_shape=jax.ShapeDtypeStruct((_N, _D), F32))(x, ws, bs, wd, bd)


def _cnt_recip(cnt):
    def body(cnt_ref, o_ref):
        s = (cnt_ref[0, :_N, 0:1] + cnt_ref[1, :_N, 0:1]).astype(F32)
        o_ref[...] = 1.0 / jnp.maximum(s, 1.0)

    return pl.pallas_call(
        body, out_shape=jax.ShapeDtypeStruct((_N, 1), F32))(cnt)


def _sage_lin(acc, recip, h, wl, bl, wr, with_stats):
    def body(acc_ref, rcp_ref, h_ref, wl_ref, bl_ref, wr_ref, *out_refs):
        o_ref = out_refs[0]
        a = acc_ref[0] + acc_ref[1]
        mean = a * rcp_ref[...]
        hp = (_dot_t(mean, wl_ref[...]) + bl_ref[...]
              + _dot_t(h_ref[...], wr_ref[...]))
        o_ref[...] = hp
        if with_stats:
            s1_ref, s2_ref = out_refs[1], out_refs[2]

            @pl.when(pl.program_id(0) == 0)
            def _():
                s1_ref[...] = jnp.zeros_like(s1_ref)
                s2_ref[...] = jnp.zeros_like(s2_ref)

            s1_ref[...] += jnp.sum(hp, axis=0, keepdims=True)
            s2_ref[...] += jnp.sum(hp * hp, axis=0, keepdims=True)

    out_shape = [jax.ShapeDtypeStruct((_N, _D), F32)]
    out_specs = [_rows]
    if with_stats:
        out_shape += [jax.ShapeDtypeStruct((1, _D), F32)] * 2
        out_specs += [_full, _full]
    return pl.pallas_call(
        body,
        grid=(_NB,),
        in_specs=[_acc_bs, _rcp_bs, _rows, _wfull, _full, _wfull],
        out_specs=out_specs,
        out_shape=out_shape)(acc, recip, h, wl, bl, wr)


def _bn_relu(hp, s1, s2, g, b):
    def body(hp_ref, s1_ref, s2_ref, g_ref, b_ref, o_ref):
        inv_n = 1.0 / _N
        mu = s1_ref[...] * inv_n
        var = s2_ref[...] * inv_n - mu * mu
        hn = (hp_ref[...] - mu) * lax.rsqrt(var + 1e-5) * g_ref[...] + b_ref[...]
        o_ref[...] = jnp.maximum(hn, 0.0)

    return pl.pallas_call(
        body,
        grid=(_NB,),
        in_specs=[_rows, _full, _full, _full, _full],
        out_specs=_rows,
        out_shape=jax.ShapeDtypeStruct((_N, _D), F32))(hp, s1, s2, g, b)



def _sc_mesh():
    return plsc.VectorSubcoreMesh(core_axis_name="c", subcore_axis_name="s")


_BB = 128
_SPANS = [(off, min(_BB, _RPT - off)) for off in range(0, _RPT, _BB)]


def _zero_acc(zrows_hbm, rows, acc_sh, row0):
    pltpu.sync_copy(zrows_hbm, rows)
    for off, sz in _SPANS:
        pltpu.sync_copy(rows.at[pl.ds(0, sz)],
                        acc_sh.at[pl.ds(row0 + off, sz)])


def _dump_acc(acc_sh, rows, out_hbm, row0, c):
    for off, sz in _SPANS:
        pltpu.sync_copy(acc_sh.at[pl.ds(row0 + off, sz)],
                        rows.at[pl.ds(0, sz)])
        pltpu.sync_copy(rows.at[pl.ds(0, sz)],
                        out_hbm.at[pl.ds(c * _NPAD + row0 + off, sz)])


def _make_seg_sum():
    @functools.partial(
        pl.kernel,
        mesh=_sc_mesh(),
        out_type=jax.ShapeDtypeStruct((2 * _NPAD, _D), F32),
        scratch_types=[
            pltpu.VMEM_SHARED((_NPAD, _D), F32),
            pltpu.VMEM((_CH,), jnp.int32),
            pltpu.VMEM((_CH,), jnp.int32),
            pltpu.VMEM((_CH,), jnp.int32),
            pltpu.VMEM((_CH,), jnp.int32),
            pltpu.VMEM((_CH, _D), F32),
            pltpu.VMEM((_CH, _D), F32),
            pltpu.SemaphoreType.DMA,
            pltpu.SemaphoreType.DMA,
            pltpu.SemaphoreType.DMA,
            pltpu.SemaphoreType.DMA,
        ],
    )
    def seg(h_hbm, src_hbm, dst_hbm, zrows_hbm, pad_hbm, acc_out,
            acc_sh, sidxA, didxA, sidxB, didxB, rowsA, rowsB,
            semG, semSA, semSB, semI):
        c = lax.axis_index("c")
        s = lax.axis_index("s")
        wid = s * _NC + c
        base = wid * _EPT
        row0 = s * _RPT

        _zero_acc(zrows_hbm, rowsA, acc_sh, row0)
        pltpu.sync_copy(src_hbm.at[pl.ds(base, _CH)], sidxA)
        pltpu.sync_copy(dst_hbm.at[pl.ds(base, _CH)], didxA)
        pltpu.sync_copy(pad_hbm, didxB)
        plsc.subcore_barrier()
        pltpu.async_copy(rowsB, acc_sh.at[didxB], semSB, add=True)
        pltpu.async_copy(h_hbm.at[sidxA], rowsA, semG)

        def _step2(ci, sx_c, dx_c, rw_c, s_c, sx_o, dx_o, rw_o, s_o):
            pltpu.make_async_copy(h_hbm.at[sx_c], rw_c, semG).wait()
            pltpu.async_copy(rw_c, acc_sh.at[dx_c], s_c, add=True)
            off = base + (ci + 1) * _CH
            cps = pltpu.async_copy(src_hbm.at[pl.ds(off, _CH)], sx_o, semI)
            pltpu.make_async_copy(rw_o, acc_sh.at[dx_o], s_o).wait()
            cpd = pltpu.async_copy(dst_hbm.at[pl.ds(off, _CH)], dx_o, semI)
            cps.wait()
            cpd.wait()
            pltpu.async_copy(h_hbm.at[sx_o], rw_o, semG)

        def pair(j, carry):
            _step2(2 * j, sidxA, didxA, rowsA, semSA,
                   sidxB, didxB, rowsB, semSB)
            _step2(2 * j + 1, sidxB, didxB, rowsB, semSB,
                   sidxA, didxA, rowsA, semSA)
            return carry

        lax.fori_loop(0, (_NCHUNK - 1) // 2, pair, 0)
        _step2(_NCHUNK - 1, sidxA, didxA, rowsA, semSA,
               sidxB, didxB, rowsB, semSB)
        pltpu.make_async_copy(h_hbm.at[sidxB], rowsB, semG).wait()
        pltpu.make_async_copy(rowsA, acc_sh.at[didxA], semSA).wait()
        plsc.subcore_barrier()
        _dump_acc(acc_sh, rowsA, acc_out, row0, c)

    return seg


def _make_cnt():
    @functools.partial(
        pl.kernel,
        mesh=_sc_mesh(),
        out_type=jax.ShapeDtypeStruct((2 * _NPAD, _D), F32),
        scratch_types=[
            pltpu.VMEM_SHARED((_NPAD, _D), F32),
            pltpu.VMEM((_CHC,), jnp.int32),
            pltpu.VMEM((_CHC, _D), F32),
            pltpu.VMEM((_BB, _D), F32),
        ],
    )
    def cntk(dst_hbm, zrows_hbm, ones_hbm, pad_hbm, cnt_out,
             cnt_sh, didx, ones_v, rows):
        del pad_hbm
        c = lax.axis_index("c")
        s = lax.axis_index("s")
        wid = s * _NC + c
        base = wid * _EPT
        row0 = s * _RPT

        _zero_acc(zrows_hbm, rows, cnt_sh, row0)
        pltpu.sync_copy(ones_hbm, ones_v)
        plsc.subcore_barrier()

        def chunkc(i, carry):
            pltpu.sync_copy(dst_hbm.at[pl.ds(base + i * _CHC, _CHC)], didx)
            pltpu.sync_copy(ones_v, cnt_sh.at[didx], add=True)
            return carry

        lax.fori_loop(0, _EPT // _CHC, chunkc, 0)
        plsc.subcore_barrier()
        _dump_acc(cnt_sh, rows, cnt_out, row0, c)

    return cntk


_seg_sum = _make_seg_sum()
_cnt_scatter = _make_cnt()



def kernel(x, edge_index, num_nodes_type_1, num_nodes_type_2,
           W_src, b_src, W_dst, b_dst,
           Wl0, bl0, Wr0, gamma0, beta0, Wl1, bl1, Wr1):
    del num_nodes_type_1, num_nodes_type_2
    src = edge_index[0]
    dst = edge_index[1]
    npad = _EPAD - _E
    src_p = jnp.concatenate([src, jnp.zeros((npad + _CH,), jnp.int32)])
    dst_p = jnp.concatenate([dst, jnp.full((npad + _CH,), _N, jnp.int32)])
    zrows = jnp.zeros((_BB, _D), F32)
    ones_r = jnp.ones((_CHC, _D), F32)
    pad_i = jnp.full((_CH,), _N, jnp.int32)

    bs = b_src.reshape(1, _D)
    bd = b_dst.reshape(1, _D)
    bl0r = bl0.reshape(1, _D)
    bl1r = bl1.reshape(1, _D)
    g0 = gamma0.reshape(1, _D)
    be0 = beta0.reshape(1, _D)

    h = _proj(x, W_src, bs, W_dst, bd)
    cnt = _cnt_scatter(dst_p, zrows, ones_r, pad_i).reshape(2, _NPAD, _D)
    recip = _cnt_recip(cnt)
    acc0 = _seg_sum(h, src_p, dst_p, zrows, pad_i).reshape(2, _NPAD, _D)
    hp0, s1, s2 = _sage_lin(acc0, recip, h, Wl0, bl0r, Wr0, with_stats=True)
    h2 = _bn_relu(hp0, s1, s2, g0, be0)
    acc1 = _seg_sum(h2, src_p, dst_p, zrows, pad_i).reshape(2, _NPAD, _D)
    return _sage_lin(acc1, recip, h2, Wl1, bl1r, Wr1, with_stats=False)[0]

# --- scband reference (transcript-rebuilt; emitter-appended) ---
"""Pipeline reference for scband-bipartite-sagedual-embedding-39178691674543 (READ-ONLY COPY).

The authoritative reference and input builder live on the scoring server;
editing this copy changes nothing except your own understanding.
"""

import jax, jax.numpy as jnp
import numpy as np

N1 = 5000
N2 = 5000
N = N1 + N2
E = 320000
D = 128
H = 128
O = 128

def setup_inputs(seed: int = 0):
    key = jax.random.key(seed)
    ks = jax.random.split(key, 8)
    s_in = 1.0 / np.sqrt(D)
    s_h = 1.0 / np.sqrt(H)
    return {
        "x": jax.random.normal(ks[0], (N, D), dtype=jnp.float32),
        "edge_index": jax.random.randint(ks[1], (2, E), 0, N, dtype=jnp.int32),
        "num_nodes_type_1": N1,
        "num_nodes_type_2": N2,
        "W_src": jax.random.normal(ks[2], (H, D), dtype=jnp.float32) * s_in,
        "b_src": jnp.zeros((H,), dtype=jnp.float32),
        "W_dst": jax.random.normal(ks[3], (H, D), dtype=jnp.float32) * s_in,
        "b_dst": jnp.zeros((H,), dtype=jnp.float32),
        "Wl0": jax.random.normal(ks[4], (H, H), dtype=jnp.float32) * s_h,
        "bl0": jnp.zeros((H,), dtype=jnp.float32),
        "Wr0": jax.random.normal(ks[5], (H, H), dtype=jnp.float32) * s_h,
        "gamma0": jnp.ones((H,), dtype=jnp.float32),
        "beta0": jnp.zeros((H,), dtype=jnp.float32),
        "Wl1": jax.random.normal(ks[6], (O, H), dtype=jnp.float32) * s_h,
        "bl1": jnp.zeros((O,), dtype=jnp.float32),
        "Wr1": jax.random.normal(ks[7], (O, H), dtype=jnp.float32) * s_h,
    }

def _sage(h, src, dst, Wl, bl, Wr, n):
    # PyG SAGEConv with mean aggregation: lin_l(mean_j x_j) + lin_r(x_i)
    msg = jnp.take(h, src, axis=0)
    agg = jax.ops.segment_sum(msg, dst, num_segments=n)
    cnt = jax.ops.segment_sum(jnp.ones((src.shape[0], 1), jnp.float32), dst, num_segments=n)
    mean = agg / jnp.maximum(cnt, 1.0)
    return mean @ Wl.T + bl + h @ Wr.T

def reference(x, edge_index, num_nodes_type_1, num_nodes_type_2, W_src, b_src, W_dst, b_dst, Wl0, bl0, Wr0, gamma0, beta0, Wl1, bl1, Wr1):
    n1 = N1
    n2 = N2
    # float features -> no embedding path; dual projections
    x_src = x[:n1] @ W_src.T + b_src
    x_dst = x[n1:n1 + n2] @ W_dst.T + b_dst
    h = jnp.concatenate([x_src, x_dst], axis=0)
    zero = jnp.float32(0.0) * (jnp.asarray(num_nodes_type_1, jnp.float32) + jnp.asarray(num_nodes_type_2, jnp.float32))
    h = h + zero
    src = edge_index[0]
    dst = edge_index[1]
    n = h.shape[0]
    # layer 0 (SAGEConv) + BatchNorm (batch stats, training mode) + ReLU
    h = _sage(h, src, dst, Wl0, bl0, Wr0, n)
    mu = jnp.mean(h, axis=0)
    var = jnp.var(h, axis=0)
    h = (h - mu) / jnp.sqrt(var + 1e-5) * gamma0 + beta0
    h = jax.nn.relu(h)
    # layer 1 (SAGEConv)
    h = _sage(h, src, dst, Wl1, bl1, Wr1, n)
    return h

if __name__ == "__main__":
    import jax
    _d = setup_inputs()
    print(jax.jit(kernel)(*tuple(_d.values())))

</pallas_src>

<mosaic_0001>
#map = affine_map<(d0, d1) -> (0, 0)>
#map1 = affine_map<(d0, d1) -> (0)>
module attributes {stable_mosaic.version = 14 : i64} {
  func.func @seg(%arg0: i32, %arg1: i32, %arg2: memref<10000x128xf32, #tpu.memory_space<hbm>>, %arg3: memref<323712xi32, #tpu.memory_space<hbm>>, %arg4: memref<323712xi32, #tpu.memory_space<hbm>>, %arg5: memref<128x128xf32, #tpu.memory_space<hbm>>, %arg6: memref<128xi32, #tpu.memory_space<hbm>>, %arg7: memref<20480x128xf32, #tpu.memory_space<hbm>>, %arg8: memref<10240x128xf32, #tpu.memory_space<vmem_shared>>, %arg9: memref<128xi32, #tpu.memory_space<vmem>>, %arg10: memref<128xi32, #tpu.memory_space<vmem>>, %arg11: memref<128xi32, #tpu.memory_space<vmem>>, %arg12: memref<128xi32, #tpu.memory_space<vmem>>, %arg13: memref<128x128xf32, #tpu.memory_space<vmem>>, %arg14: memref<128x128xf32, #tpu.memory_space<vmem>>, %arg15: memref<!tpu.dma_semaphore, #tpu.memory_space<semaphore_mem>>, %arg16: memref<!tpu.dma_semaphore, #tpu.memory_space<semaphore_mem>>, %arg17: memref<!tpu.dma_semaphore, #tpu.memory_space<semaphore_mem>>, %arg18: memref<!tpu.dma_semaphore, #tpu.memory_space<semaphore_mem>>) attributes {dimension_semantics = [#tpu.dimension_semantics<core_parallel>, #tpu.dimension_semantics<subcore_parallel>], iteration_bounds = array<i64: 2, 16>, scalar_prefetch = 0 : i64, scratch_operands = 11 : i64, tpu.core_type = #tpu.core_type<sc_vector_subcore>, window_params = [{transform_indices = #map}, {transform_indices = #map1}, {transform_indices = #map1}, {transform_indices = #map}, {transform_indices = #map1}, {transform_indices = #map}]} {
    %mul3A = arith.constant 2 : i32
    %mul3A_0 = arith.muli %arg1, %mul3A : i32
    %add3A = arith.addi %mul3A_0, %arg0 : i32
    %mul3A_1 = arith.constant 10112 : i32
    %mul3A_2 = arith.muli %add3A, %mul3A_1 : i32
    %mul3A_3 = arith.constant 640 : i32
    %mul3A_4 = arith.muli %arg1, %mul3A_3 : i32
    "tpu.region"() ({
      %run_scoped3A = tpu.sem_alloc : memref<!tpu.dma_semaphore, #tpu.memory_space<semaphore_mem>>
      tpu.enqueue_dma source(%arg5 : memref<128x128xf32, #tpu.memory_space<hbm>>) target(%arg13 : memref<128x128xf32, #tpu.memory_space<vmem>>) target_semaphore(%run_scoped3A : memref<!tpu.dma_semaphore, #tpu.memory_space<semaphore_mem>>)
      tpu.wait_dma2 semaphore(%run_scoped3A : memref<!tpu.dma_semaphore, #tpu.memory_space<semaphore_mem>>) src(%arg5 : memref<128x128xf32, #tpu.memory_space<hbm>>) dst(%arg13 : memref<128x128xf32, #tpu.memory_space<vmem>>)
      tpu.yield
    }) : () -> ()
    %add3A_5 = arith.constant 0 : i32
    %add3A_6 = arith.addi %mul3A_4, %add3A_5 : i32
    "tpu.region"() ({
      %run_scoped3A = tpu.sem_alloc : memref<!tpu.dma_semaphore, #tpu.memory_space<semaphore_mem>>
      %dma_start3A_88 = arith.constant 0 : i32
      %dma_start3A_89 = arith.constant 0 : i32
      %dma_start3A_90 = tpu.memref_slice %arg13[%dma_start3A_88, %dma_start3A_89] : memref<128x128xf32, #tpu.memory_space<vmem>> -> memref<128x128xf32, #tpu.memory_space<vmem>>
      %dma_start3A_91 = arith.constant 0 : i32
      %dma_start3A_92 = tpu.memref_slice %arg8[%add3A_6, %dma_start3A_91] : memref<10240x128xf32, #tpu.memory_space<vmem_shared>> -> memref<128x128xf32, #tpu.memory_space<vmem_shared>>
      %dma_start3A_93 = arith.constant 0 : i32
      %dma_start3A_94 = tpu.memref_slice %arg8[%add3A_6, %dma_start3A_93] : memref<10240x128xf32, #tpu.memory_space<vmem_shared>> -> memref<128x128xf32, #tpu.memory_space<vmem_shared>>
      %dma_start3A_95 = arith.constant 0 : i32
      %dma_start3A_96 = arith.constant 0 : i32
      %dma_start3A_97 = tpu.memref_slice %arg13[%dma_start3A_95, %dma_start3A_96] : memref<128x128xf32, #tpu.memory_space<vmem>> -> memref<128x128xf32, #tpu.memory_space<vmem>>
      tpu.enqueue_dma source(%dma_start3A_97 : memref<128x128xf32, #tpu.memory_space<vmem>>) target(%dma_start3A_94 : memref<128x128xf32, #tpu.memory_space<vmem_shared>>) target_semaphore(%run_scoped3A : memref<!tpu.dma_semaphore, #tpu.memory_space<semaphore_mem>>)
      %dma_wait3A_98 = arith.constant 0 : i32
      %dma_wait3A_99 = arith.constant 0 : i32
      %dma_wait3A_100 = tpu.memref_slice %arg13[%dma_wait3A_98, %dma_wait3A_99] : memref<128x128xf32, #tpu.memory_space<vmem>> -> memref<128x128xf32, #tpu.memory_space<vmem>>
      %dma_wait3A_101 = arith.constant 0 : i32
      %dma_wait3A_102 = tpu.memref_slice %arg8[%add3A_6, %dma_wait3A_101] : memref<10240x128xf32, #tpu.memory_space<vmem_shared>> -> memref<128x128xf32, #tpu.memory_space<vmem_shared>>
      %dma_wait3A_103 = arith.constant 0 : i32
      %dma_wait3A_104 = tpu.memref_slice %arg8[%add3A_6, %dma_wait3A_103] : memref<10240x128xf32, #tpu.memory_space<vmem_shared>> -> memref<128x128xf32, #tpu.memory_space<vmem_shared>>
      %dma_wait3A_105 = arith.constant 0 : i32
      %dma_wait3A_106 = arith.constant 0 : i32
      %dma_wait3A_107 = tpu.memref_slice %arg13[%dma_wait3A_105, %dma_wait3A_106] : memref<128x128xf32, #tpu.memory_space<vmem>> -> memref<128x128xf32, #tpu.memory_space<vmem>>
      tpu.wait_dma2 semaphore(%run_scoped3A : memref<!tpu.dma_semaphore, #tpu.memory_space<semaphore_mem>>) src(%dma_wait3A_107 : memref<128x128xf32, #tpu.memory_space<vmem>>) dst(%dma_wait3A_104 : memref<128x128xf32, #tpu.memory_space<vmem_shared>>)
      tpu.yield
    }) : () -> ()
    %add3A_7 = arith.constant 128 : i32
    %add3A_8 = arith.addi %mul3A_4, %add3A_7 : i32
    "tpu.region"() ({
      %run_scoped3A = tpu.sem_alloc : memref<!tpu.dma_semaphore, #tpu.memory_space<semaphore_mem>>
      %dma_start3A_88 = arith.constant 0 : i32
      %dma_start3A_89 = arith.constant 0 : i32
      %dma_start3A_90 = tpu.memref_slice %arg13[%dma_start3A_88, %dma_start3A_89] : memref<128x128xf32, #tpu.memory_space<vmem>> -> memref<128x128xf32, #tpu.memory_space<vmem>>
      %dma_start3A_91 = arith.constant 0 : i32
      %dma_start3A_92 = tpu.memref_slice %arg8[%add3A_8, %dma_start3A_91] : memref<10240x128xf32, #tpu.memory_space<vmem_shared>> -> memref<128x128xf32, #tpu.memory_space<vmem_shared>>
      %dma_start3A_93 = arith.constant 0 : i32
      %dma_start3A_94 = tpu.memref_slice %arg8[%add3A_8, %dma_start3A_93] : memref<10240x128xf32, #tpu.memory_space<vmem_shared>> -> memref<128x128xf32, #tpu.memory_space<vmem_shared>>
      %dma_start3A_95 = arith.constant 0 : i32
      %dma_start3A_96 = arith.constant 0 : i32
      %dma_start3A_97 = tpu.memref_slice %arg13[%dma_start3A_95, %dma_start3A_96] : memref<128x128xf32, #tpu.memory_space<vmem>> -> memref<128x128xf32, #tpu.memory_space<vmem>>
      tpu.enqueue_dma source(%dma_start3A_97 : memref<128x128xf32, #tpu.memory_space<vmem>>) target(%dma_start3A_94 : memref<128x128xf32, #tpu.memory_space<vmem_shared>>) target_semaphore(%run_scoped3A : memref<!tpu.dma_semaphore, #tpu.memory_space<semaphore_mem>>)
      %dma_wait3A_98 = arith.constant 0 : i32
      %dma_wait3A_99 = arith.constant 0 : i32
      %dma_wait3A_100 = tpu.memref_slice %arg13[%dma_wait3A_98, %dma_wait3A_99] : memref<128x128xf32, #tpu.memory_space<vmem>> -> memref<128x128xf32, #tpu.memory_space<vmem>>
      %dma_wait3A_101 = arith.constant 0 : i32
      %dma_wait3A_102 = tpu.memref_slice %arg8[%add3A_8, %dma_wait3A_101] : memref<10240x128xf32, #tpu.memory_space<vmem_shared>> -> memref<128x128xf32, #tpu.memory_space<vmem_shared>>
      %dma_wait3A_103 = arith.constant 0 : i32
      %dma_wait3A_104 = tpu.memref_slice %arg8[%add3A_8, %dma_wait3A_103] : memref<10240x128xf32, #tpu.memory_space<vmem_shared>> -> memref<128x128xf32, #tpu.memory_space<vmem_shared>>
      %dma_wait3A_105 = arith.constant 0 : i32
      %dma_wait3A_106 = arith.constant 0 : i32
      %dma_wait3A_107 = tpu.memref_slice %arg13[%dma_wait3A_105, %dma_wait3A_106] : memref<128x128xf32, #tpu.memory_space<vmem>> -> memref<128x128xf32, #tpu.memory_space<vmem>>
      tpu.wait_dma2 semaphore(%run_scoped3A : memref<!tpu.dma_semaphore, #tpu.memory_space<semaphore_mem>>) src(%dma_wait3A_107 : memref<128x128xf32, #tpu.memory_space<vmem>>) dst(%dma_wait3A_104 : memref<128x128xf32, #tpu.memory_space<vmem_shared>>)
      tpu.yield
    }) : () -> ()
    %add3A_9 = arith.constant 256 : i32
    %add3A_10 = arith.addi %mul3A_4, %add3A_9 : i32
    "tpu.region"() ({
      %run_scoped3A = tpu.sem_alloc : memref<!tpu.dma_semaphore, #tpu.memory_space<semaphore_mem>>
      %dma_start3A_88 = arith.constant 0 : i32
      %dma_start3A_89 = arith.constant 0 : i32
      %dma_start3A_90 = tpu.memref_slice %arg13[%dma_start3A_88, %dma_start3A_89] : memref<128x128xf32, #tpu.memory_space<vmem>> -> memref<128x128xf32, #tpu.memory_space<vmem>>
      %dma_start3A_91 = arith.constant 0 : i32
      %dma_start3A_92 = tpu.memref_slice %arg8[%add3A_10, %dma_start3A_91] : memref<10240x128xf32, #tpu.memory_space<vmem_shared>> -> memref<128x128xf32, #tpu.memory_space<vmem_shared>>
      %dma_start3A_93 = arith.constant 0 : i32
      %dma_start3A_94 = tpu.memref_slice %arg8[%add3A_10, %dma_start3A_93] : memref<10240x128xf32, #tpu.memory_space<vmem_shared>> -> memref<128x128xf32, #tpu.memory_space<vmem_shared>>
      %dma_start3A_95 = arith.constant 0 : i32
      %dma_start3A_96 = arith.constant 0 : i32
      %dma_start3A_97 = tpu.memref_slice %arg13[%dma_start3A_95, %dma_start3A_96] : memref<128x128xf32, #tpu.memory_space<vmem>> -> memref<128x128xf32, #tpu.memory_space<vmem>>
      tpu.enqueue_dma source(%dma_start3A_97 : memref<128x128xf32, #tpu.memory_space<vmem>>) target(%dma_start3A_94 : memref<128x128xf32, #tpu.memory_space<vmem_shared>>) target_semaphore(%run_scoped3A : memref<!tpu.dma_semaphore, #tpu.memory_space<semaphore_mem>>)
      %dma_wait3A_98 = arith.constant 0 : i32
      %dma_wait3A_99 = arith.constant 0 : i32
      %dma_wait3A_100 = tpu.memref_slice %arg13[%dma_wait3A_98, %dma_wait3A_99] : memref<128x128xf32, #tpu.memory_space<vmem>> -> memref<128x128xf32, #tpu.memory_space<vmem>>
      %dma_wait3A_101 = arith.constant 0 : i32
      %dma_wait3A_102 = tpu.memref_slice %arg8[%add3A_10, %dma_wait3A_101] : memref<10240x128xf32, #tpu.memory_space<vmem_shared>> -> memref<128x128xf32, #tpu.memory_space<vmem_shared>>
      %dma_wait3A_103 = arith.constant 0 : i32
      %dma_wait3A_104 = tpu.memref_slice %arg8[%add3A_10, %dma_wait3A_103] : memref<10240x128xf32, #tpu.memory_space<vmem_shared>> -> memref<128x128xf32, #tpu.memory_space<vmem_shared>>
      %dma_wait3A_105 = arith.constant 0 : i32
      %dma_wait3A_106 = arith.constant 0 : i32
      %dma_wait3A_107 = tpu.memref_slice %arg13[%dma_wait3A_105, %dma_wait3A_106] : memref<128x128xf32, #tpu.memory_space<vmem>> -> memref<128x128xf32, #tpu.memory_space<vmem>>
      tpu.wait_dma2 semaphore(%run_scoped3A : memref<!tpu.dma_semaphore, #tpu.memory_space<semaphore_mem>>) src(%dma_wait3A_107 : memref<128x128xf32, #tpu.memory_space<vmem>>) dst(%dma_wait3A_104 : memref<128x128xf32, #tpu.memory_space<vmem_shared>>)
      tpu.yield
    }) : () -> ()
    %add3A_11 = arith.constant 384 : i32
    %add3A_12 = arith.addi %mul3A_4, %add3A_11 : i32
    "tpu.region"() ({
      %run_scoped3A = tpu.sem_alloc : memref<!tpu.dma_semaphore, #tpu.memory_space<semaphore_mem>>
      %dma_start3A_88 = arith.constant 0 : i32
      %dma_start3A_89 = arith.constant 0 : i32
      %dma_start3A_90 = tpu.memref_slice %arg13[%dma_start3A_88, %dma_start3A_89] : memref<128x128xf32, #tpu.memory_space<vmem>> -> memref<128x128xf32, #tpu.memory_space<vmem>>
      %dma_start3A_91 = arith.constant 0 : i32
      %dma_start3A_92 = tpu.memref_slice %arg8[%add3A_12, %dma_start3A_91] : memref<10240x128xf32, #tpu.memory_space<vmem_shared>> -> memref<128x128xf32, #tpu.memory_space<vmem_shared>>
      %dma_start3A_93 = arith.constant 0 : i32
      %dma_start3A_94 = tpu.memref_slice %arg8[%add3A_12, %dma_start3A_93] : memref<10240x128xf32, #tpu.memory_space<vmem_shared>> -> memref<128x128xf32, #tpu.memory_space<vmem_shared>>
      %dma_start3A_95 = arith.constant 0 : i32
      %dma_start3A_96 = arith.constant 0 : i32
      %dma_start3A_97 = tpu.memref_slice %arg13[%dma_start3A_95, %dma_start3A_96] : memref<128x128xf32, #tpu.memory_space<vmem>> -> memref<128x128xf32, #tpu.memory_space<vmem>>
      tpu.enqueue_dma source(%dma_start3A_97 : memref<128x128xf32, #tpu.memory_space<vmem>>) target(%dma_start3A_94 : memref<128x128xf32, #tpu.memory_space<vmem_shared>>) target_semaphore(%run_scoped3A : memref<!tpu.dma_semaphore, #tpu.memory_space<semaphore_mem>>)
      %dma_wait3A_98 = arith.constant 0 : i32
      %dma_wait3A_99 = arith.constant 0 : i32
      %dma_wait3A_100 = tpu.memref_slice %arg13[%dma_wait3A_98, %dma_wait3A_99] : memref<128x128xf32, #tpu.memory_space<vmem>> -> memref<128x128xf32, #tpu.memory_space<vmem>>
      %dma_wait3A_101 = arith.constant 0 : i32
      %dma_wait3A_102 = tpu.memref_slice %arg8[%add3A_12, %dma_wait3A_101] : memref<10240x128xf32, #tpu.memory_space<vmem_shared>> -> memref<128x128xf32, #tpu.memory_space<vmem_shared>>
      %dma_wait3A_103 = arith.constant 0 : i32
      %dma_wait3A_104 = tpu.memref_slice %arg8[%add3A_12, %dma_wait3A_103] : memref<10240x128xf32, #tpu.memory_space<vmem_shared>> -> memref<128x128xf32, #tpu.memory_space<vmem_shared>>
      %dma_wait3A_105 = arith.constant 0 : i32
      %dma_wait3A_106 = arith.constant 0 : i32
      %dma_wait3A_107 = tpu.memref_slice %arg13[%dma_wait3A_105, %dma_wait3A_106] : memref<128x128xf32, #tpu.memory_space<vmem>> -> memref<128x128xf32, #tpu.memory_space<vmem>>
      tpu.wait_dma2 semaphore(%run_scoped3A : memref<!tpu.dma_semaphore, #tpu.memory_space<semaphore_mem>>) src(%dma_wait3A_107 : memref<128x128xf32, #tpu.memory_space<vmem>>) dst(%dma_wait3A_104 : memref<128x128xf32, #tpu.memory_space<vmem_shared>>)
      tpu.yield
    }) : () -> ()
    %add3A_13 = arith.constant 512 : i32
    %add3A_14 = arith.addi %mul3A_4, %add3A_13 : i32
    "tpu.region"() ({
      %run_scoped3A = tpu.sem_alloc : memref<!tpu.dma_semaphore, #tpu.memory_space<semaphore_mem>>
      %dma_start3A_88 = arith.constant 0 : i32
      %dma_start3A_89 = arith.constant 0 : i32
      %dma_start3A_90 = tpu.memref_slice %arg13[%dma_start3A_88, %dma_start3A_89] : memref<128x128xf32, #tpu.memory_space<vmem>> -> memref<128x128xf32, #tpu.memory_space<vmem>>
      %dma_start3A_91 = arith.constant 0 : i32
      %dma_start3A_92 = tpu.memref_slice %arg8[%add3A_14, %dma_start3A_91] : memref<10240x128xf32, #tpu.memory_space<vmem_shared>> -> memref<128x128xf32, #tpu.memory_space<vmem_shared>>
      %dma_start3A_93 = arith.constant 0 : i32
      %dma_start3A_94 = tpu.memref_slice %arg8[%add3A_14, %dma_start3A_93] : memref<10240x128xf32, #tpu.memory_space<vmem_shared>> -> memref<128x128xf32, #tpu.memory_space<vmem_shared>>
      %dma_start3A_95 = arith.constant 0 : i32
      %dma_start3A_96 = arith.constant 0 : i32
      %dma_start3A_97 = tpu.memref_slice %arg13[%dma_start3A_95, %dma_start3A_96] : memref<128x128xf32, #tpu.memory_space<vmem>> -> memref<128x128xf32, #tpu.memory_space<vmem>>
      tpu.enqueue_dma source(%dma_start3A_97 : memref<128x128xf32, #tpu.memory_space<vmem>>) target(%dma_start3A_94 : memref<128x128xf32, #tpu.memory_space<vmem_shared>>) target_semaphore(%run_scoped3A : memref<!tpu.dma_semaphore, #tpu.memory_space<semaphore_mem>>)
      %dma_wait3A_98 = arith.constant 0 : i32
      %dma_wait3A_99 = arith.constant 0 : i32
      %dma_wait3A_100 = tpu.memref_slice %arg13[%dma_wait3A_98, %dma_wait3A_99] : memref<128x128xf32, #tpu.memory_space<vmem>> -> memref<128x128xf32, #tpu.memory_space<vmem>>
      %dma_wait3A_101 = arith.constant 0 : i32
      %dma_wait3A_102 = tpu.memref_slice %arg8[%add3A_14, %dma_wait3A_101] : memref<10240x128xf32, #tpu.memory_space<vmem_shared>> -> memref<128x128xf32, #tpu.memory_space<vmem_shared>>
      %dma_wait3A_103 = arith.constant 0 : i32
      %dma_wait3A_104 = tpu.memref_slice %arg8[%add3A_14, %dma_wait3A_103] : memref<10240x128xf32, #tpu.memory_space<vmem_shared>> -> memref<128x128xf32, #tpu.memory_space<vmem_shared>>
      %dma_wait3A_105 = arith.constant 0 : i32
      %dma_wait3A_106 = arith.constant 0 : i32
      %dma_wait3A_107 = tpu.memref_slice %arg13[%dma_wait3A_105, %dma_wait3A_106] : memref<128x128xf32, #tpu.memory_space<vmem>> -> memref<128x128xf32, #tpu.memory_space<vmem>>
      tpu.wait_dma2 semaphore(%run_scoped3A : memref<!tpu.dma_semaphore, #tpu.memory_space<semaphore_mem>>) src(%dma_wait3A_107 : memref<128x128xf32, #tpu.memory_space<vmem>>) dst(%dma_wait3A_104 : memref<128x128xf32, #tpu.memory_space<vmem_shared>>)
      tpu.yield
    }) : () -> ()
    "tpu.region"() ({
      %run_scoped3A = tpu.sem_alloc : memref<!tpu.dma_semaphore, #tpu.memory_space<semaphore_mem>>
      %dma_start3A_88 = tpu.memref_slice %arg3[%mul3A_2] : memref<323712xi32, #tpu.memory_space<hbm>> -> memref<128xi32, #tpu.memory_space<hbm>>
      %dma_start3A_89 = tpu.memref_slice %arg3[%mul3A_2] : memref<323712xi32, #tpu.memory_space<hbm>> -> memref<128xi32, #tpu.memory_space<hbm>>
      tpu.enqueue_dma source(%dma_start3A_89 : memref<128xi32, #tpu.memory_space<hbm>>) target(%arg9 : memref<128xi32, #tpu.memory_space<vmem>>) target_semaphore(%run_scoped3A : memref<!tpu.dma_semaphore, #tpu.memory_space<semaphore_mem>>)
      %dma_wait3A_90 = tpu.memref_slice %arg3[%mul3A_2] : memref<323712xi32, #tpu.memory_space<hbm>> -> memref<128xi32, #tpu.memory_space<hbm>>
      %dma_wait3A_91 = tpu.memref_slice %arg3[%mul3A_2] : memref<323712xi32, #tpu.memory_space<hbm>> -> memref<128xi32, #tpu.memory_space<hbm>>
      tpu.wait_dma2 semaphore(%run_scoped3A : memref<!tpu.dma_semaphore, #tpu.memory_space<semaphore_mem>>) src(%dma_wait3A_91 : memref<128xi32, #tpu.memory_space<hbm>>) dst(%arg9 : memref<128xi32, #tpu.memory_space<vmem>>)
      tpu.yield
    }) : () -> ()
    "tpu.region"() ({
      %run_scoped3A = tpu.sem_alloc : memref<!tpu.dma_semaphore, #tpu.memory_space<semaphore_mem>>
      %dma_start3A_88 = tpu.memref_slice %arg4[%mul3A_2] : memref<323712xi32, #tpu.memory_space<hbm>> -> memref<128xi32, #tpu.memory_space<hbm>>
      %dma_start3A_89 = tpu.memref_slice %arg4[%mul3A_2] : memref<323712xi32, #tpu.memory_space<hbm>> -> memref<128xi32, #tpu.memory_space<hbm>>
      tpu.enqueue_dma source(%dma_start3A_89 : memref<128xi32, #tpu.memory_space<hbm>>) target(%arg10 : memref<128xi32, #tpu.memory_space<vmem>>) target_semaphore(%run_scoped3A : memref<!tpu.dma_semaphore, #tpu.memory_space<semaphore_mem>>)
      %dma_wait3A_90 = tpu.memref_slice %arg4[%mul3A_2] : memref<323712xi32, #tpu.memory_space<hbm>> -> memref<128xi32, #tpu.memory_space<hbm>>
      %dma_wait3A_91 = tpu.memref_slice %arg4[%mul3A_2] : memref<323712xi32, #tpu.memory_space<hbm>> -> memref<128xi32, #tpu.memory_space<hbm>>
      tpu.wait_dma2 semaphore(%run_scoped3A : memref<!tpu.dma_semaphore, #tpu.memory_space<semaphore_mem>>) src(%dma_wait3A_91 : memref<128xi32, #tpu.memory_space<hbm>>) dst(%arg10 : memref<128xi32, #tpu.memory_space<vmem>>)
      tpu.yield
    }) : () -> ()
    "tpu.region"() ({
      %run_scoped3A = tpu.sem_alloc : memref<!tpu.dma_semaphore, #tpu.memory_space<semaphore_mem>>
      tpu.enqueue_dma source(%arg6 : memref<128xi32, #tpu.memory_space<hbm>>) target(%arg12 : memref<128xi32, #tpu.memory_space<vmem>>) target_semaphore(%run_scoped3A : memref<!tpu.dma_semaphore, #tpu.memory_space<semaphore_mem>>)
      tpu.wait_dma2 semaphore(%run_scoped3A : memref<!tpu.dma_semaphore, #tpu.memory_space<semaphore_mem>>) src(%arg6 : memref<128xi32, #tpu.memory_space<hbm>>) dst(%arg12 : memref<128xi32, #tpu.memory_space<vmem>>)
      tpu.yield
    }) : () -> ()
    %barrier3A = arith.constant 0 : index
    tpu.barrier barrier_id(%barrier3A)
    %dma_start3A = arith.constant 0 : i32
    %dma_start3A_15 = arith.constant 0 : i32
    %dma_start3A_16 = tpu.memref_slice %arg8[%dma_start3A, %dma_start3A_15] : memref<10240x128xf32, #tpu.memory_space<vmem_shared>> -> memref<10240x128xf32, #tpu.memory_space<vmem_shared>>
    tpu.enqueue_indirect_dma source(%arg14 : memref<128x128xf32, #tpu.memory_space<vmem>>) target(%dma_start3A_16 : memref<10240x128xf32, #tpu.memory_space<vmem_shared>>) offsets(%arg12 : memref<128xi32, #tpu.memory_space<vmem>>) semaphore(%arg17 : memref<!tpu.dma_semaphore, #tpu.memory_space<semaphore_mem>>) {add = true}
    %dma_start3A_17 = arith.constant 0 : i32
    %dma_start3A_18 = arith.constant 0 : i32
    %dma_start3A_19 = tpu.memref_slice %arg2[%dma_start3A_17, %dma_start3A_18] : memref<10000x128xf32, #tpu.memory_space<hbm>> -> memref<10000x128xf32, #tpu.memory_space<hbm>>
    tpu.enqueue_indirect_dma source(%dma_start3A_19 : memref<10000x128xf32, #tpu.memory_space<hbm>>) target(%arg13 : memref<128x128xf32, #tpu.memory_space<vmem>>) offsets(%arg9 : memref<128xi32, #tpu.memory_space<vmem>>) semaphore(%arg15 : memref<!tpu.dma_semaphore, #tpu.memory_space<semaphore_mem>>)
    %scan3A = arith.constant 0 : i32
    %scan3A_20 = arith.constant 0 : i32
    %scan3A_21 = arith.constant 39 : i32
    %scan3A_22 = arith.addi %scan3A_20, %scan3A_21 : i32
    %scan3A_23 = arith.constant 1 : i32
    scf.for %scan3A_88 = %scan3A_20 to %scan3A_22 step %scan3A_23  : i32 {
      %mul3A_89 = arith.constant 2 : i32
      %mul3A_90 = arith.muli %mul3A_89, %scan3A_88 : i32
      %dma_wait3A_91 = arith.constant 0 : i32
      %dma_wait3A_92 = arith.constant 0 : i32
      %dma_wait3A_93 = tpu.memref_slice %arg2[%dma_wait3A_91, %dma_wait3A_92] : memref<10000x128xf32, #tpu.memory_space<hbm>> -> memref<10000x128xf32, #tpu.memory_space<hbm>>
      tpu.wait_indirect_dma semaphore(%arg15 : memref<!tpu.dma_semaphore, #tpu.memory_space<semaphore_mem>>) src(%dma_wait3A_93 : memref<10000x128xf32, #tpu.memory_space<hbm>>) dst(%arg13 : memref<128x128xf32, #tpu.memory_space<vmem>>)
      %dma_start3A_94 = arith.constant 0 : i32
      %dma_start3A_95 = arith.constant 0 : i32
      %dma_start3A_96 = tpu.memref_slice %arg8[%dma_start3A_94, %dma_start3A_95] : memref<10240x128xf32, #tpu.memory_space<vmem_shared>> -> memref<10240x128xf32, #tpu.memory_space<vmem_shared>>
      tpu.enqueue_indirect_dma source(%arg13 : memref<128x128xf32, #tpu.memory_space<vmem>>) target(%dma_start3A_96 : memref<10240x128xf32, #tpu.memory_space<vmem_shared>>) offsets(%arg10 : memref<128xi32, #tpu.memory_space<vmem>>) semaphore(%arg16 : memref<!tpu.dma_semaphore, #tpu.memory_space<semaphore_mem>>) {add = true}
      %add3A_97 = arith.constant 1 : i32
      %add3A_98 = arith.addi %mul3A_90, %add3A_97 : i32
      %mul3A_99 = arith.constant 128 : i32
      %mul3A_100 = arith.muli %add3A_98, %mul3A_99 : i32
      %add3A_101 = arith.addi %mul3A_2, %mul3A_100 : i32
      %dma_start3A_102 = tpu.memref_slice %arg3[%add3A_101] : memref<323712xi32, #tpu.memory_space<hbm>> -> memref<128xi32, #tpu.memory_space<hbm>>
      %dma_start3A_103 = tpu.memref_slice %arg3[%add3A_101] : memref<323712xi32, #tpu.memory_space<hbm>> -> memref<128xi32, #tpu.memory_space<hbm>>
      tpu.enqueue_dma source(%dma_start3A_103 : memref<128xi32, #tpu.memory_space<hbm>>) target(%arg11 : memref<128xi32, #tpu.memory_space<vmem>>) target_semaphore(%arg18 : memref<!tpu.dma_semaphore, #tpu.memory_space<semaphore_mem>>)
      %dma_wait3A_104 = arith.constant 0 : i32
      %dma_wait3A_105 = arith.constant 0 : i32
      %dma_wait3A_106 = tpu.memref_slice %arg8[%dma_wait3A_104, %dma_wait3A_105] : memref<10240x128xf32, #tpu.memory_space<vmem_shared>> -> memref<10240x128xf32, #tpu.memory_space<vmem_shared>>
      tpu.wait_indirect_dma semaphore(%arg17 : memref<!tpu.dma_semaphore, #tpu.memory_space<semaphore_mem>>) src(%arg14 : memref<128x128xf32, #tpu.memory_space<vmem>>) dst(%dma_wait3A_106 : memref<10240x128xf32, #tpu.memory_space<vmem_shared>>)
      %dma_start3A_107 = tpu.memref_slice %arg4[%add3A_101] : memref<323712xi32, #tpu.memory_space<hbm>> -> memref<128xi32, #tpu.memory_space<hbm>>
      %dma_start3A_108 = tpu.memref_slice %arg4[%add3A_101] : memref<323712xi32, #tpu.memory_space<hbm>> -> memref<128xi32, #tpu.memory_space<hbm>>
      tpu.enqueue_dma source(%dma_start3A_108 : memref<128xi32, #tpu.memory_space<hbm>>) target(%arg12 : memref<128xi32, #tpu.memory_space<vmem>>) target_semaphore(%arg18 : memref<!tpu.dma_semaphore, #tpu.memory_space<semaphore_mem>>)
      %dma_wait3A_109 = tpu.memref_slice %arg3[%add3A_101] : memref<323712xi32, #tpu.memory_space<hbm>> -> memref<128xi32, #tpu.memory_space<hbm>>
      %dma_wait3A_110 = tpu.memref_slice %arg3[%add3A_101] : memref<323712xi32, #tpu.memory_space<hbm>> -> memref<128xi32, #tpu.memory_space<hbm>>
      tpu.wait_dma2 semaphore(%arg18 : memref<!tpu.dma_semaphore, #tpu.memory_space<semaphore_mem>>) src(%dma_wait3A_110 : memref<128xi32, #tpu.memory_space<hbm>>) dst(%arg11 : memref<128xi32, #tpu.memory_space<vmem>>)
      %dma_wait3A_111 = tpu.memref_slice %arg4[%add3A_101] : memref<323712xi32, #tpu.memory_space<hbm>> -> memref<128xi32, #tpu.memory_space<hbm>>
      %dma_wait3A_112 = tpu.memref_slice %arg4[%add3A_101] : memref<323712xi32, #tpu.memory_space<hbm>> -> memref<128xi32, #tpu.memory_space<hbm>>
      tpu.wait_dma2 semaphore(%arg18 : memref<!tpu.dma_semaphore, #tpu.memory_space<semaphore_mem>>) src(%dma_wait3A_112 : memref<128xi32, #tpu.memory_space<hbm>>) dst(%arg12 : memref<128xi32, #tpu.memory_space<vmem>>)
      %dma_start3A_113 = arith.constant 0 : i32
      %dma_start3A_114 = arith.constant 0 : i32
      %dma_start3A_115 = tpu.memref_slice %arg2[%dma_start3A_113, %dma_start3A_114] : memref<10000x128xf32, #tpu.memory_space<hbm>> -> memref<10000x128xf32, #tpu.memory_space<hbm>>
      tpu.enqueue_indirect_dma source(%dma_start3A_115 : memref<10000x128xf32, #tpu.memory_space<hbm>>) target(%arg14 : memref<128x128xf32, #tpu.memory_space<vmem>>) offsets(%arg11 : memref<128xi32, #tpu.memory_space<vmem>>) semaphore(%arg15 : memref<!tpu.dma_semaphore, #tpu.memory_space<semaphore_mem>>)
      %mul3A_116 = arith.constant 2 : i32
      %mul3A_117 = arith.muli %mul3A_116, %scan3A_88 : i32
      %add3A_118 = arith.constant 1 : i32
      %add3A_119 = arith.addi %mul3A_117, %add3A_118 : i32
      %dma_wait3A_120 = arith.constant 0 : i32
      %dma_wait3A_121 = arith.constant 0 : i32
      %dma_wait3A_122 = tpu.memref_slice %arg2[%dma_wait3A_120, %dma_wait3A_121] : memref<10000x128xf32, #tpu.memory_space<hbm>> -> memref<10000x128xf32, #tpu.memory_space<hbm>>
      tpu.wait_indirect_dma semaphore(%arg15 : memref<!tpu.dma_semaphore, #tpu.memory_space<semaphore_mem>>) src(%dma_wait3A_122 : memref<10000x128xf32, #tpu.memory_space<hbm>>) dst(%arg14 : memref<128x128xf32, #tpu.memory_space<vmem>>)
      %dma_start3A_123 = arith.constant 0 : i32
      %dma_start3A_124 = arith.constant 0 : i32
      %dma_start3A_125 = tpu.memref_slice %arg8[%dma_start3A_123, %dma_start3A_124] : memref<10240x128xf32, #tpu.memory_space<vmem_shared>> -> memref<10240x128xf32, #tpu.memory_space<vmem_shared>>
      tpu.enqueue_indirect_dma source(%arg14 : memref<128x128xf32, #tpu.memory_space<vmem>>) target(%dma_start3A_125 : memref<10240x128xf32, #tpu.memory_space<vmem_shared>>) offsets(%arg12 : memref<128xi32, #tpu.memory_space<vmem>>) semaphore(%arg17 : memref<!tpu.dma_semaphore, #tpu.memory_space<semaphore_mem>>) {add = true}
      %add3A_126 = arith.constant 1 : i32
      %add3A_127 = arith.addi %add3A_119, %add3A_126 : i32
      %mul3A_128 = arith.constant 128 : i32
      %mul3A_129 = arith.muli %add3A_127, %mul3A_128 : i32
      %add3A_130 = arith.addi %mul3A_2, %mul3A_129 : i32
      %dma_start3A_131 = tpu.memref_slice %arg3[%add3A_130] : memref<323712xi32, #tpu.memory_space<hbm>> -> memref<128xi32, #tpu.memory_space<hbm>>
      %dma_start3A_132 = tpu.memref_slice %arg3[%add3A_130] : memref<323712xi32, #tpu.memory_space<hbm>> -> memref<128xi32, #tpu.memory_space<hbm>>
      tpu.enqueue_dma source(%dma_start3A_132 : memref<128xi32, #tpu.memory_space<hbm>>) target(%arg9 : memref<128xi32, #tpu.memory_space<vmem>>) target_semaphore(%arg18 : memref<!tpu.dma_semaphore, #tpu.memory_space<semaphore_mem>>)
      %dma_wait3A_133 = arith.constant 0 : i32
      %dma_wait3A_134 = arith.constant 0 : i32
      %dma_wait3A_135 = tpu.memref_slice %arg8[%dma_wait3A_133, %dma_wait3A_134] : memref<10240x128xf32, #tpu.memory_space<vmem_shared>> -> memref<10240x128xf32, #tpu.memory_space<vmem_shared>>
      tpu.wait_indirect_dma semaphore(%arg16 : memref<!tpu.dma_semaphore, #tpu.memory_space<semaphore_mem>>) src(%arg13 : memref<128x128xf32, #tpu.memory_space<vmem>>) dst(%dma_wait3A_135 : memref<10240x128xf32, #tpu.memory_space<vmem_shared>>)
      %dma_start3A_136 = tpu.memref_slice %arg4[%add3A_130] : memref<323712xi32, #tpu.memory_space<hbm>> -> memref<128xi32, #tpu.memory_space<hbm>>
      %dma_start3A_137 = tpu.memref_slice %arg4[%add3A_130] : memref<323712xi32, #tpu.memory_space<hbm>> -> memref<128xi32, #tpu.memory_space<hbm>>
      tpu.enqueue_dma source(%dma_start3A_137 : memref<128xi32, #tpu.memory_space<hbm>>) target(%arg10 : memref<128xi32, #tpu.memory_space<vmem>>) target_semaphore(%arg18 : memref<!tpu.dma_semaphore, #tpu.memory_space<semaphore_mem>>)
      %dma_wait3A_138 = tpu.memref_slice %arg3[%add3A_130] : memref<323712xi32, #tpu.memory_space<hbm>> -> memref<128xi32, #tpu.memory_space<hbm>>
      %dma_wait3A_139 = tpu.memref_slice %arg3[%add3A_130] : memref<323712xi32, #tpu.memory_space<hbm>> -> memref<128xi32, #tpu.memory_space<hbm>>
      tpu.wait_dma2 semaphore(%arg18 : memref<!tpu.dma_semaphore, #tpu.memory_space<semaphore_mem>>) src(%dma_wait3A_139 : memref<128xi32, #tpu.memory_space<hbm>>) dst(%arg9 : memref<128xi32, #tpu.memory_space<vmem>>)
      %dma_wait3A_140 = tpu.memref_slice %arg4[%add3A_130] : memref<323712xi32, #tpu.memory_space<hbm>> -> memref<128xi32, #tpu.memory_space<hbm>>
      %dma_wait3A_141 = tpu.memref_slice %arg4[%add3A_130] : memref<323712xi32, #tpu.memory_space<hbm>> -> memref<128xi32, #tpu.memory_space<hbm>>
      tpu.wait_dma2 semaphore(%arg18 : memref<!tpu.dma_semaphore, #tpu.memory_space<semaphore_mem>>) src(%dma_wait3A_141 : memref<128xi32, #tpu.memory_space<hbm>>) dst(%arg10 : memref<128xi32, #tpu.memory_space<vmem>>)
      %dma_start3A_142 = arith.constant 0 : i32
      %dma_start3A_143 = arith.constant 0 : i32
      %dma_start3A_144 = tpu.memref_slice %arg2[%dma_start3A_142, %dma_start3A_143] : memref<10000x128xf32, #tpu.memory_space<hbm>> -> memref<10000x128xf32, #tpu.memory_space<hbm>>
      tpu.enqueue_indirect_dma source(%dma_start3A_144 : memref<10000x128xf32, #tpu.memory_space<hbm>>) target(%arg13 : memref<128x128xf32, #tpu.memory_space<vmem>>) offsets(%arg9 : memref<128xi32, #tpu.memory_space<vmem>>) semaphore(%arg15 : memref<!tpu.dma_semaphore, #tpu.memory_space<semaphore_mem>>)
    }
    %scan3A_24 = arith.constant 39 : i32
    %dma_wait3A = arith.constant 0 : i32
    %dma_wait3A_25 = arith.constant 0 : i32
    %dma_wait3A_26 = tpu.memref_slice %arg2[%dma_wait3A, %dma_wait3A_25] : memref<10000x128xf32, #tpu.memory_space<hbm>> -> memref<10000x128xf32, #tpu.memory_space<hbm>>
    tpu.wait_indirect_dma semaphore(%arg15 : memref<!tpu.dma_semaphore, #tpu.memory_space<semaphore_mem>>) src(%dma_wait3A_26 : memref<10000x128xf32, #tpu.memory_space<hbm>>) dst(%arg13 : memref<128x128xf32, #tpu.memory_space<vmem>>)
    %dma_start3A_27 = arith.constant 0 : i32
    %dma_start3A_28 = arith.constant 0 : i32
    %dma_start3A_29 = tpu.memref_slice %arg8[%dma_start3A_27, %dma_start3A_28] : memref<10240x128xf32, #tpu.memory_space<vmem_shared>> -> memref<10240x128xf32, #tpu.memory_space<vmem_shared>>
    tpu.enqueue_indirect_dma source(%arg13 : memref<128x128xf32, #tpu.memory_space<vmem>>) target(%dma_start3A_29 : memref<10240x128xf32, #tpu.memory_space<vmem_shared>>) offsets(%arg10 : memref<128xi32, #tpu.memory_space<vmem>>) semaphore(%arg16 : memref<!tpu.dma_semaphore, #tpu.memory_space<semaphore_mem>>) {add = true}
    %add3A_30 = arith.constant 10112 : i32
    %add3A_31 = arith.addi %mul3A_2, %add3A_30 : i32
    %dma_start3A_32 = tpu.memref_slice %arg3[%add3A_31] : memref<323712xi32, #tpu.memory_space<hbm>> -> memref<128xi32, #tpu.memory_space<hbm>>
    %dma_start3A_33 = tpu.memref_slice %arg3[%add3A_31] : memref<323712xi32, #tpu.memory_space<hbm>> -> memref<128xi32, #tpu.memory_space<hbm>>
    tpu.enqueue_dma source(%dma_start3A_33 : memref<128xi32, #tpu.memory_space<hbm>>) target(%arg11 : memref<128xi32, #tpu.memory_space<vmem>>) target_semaphore(%arg18 : memref<!tpu.dma_semaphore, #tpu.memory_space<semaphore_mem>>)
    %dma_wait3A_34 = arith.constant 0 : i32
    %dma_wait3A_35 = arith.constant 0 : i32
    %dma_wait3A_36 = tpu.memref_slice %arg8[%dma_wait3A_34, %dma_wait3A_35] : memref<10240x128xf32, #tpu.memory_space<vmem_shared>> -> memref<10240x128xf32, #tpu.memory_space<vmem_shared>>
    tpu.wait_indirect_dma semaphore(%arg17 : memref<!tpu.dma_semaphore, #tpu.memory_space<semaphore_mem>>) src(%arg14 : memref<128x128xf32, #tpu.memory_space<vmem>>) dst(%dma_wait3A_36 : memref<10240x128xf32, #tpu.memory_space<vmem_shared>>)
    %dma_start3A_37 = tpu.memref_slice %arg4[%add3A_31] : memref<323712xi32, #tpu.memory_space<hbm>> -> memref<128xi32, #tpu.memory_space<hbm>>
    %dma_start3A_38 = tpu.memref_slice %arg4[%add3A_31] : memref<323712xi32, #tpu.memory_space<hbm>> -> memref<128xi32, #tpu.memory_space<hbm>>
    tpu.enqueue_dma source(%dma_start3A_38 : memref<128xi32, #tpu.memory_space<hbm>>) target(%arg12 : memref<128xi32, #tpu.memory_space<vmem>>) target_semaphore(%arg18 : memref<!tpu.dma_semaphore, #tpu.memory_space<semaphore_mem>>)
    %dma_wait3A_39 = tpu.memref_slice %arg3[%add3A_31] : memref<323712xi32, #tpu.memory_space<hbm>> -> memref<128xi32, #tpu.memory_space<hbm>>
    %dma_wait3A_40 = tpu.memref_slice %arg3[%add3A_31] : memref<323712xi32, #tpu.memory_space<hbm>> -> memref<128xi32, #tpu.memory_space<hbm>>
    tpu.wait_dma2 semaphore(%arg18 : memref<!tpu.dma_semaphore, #tpu.memory_space<semaphore_mem>>) src(%dma_wait3A_40 : memref<128xi32, #tpu.memory_space<hbm>>) dst(%arg11 : memref<128xi32, #tpu.memory_space<vmem>>)
    %dma_wait3A_41 = tpu.memref_slice %arg4[%add3A_31] : memref<323712xi32, #tpu.memory_space<hbm>> -> memref<128xi32, #tpu.memory_space<hbm>>
    %dma_wait3A_42 = tpu.memref_slice %arg4[%add3A_31] : memref<323712xi32, #tpu.memory_space<hbm>> -> memref<128xi32, #tpu.memory_space<hbm>>
    tpu.wait_dma2 semaphore(%arg18 : memref<!tpu.dma_semaphore, #tpu.memory_space<semaphore_mem>>) src(%dma_wait3A_42 : memref<128xi32, #tpu.memory_space<hbm>>) dst(%arg12 : memref<128xi32, #tpu.memory_space<vmem>>)
    %dma_start3A_43 = arith.constant 0 : i32
    %dma_start3A_44 = arith.constant 0 : i32
    %dma_start3A_45 = tpu.memref_slice %arg2[%dma_start3A_43, %dma_start3A_44] : memref<10000x128xf32, #tpu.memory_space<hbm>> -> memref<10000x128xf32, #tpu.memory_space<hbm>>
    tpu.enqueue_indirect_dma source(%dma_start3A_45 : memref<10000x128xf32, #tpu.memory_space<hbm>>) target(%arg14 : memref<128x128xf32, #tpu.memory_space<vmem>>) offsets(%arg11 : memref<128xi32, #tpu.memory_space<vmem>>) semaphore(%arg15 : memref<!tpu.dma_semaphore, #tpu.memory_space<semaphore_mem>>)
    %dma_wait3A_46 = arith.constant 0 : i32
    %dma_wait3A_47 = arith.constant 0 : i32
    %dma_wait3A_48 = tpu.memref_slice %arg2[%dma_wait3A_46, %dma_wait3A_47] : memref<10000x128xf32, #tpu.memory_space<hbm>> -> memref<10000x128xf32, #tpu.memory_space<hbm>>
    tpu.wait_indirect_dma semaphore(%arg15 : memref<!tpu.dma_semaphore, #tpu.memory_space<semaphore_mem>>) src(%dma_wait3A_48 : memref<10000x128xf32, #tpu.memory_space<hbm>>) dst(%arg14 : memref<128x128xf32, #tpu.memory_space<vmem>>)
    %dma_wait3A_49 = arith.constant 0 : i32
    %dma_wait3A_50 = arith.constant 0 : i32
    %dma_wait3A_51 = tpu.memref_slice %arg8[%dma_wait3A_49, %dma_wait3A_50] : memref<10240x128xf32, #tpu.memory_space<vmem_shared>> -> memref<10240x128xf32, #tpu.memory_space<vmem_shared>>
    tpu.wait_indirect_dma semaphore(%arg16 : memref<!tpu.dma_semaphore, #tpu.memory_space<semaphore_mem>>) src(%arg13 : memref<128x128xf32, #tpu.memory_space<vmem>>) dst(%dma_wait3A_51 : memref<10240x128xf32, #tpu.memory_space<vmem_shared>>)
    %barrier3A_52 = arith.constant 0 : index
    tpu.barrier barrier_id(%barrier3A_52)
    %add3A_53 = arith.constant 0 : i32
    %add3A_54 = arith.addi %mul3A_4, %add3A_53 : i32
    "tpu.region"() ({
      %run_scoped3A = tpu.sem_alloc : memref<!tpu.dma_semaphore, #tpu.memory_space<semaphore_mem>>
      %dma_start3A_88 = arith.constant 0 : i32
      %dma_start3A_89 = arith.constant 0 : i32
      %dma_start3A_90 = tpu.memref_slice %arg13[%dma_start3A_88, %dma_start3A_89] : memref<128x128xf32, #tpu.memory_space<vmem>> -> memref<128x128xf32, #tpu.memory_space<vmem>>
      %dma_start3A_91 = arith.constant 0 : i32
      %dma_start3A_92 = tpu.memref_slice %arg8[%add3A_54, %dma_start3A_91] : memref<10240x128xf32, #tpu.memory_space<vmem_shared>> -> memref<128x128xf32, #tpu.memory_space<vmem_shared>>
      %dma_start3A_93 = arith.constant 0 : i32
      %dma_start3A_94 = arith.constant 0 : i32
      %dma_start3A_95 = tpu.memref_slice %arg13[%dma_start3A_93, %dma_start3A_94] : memref<128x128xf32, #tpu.memory_space<vmem>> -> memref<128x128xf32, #tpu.memory_space<vmem>>
      %dma_start3A_96 = arith.constant 0 : i32
      %dma_start3A_97 = tpu.memref_slice %arg8[%add3A_54, %dma_start3A_96] : memref<10240x128xf32, #tpu.memory_space<vmem_shared>> -> memref<128x128xf32, #tpu.memory_space<vmem_shared>>
      tpu.enqueue_dma source(%dma_start3A_97 : memref<128x128xf32, #tpu.memory_space<vmem_shared>>) target(%dma_start3A_95 : memref<128x128xf32, #tpu.memory_space<vmem>>) target_semaphore(%run_scoped3A : memref<!tpu.dma_semaphore, #tpu.memory_space<semaphore_mem>>)
      %dma_wait3A_98 = arith.constant 0 : i32
      %dma_wait3A_99 = arith.constant 0 : i32
      %dma_wait3A_100 = tpu.memref_slice %arg13[%dma_wait3A_98, %dma_wait3A_99] : memref<128x128xf32, #tpu.memory_space<vmem>> -> memref<128x128xf32, #tpu.memory_space<vmem>>
      %dma_wait3A_101 = arith.constant 0 : i32
      %dma_wait3A_102 = tpu.memref_slice %arg8[%add3A_54, %dma_wait3A_101] : memref<10240x128xf32, #tpu.memory_space<vmem_shared>> -> memref<128x128xf32, #tpu.memory_space<vmem_shared>>
      %dma_wait3A_103 = arith.constant 0 : i32
      %dma_wait3A_104 = arith.constant 0 : i32
      %dma_wait3A_105 = tpu.memref_slice %arg13[%dma_wait3A_103, %dma_wait3A_104] : memref<128x128xf32, #tpu.memory_space<vmem>> -> memref<128x128xf32, #tpu.memory_space<vmem>>
      %dma_wait3A_106 = arith.constant 0 : i32
      %dma_wait3A_107 = tpu.memref_slice %arg8[%add3A_54, %dma_wait3A_106] : memref<10240x128xf32, #tpu.memory_space<vmem_shared>> -> memref<128x128xf32, #tpu.memory_space<vmem_shared>>
      tpu.wait_dma2 semaphore(%run_scoped3A : memref<!tpu.dma_semaphore, #tpu.memory_space<semaphore_mem>>) src(%dma_wait3A_107 : memref<128x128xf32, #tpu.memory_space<vmem_shared>>) dst(%dma_wait3A_105 : memref<128x128xf32, #tpu.memory_space<vmem>>)
      tpu.yield
    }) : () -> ()
    %mul3A_55 = arith.constant 10240 : i32
    %mul3A_56 = arith.muli %arg0, %mul3A_55 : i32
    %add3A_57 = arith.addi %mul3A_56, %mul3A_4 : i32
    %add3A_58 = arith.constant 0 : i32
    %add3A_59 = arith.addi %add3A_57, %add3A_58 : i32
    "tpu.region"() ({
      %run_scoped3A = tpu.sem_alloc : memref<!tpu.dma_semaphore, #tpu.memory_space<semaphore_mem>>
      %dma_start3A_88 = arith.constant 0 : i32
      %dma_start3A_89 = arith.constant 0 : i32
      %dma_start3A_90 = tpu.memref_slice %arg13[%dma_start3A_88, %dma_start3A_89] : memref<128x128xf32, #tpu.memory_space<vmem>> -> memref<128x128xf32, #tpu.memory_space<vmem>>
      %dma_start3A_91 = arith.constant 0 : i32
      %dma_start3A_92 = tpu.memref_slice %arg7[%add3A_59, %dma_start3A_91] : memref<20480x128xf32, #tpu.memory_space<hbm>> -> memref<128x128xf32, #tpu.memory_space<hbm>>
      %dma_start3A_93 = arith.constant 0 : i32
      %dma_start3A_94 = tpu.memref_slice %arg7[%add3A_59, %dma_start3A_93] : memref<20480x128xf32, #tpu.memory_space<hbm>> -> memref<128x128xf32, #tpu.memory_space<hbm>>
      %dma_start3A_95 = arith.constant 0 : i32
      %dma_start3A_96 = arith.constant 0 : i32
      %dma_start3A_97 = tpu.memref_slice %arg13[%dma_start3A_95, %dma_start3A_96] : memref<128x128xf32, #tpu.memory_space<vmem>> -> memref<128x128xf32, #tpu.memory_space<vmem>>
      tpu.enqueue_dma source(%dma_start3A_97 : memref<128x128xf32, #tpu.memory_space<vmem>>) target(%dma_start3A_94 : memref<128x128xf32, #tpu.memory_space<hbm>>) target_semaphore(%run_scoped3A : memref<!tpu.dma_semaphore, #tpu.memory_space<semaphore_mem>>)
      %dma_wait3A_98 = arith.constant 0 : i32
      %dma_wait3A_99 = arith.constant 0 : i32
      %dma_wait3A_100 = tpu.memref_slice %arg13[%dma_wait3A_98, %dma_wait3A_99] : memref<128x128xf32, #tpu.memory_space<vmem>> -> memref<128x128xf32, #tpu.memory_space<vmem>>
      %dma_wait3A_101 = arith.constant 0 : i32
      %dma_wait3A_102 = tpu.memref_slice %arg7[%add3A_59, %dma_wait3A_101] : memref<20480x128xf32, #tpu.memory_space<hbm>> -> memref<128x128xf32, #tpu.memory_space<hbm>>
      %dma_wait3A_103 = arith.constant 0 : i32
      %dma_wait3A_104 = tpu.memref_slice %arg7[%add3A_59, %dma_wait3A_103] : memref<20480x128xf32, #tpu.memory_space<hbm>> -> memref<128x128xf32, #tpu.memory_space<hbm>>
      %dma_wait3A_105 = arith.constant 0 : i32
      %dma_wait3A_106 = arith.constant 0 : i32
      %dma_wait3A_107 = tpu.memref_slice %arg13[%dma_wait3A_105, %dma_wait3A_106] : memref<128x128xf32, #tpu.memory_space<vmem>> -> memref<128x128xf32, #tpu.memory_space<vmem>>
      tpu.wait_dma2 semaphore(%run_scoped3A : memref<!tpu.dma_semaphore, #tpu.memory_space<semaphore_mem>>) src(%dma_wait3A_107 : memref<128x128xf32, #tpu.memory_space<vmem>>) dst(%dma_wait3A_104 : memref<128x128xf32, #tpu.memory_space<hbm>>)
      tpu.yield
    }) : () -> ()
    %add3A_60 = arith.constant 128 : i32
    %add3A_61 = arith.addi %mul3A_4, %add3A_60 : i32
    "tpu.region"() ({
      %run_scoped3A = tpu.sem_alloc : memref<!tpu.dma_semaphore, #tpu.memory_space<semaphore_mem>>
      %dma_start3A_88 = arith.constant 0 : i32
      %dma_start3A_89 = arith.constant 0 : i32
      %dma_start3A_90 = tpu.memref_slice %arg13[%dma_start3A_88, %dma_start3A_89] : memref<128x128xf32, #tpu.memory_space<vmem>> -> memref<128x128xf32, #tpu.memory_space<vmem>>
      %dma_start3A_91 = arith.constant 0 : i32
      %dma_start3A_92 = tpu.memref_slice %arg8[%add3A_61, %dma_start3A_91] : memref<10240x128xf32, #tpu.memory_space<vmem_shared>> -> memref<128x128xf32, #tpu.memory_space<vmem_shared>>
      %dma_start3A_93 = arith.constant 0 : i32
      %dma_start3A_94 = arith.constant 0 : i32
      %dma_start3A_95 = tpu.memref_slice %arg13[%dma_start3A_93, %dma_start3A_94] : memref<128x128xf32, #tpu.memory_space<vmem>> -> memref<128x128xf32, #tpu.memory_space<vmem>>
      %dma_start3A_96 = arith.constant 0 : i32
      %dma_start3A_97 = tpu.memref_slice %arg8[%add3A_61, %dma_start3A_96] : memref<10240x128xf32, #tpu.memory_space<vmem_shared>> -> memref<128x128xf32, #tpu.memory_space<vmem_shared>>
      tpu.enqueue_dma source(%dma_start3A_97 : memref<128x128xf32, #tpu.memory_space<vmem_shared>>) target(%dma_start3A_95 : memref<128x128xf32, #tpu.memory_space<vmem>>) target_semaphore(%run_scoped3A : memref<!tpu.dma_semaphore, #tpu.memory_space<semaphore_mem>>)
      %dma_wait3A_98 = arith.constant 0 : i32
      %dma_wait3A_99 = arith.constant 0 : i32
      %dma_wait3A_100 = tpu.memref_slice %arg13[%dma_wait3A_98, %dma_wait3A_99] : memref<128x128xf32, #tpu.memory_space<vmem>> -> memref<128x128xf32, #tpu.memory_space<vmem>>
      %dma_wait3A_101 = arith.constant 0 : i32
      %dma_wait3A_102 = tpu.memref_slice %arg8[%add3A_61, %dma_wait3A_101] : memref<10240x128xf32, #tpu.memory_space<vmem_shared>> -> memref<128x128xf32, #tpu.memory_space<vmem_shared>>
      %dma_wait3A_103 = arith.constant 0 : i32
      %dma_wait3A_104 = arith.constant 0 : i32
      %dma_wait3A_105 = tpu.memref_slice %arg13[%dma_wait3A_103, %dma_wait3A_104] : memref<128x128xf32, #tpu.memory_space<vmem>> -> memref<128x128xf32, #tpu.memory_space<vmem>>
      %dma_wait3A_106 = arith.constant 0 : i32
      %dma_wait3A_107 = tpu.memref_slice %arg8[%add3A_61, %dma_wait3A_106] : memref<10240x128xf32, #tpu.memory_space<vmem_shared>> -> memref<128x128xf32, #tpu.memory_space<vmem_shared>>
      tpu.wait_dma2 semaphore(%run_scoped3A : memref<!tpu.dma_semaphore, #tpu.memory_space<semaphore_mem>>) src(%dma_wait3A_107 : memref<128x128xf32, #tpu.memory_space<vmem_shared>>) dst(%dma_wait3A_105 : memref<128x128xf32, #tpu.memory_space<vmem>>)
      tpu.yield
    }) : () -> ()
    %mul3A_62 = arith.constant 10240 : i32
    %mul3A_63 = arith.muli %arg0, %mul3A_62 : i32
    %add3A_64 = arith.addi %mul3A_63, %mul3A_4 : i32
    %add3A_65 = arith.constant 128 : i32
    %add3A_66 = arith.addi %add3A_64, %add3A_65 : i32
    "tpu.region"() ({
      %run_scoped3A = tpu.sem_alloc : memref<!tpu.dma_semaphore, #tpu.memory_space<semaphore_mem>>
      %dma_start3A_88 = arith.constant 0 : i32
      %dma_start3A_89 = arith.constant 0 : i32
      %dma_start3A_90 = tpu.memref_slice %arg13[%dma_start3A_88, %dma_start3A_89] : memref<128x128xf32, #tpu.memory_space<vmem>> -> memref<128x128xf32, #tpu.memory_space<vmem>>
      %dma_start3A_91 = arith.constant 0 : i32
      %dma_start3A_92 = tpu.memref_slice %arg7[%add3A_66, %dma_start3A_91] : memref<20480x128xf32, #tpu.memory_space<hbm>> -> memref<128x128xf32, #tpu.memory_space<hbm>>
      %dma_start3A_93 = arith.constant 0 : i32
      %dma_start3A_94 = tpu.memref_slice %arg7[%add3A_66, %dma_start3A_93] : memref<20480x128xf32, #tpu.memory_space<hbm>> -> memref<128x128xf32, #tpu.memory_space<hbm>>
      %dma_start3A_95 = arith.constant 0 : i32
      %dma_start3A_96 = arith.constant 0 : i32
      %dma_start3A_97 = tpu.memref_slice %arg13[%dma_start3A_95, %dma_start3A_96] : memref<128x128xf32, #tpu.memory_space<vmem>> -> memref<128x128xf32, #tpu.memory_space<vmem>>
      tpu.enqueue_dma source(%dma_start3A_97 : memref<128x128xf32, #tpu.memory_space<vmem>>) target(%dma_start3A_94 : memref<128x128xf32, #tpu.memory_space<hbm>>) target_semaphore(%run_scoped3A : memref<!tpu.dma_semaphore, #tpu.memory_space<semaphore_mem>>)
      %dma_wait3A_98 = arith.constant 0 : i32
      %dma_wait3A_99 = arith.constant 0 : i32
      %dma_wait3A_100 = tpu.memref_slice %arg13[%dma_wait3A_98, %dma_wait3A_99] : memref<128x128xf32, #tpu.memory_space<vmem>> -> memref<128x128xf32, #tpu.memory_space<vmem>>
      %dma_wait3A_101 = arith.constant 0 : i32
      %dma_wait3A_102 = tpu.memref_slice %arg7[%add3A_66, %dma_wait3A_101] : memref<20480x128xf32, #tpu.memory_space<hbm>> -> memref<128x128xf32, #tpu.memory_space<hbm>>
      %dma_wait3A_103 = arith.constant 0 : i32
      %dma_wait3A_104 = tpu.memref_slice %arg7[%add3A_66, %dma_wait3A_103] : memref<20480x128xf32, #tpu.memory_space<hbm>> -> memref<128x128xf32, #tpu.memory_space<hbm>>
      %dma_wait3A_105 = arith.constant 0 : i32
      %dma_wait3A_106 = arith.constant 0 : i32
      %dma_wait3A_107 = tpu.memref_slice %arg13[%dma_wait3A_105, %dma_wait3A_106] : memref<128x128xf32, #tpu.memory_space<vmem>> -> memref<128x128xf32, #tpu.memory_space<vmem>>
      tpu.wait_dma2 semaphore(%run_scoped3A : memref<!tpu.dma_semaphore, #tpu.memory_space<semaphore_mem>>) src(%dma_wait3A_107 : memref<128x128xf32, #tpu.memory_space<vmem>>) dst(%dma_wait3A_104 : memref<128x128xf32, #tpu.memory_space<hbm>>)
      tpu.yield
    }) : () -> ()
    %add3A_67 = arith.constant 256 : i32
    %add3A_68 = arith.addi %mul3A_4, %add3A_67 : i32
    "tpu.region"() ({
      %run_scoped3A = tpu.sem_alloc : memref<!tpu.dma_semaphore, #tpu.memory_space<semaphore_mem>>
      %dma_start3A_88 = arith.constant 0 : i32
      %dma_start3A_89 = arith.constant 0 : i32
      %dma_start3A_90 = tpu.memref_slice %arg13[%dma_start3A_88, %dma_start3A_89] : memref<128x128xf32, #tpu.memory_space<vmem>> -> memref<128x128xf32, #tpu.memory_space<vmem>>
      %dma_start3A_91 = arith.constant 0 : i32
      %dma_start3A_92 = tpu.memref_slice %arg8[%add3A_68, %dma_start3A_91] : memref<10240x128xf32, #tpu.memory_space<vmem_shared>> -> memref<128x128xf32, #tpu.memory_space<vmem_shared>>
      %dma_start3A_93 = arith.constant 0 : i32
      %dma_start3A_94 = arith.constant 0 : i32
      %dma_start3A_95 = tpu.memref_slice %arg13[%dma_start3A_93, %dma_start3A_94] : memref<128x128xf32, #tpu.memory_space<vmem>> -> memref<128x128xf32, #tpu.memory_space<vmem>>
      %dma_start3A_96 = arith.constant 0 : i32
      %dma_start3A_97 = tpu.memref_slice %arg8[%add3A_68, %dma_start3A_96] : memref<10240x128xf32, #tpu.memory_space<vmem_shared>> -> memref<128x128xf32, #tpu.memory_space<vmem_shared>>
      tpu.enqueue_dma source(%dma_start3A_97 : memref<128x128xf32, #tpu.memory_space<vmem_shared>>) target(%dma_start3A_95 : memref<128x128xf32, #tpu.memory_space<vmem>>) target_semaphore(%run_scoped3A : memref<!tpu.dma_semaphore, #tpu.memory_space<semaphore_mem>>)
      %dma_wait3A_98 = arith.constant 0 : i32
      %dma_wait3A_99 = arith.constant 0 : i32
      %dma_wait3A_100 = tpu.memref_slice %arg13[%dma_wait3A_98, %dma_wait3A_99] : memref<128x128xf32, #tpu.memory_space<vmem>> -> memref<128x128xf32, #tpu.memory_space<vmem>>
      %dma_wait3A_101 = arith.constant 0 : i32
      %dma_wait3A_102 = tpu.memref_slice %arg8[%add3A_68, %dma_wait3A_101] : memref<10240x128xf32, #tpu.memory_space<vmem_shared>> -> memref<128x128xf32, #tpu.memory_space<vmem_shared>>
      %dma_wait3A_103 = arith.constant 0 : i32
      %dma_wait3A_104 = arith.constant 0 : i32
      %dma_wait3A_105 = tpu.memref_slice %arg13[%dma_wait3A_103, %dma_wait3A_104] : memref<128x128xf32, #tpu.memory_space<vmem>> -> memref<128x128xf32, #tpu.memory_space<vmem>>
      %dma_wait3A_106 = arith.constant 0 : i32
      %dma_wait3A_107 = tpu.memref_slice %arg8[%add3A_68, %dma_wait3A_106] : memref<10240x128xf32, #tpu.memory_space<vmem_shared>> -> memref<128x128xf32, #tpu.memory_space<vmem_shared>>
      tpu.wait_dma2 semaphore(%run_scoped3A : memref<!tpu.dma_semaphore, #tpu.memory_space<semaphore_mem>>) src(%dma_wait3A_107 : memref<128x128xf32, #tpu.memory_space<vmem_shared>>) dst(%dma_wait3A_105 : memref<128x128xf32, #tpu.memory_space<vmem>>)
      tpu.yield
    }) : () -> ()
    %mul3A_69 = arith.constant 10240 : i32
    %mul3A_70 = arith.muli %arg0, %mul3A_69 : i32
    %add3A_71 = arith.addi %mul3A_70, %mul3A_4 : i32
    %add3A_72 = arith.constant 256 : i32
    %add3A_73 = arith.addi %add3A_71, %add3A_72 : i32
    "tpu.region"() ({
      %run_scoped3A = tpu.sem_alloc : memref<!tpu.dma_semaphore, #tpu.memory_space<semaphore_mem>>
      %dma_start3A_88 = arith.constant 0 : i32
      %dma_start3A_89 = arith.constant 0 : i32
      %dma_start3A_90 = tpu.memref_slice %arg13[%dma_start3A_88, %dma_start3A_89] : memref<128x128xf32, #tpu.memory_space<vmem>> -> memref<128x128xf32, #tpu.memory_space<vmem>>
      %dma_start3A_91 = arith.constant 0 : i32
      %dma_start3A_92 = tpu.memref_slice %arg7[%add3A_73, %dma_start3A_91] : memref<20480x128xf32, #tpu.memory_space<hbm>> -> memref<128x128xf32, #tpu.memory_space<hbm>>
      %dma_start3A_93 = arith.constant 0 : i32
      %dma_start3A_94 = tpu.memref_slice %arg7[%add3A_73, %dma_start3A_93] : memref<20480x128xf32, #tpu.memory_space<hbm>> -> memref<128x128xf32, #tpu.memory_space<hbm>>
      %dma_start3A_95 = arith.constant 0 : i32
      %dma_start3A_96 = arith.constant 0 : i32
      %dma_start3A_97 = tpu.memref_slice %arg13[%dma_start3A_95, %dma_start3A_96] : memref<128x128xf32, #tpu.memory_space<vmem>> -> memref<128x128xf32, #tpu.memory_space<vmem>>
      tpu.enqueue_dma source(%dma_start3A_97 : memref<128x128xf32, #tpu.memory_space<vmem>>) target(%dma_start3A_94 : memref<128x128xf32, #tpu.memory_space<hbm>>) target_semaphore(%run_scoped3A : memref<!tpu.dma_semaphore, #tpu.memory_space<semaphore_mem>>)
      %dma_wait3A_98 = arith.constant 0 : i32
      %dma_wait3A_99 = arith.constant 0 : i32
      %dma_wait3A_100 = tpu.memref_slice %arg13[%dma_wait3A_98, %dma_wait3A_99] : memref<128x128xf32, #tpu.memory_space<vmem>> -> memref<128x128xf32, #tpu.memory_space<vmem>>
      %dma_wait3A_101 = arith.constant 0 : i32
      %dma_wait3A_102 = tpu.memref_slice %arg7[%add3A_73, %dma_wait3A_101] : memref<20480x128xf32, #tpu.memory_space<hbm>> -> memref<128x128xf32, #tpu.memory_space<hbm>>
      %dma_wait3A_103 = arith.constant 0 : i32
      %dma_wait3A_104 = tpu.memref_slice %arg7[%add3A_73, %dma_wait3A_103] : memref<20480x128xf32, #tpu.memory_space<hbm>> -> memref<128x128xf32, #tpu.memory_space<hbm>>
      %dma_wait3A_105 = arith.constant 0 : i32
      %dma_wait3A_106 = arith.constant 0 : i32
      %dma_wait3A_107 = tpu.memref_slice %arg13[%dma_wait3A_105, %dma_wait3A_106] : memref<128x128xf32, #tpu.memory_space<vmem>> -> memref<128x128xf32, #tpu.memory_space<vmem>>
      tpu.wait_dma2 semaphore(%run_scoped3A : memref<!tpu.dma_semaphore, #tpu.memory_space<semaphore_mem>>) src(%dma_wait3A_107 : memref<128x128xf32, #tpu.memory_space<vmem>>) dst(%dma_wait3A_104 : memref<128x128xf32, #tpu.memory_space<hbm>>)
      tpu.yield
    }) : () -> ()
    %add3A_74 = arith.constant 384 : i32
    %add3A_75 = arith.addi %mul3A_4, %add3A_74 : i32
    "tpu.region"() ({
      %run_scoped3A = tpu.sem_alloc : memref<!tpu.dma_semaphore, #tpu.memory_space<semaphore_mem>>
      %dma_start3A_88 = arith.constant 0 : i32
      %dma_start3A_89 = arith.constant 0 : i32
      %dma_start3A_90 = tpu.memref_slice %arg13[%dma_start3A_88, %dma_start3A_89] : memref<128x128xf32, #tpu.memory_space<vmem>> -> memref<128x128xf32, #tpu.memory_space<vmem>>
      %dma_start3A_91 = arith.constant 0 : i32
      %dma_start3A_92 = tpu.memref_slice %arg8[%add3A_75, %dma_start3A_91] : memref<10240x128xf32, #tpu.memory_space<vmem_shared>> -> memref<128x128xf32, #tpu.memory_space<vmem_shared>>
      %dma_start3A_93 = arith.constant 0 : i32
      %dma_start3A_94 = arith.constant 0 : i32
      %dma_start3A_95 = tpu.memref_slice %arg13[%dma_start3A_93, %dma_start3A_94] : memref<128x128xf32, #tpu.memory_space<vmem>> -> memref<128x128xf32, #tpu.memory_space<vmem>>
      %dma_start3A_96 = arith.constant 0 : i32
      %dma_start3A_97 = tpu.memref_slice %arg8[%add3A_75, %dma_start3A_96] : memref<10240x128xf32, #tpu.memory_space<vmem_shared>> -> memref<128x128xf32, #tpu.memory_space<vmem_shared>>
      tpu.enqueue_dma source(%dma_start3A_97 : memref<128x128xf32, #tpu.memory_space<vmem_shared>>) target(%dma_start3A_95 : memref<128x128xf32, #tpu.memory_space<vmem>>) target_semaphore(%run_scoped3A : memref<!tpu.dma_semaphore, #tpu.memory_space<semaphore_mem>>)
      %dma_wait3A_98 = arith.constant 0 : i32
      %dma_wait3A_99 = arith.constant 0 : i32
      %dma_wait3A_100 = tpu.memref_slice %arg13[%dma_wait3A_98, %dma_wait3A_99] : memref<128x128xf32, #tpu.memory_space<vmem>> -> memref<128x128xf32, #tpu.memory_space<vmem>>
      %dma_wait3A_101 = arith.constant 0 : i32
      %dma_wait3A_102 = tpu.memref_slice %arg8[%add3A_75, %dma_wait3A_101] : memref<10240x128xf32, #tpu.memory_space<vmem_shared>> -> memref<128x128xf32, #tpu.memory_space<vmem_shared>>
      %dma_wait3A_103 = arith.constant 0 : i32
      %dma_wait3A_104 = arith.constant 0 : i32
      %dma_wait3A_105 = tpu.memref_slice %arg13[%dma_wait3A_103, %dma_wait3A_104] : memref<128x128xf32, #tpu.memory_space<vmem>> -> memref<128x128xf32, #tpu.memory_space<vmem>>
      %dma_wait3A_106 = arith.constant 0 : i32
      %dma_wait3A_107 = tpu.memref_slice %arg8[%add3A_75, %dma_wait3A_106] : memref<10240x128xf32, #tpu.memory_space<vmem_shared>> -> memref<128x128xf32, #tpu.memory_space<vmem_shared>>
      tpu.wait_dma2 semaphore(%run_scoped3A : memref<!tpu.dma_semaphore, #tpu.memory_space<semaphore_mem>>) src(%dma_wait3A_107 : memref<128x128xf32, #tpu.memory_space<vmem_shared>>) dst(%dma_wait3A_105 : memref<128x128xf32, #tpu.memory_space<vmem>>)
      tpu.yield
    }) : () -> ()
    %mul3A_76 = arith.constant 10240 : i32
    %mul3A_77 = arith.muli %arg0, %mul3A_76 : i32
    %add3A_78 = arith.addi %mul3A_77, %mul3A_4 : i32
    %add3A_79 = arith.constant 384 : i32
    %add3A_80 = arith.addi %add3A_78, %add3A_79 : i32
    "tpu.region"() ({
      %run_scoped3A = tpu.sem_alloc : memref<!tpu.dma_semaphore, #tpu.memory_space<semaphore_mem>>
      %dma_start3A_88 = arith.constant 0 : i32
      %dma_start3A_89 = arith.constant 0 : i32
      %dma_start3A_90 = tpu.memref_slice %arg13[%dma_start3A_88, %dma_start3A_89] : memref<128x128xf32, #tpu.memory_space<vmem>> -> memref<128x128xf32, #tpu.memory_space<vmem>>
      %dma_start3A_91 = arith.constant 0 : i32
      %dma_start3A_92 = tpu.memref_slice %arg7[%add3A_80, %dma_start3A_91] : memref<20480x128xf32, #tpu.memory_space<hbm>> -> memref<128x128xf32, #tpu.memory_space<hbm>>
      %dma_start3A_93 = arith.constant 0 : i32
      %dma_start3A_94 = tpu.memref_slice %arg7[%add3A_80, %dma_start3A_93] : memref<20480x128xf32, #tpu.memory_space<hbm>> -> memref<128x128xf32, #tpu.memory_space<hbm>>
      %dma_start3A_95 = arith.constant 0 : i32
      %dma_start3A_96 = arith.constant 0 : i32
      %dma_start3A_97 = tpu.memref_slice %arg13[%dma_start3A_95, %dma_start3A_96] : memref<128x128xf32, #tpu.memory_space<vmem>> -> memref<128x128xf32, #tpu.memory_space<vmem>>
      tpu.enqueue_dma source(%dma_start3A_97 : memref<128x128xf32, #tpu.memory_space<vmem>>) target(%dma_start3A_94 : memref<128x128xf32, #tpu.memory_space<hbm>>) target_semaphore(%run_scoped3A : memref<!tpu.dma_semaphore, #tpu.memory_space<semaphore_mem>>)
      %dma_wait3A_98 = arith.constant 0 : i32
      %dma_wait3A_99 = arith.constant 0 : i32
      %dma_wait3A_100 = tpu.memref_slice %arg13[%dma_wait3A_98, %dma_wait3A_99] : memref<128x128xf32, #tpu.memory_space<vmem>> -> memref<128x128xf32, #tpu.memory_space<vmem>>
      %dma_wait3A_101 = arith.constant 0 : i32
      %dma_wait3A_102 = tpu.memref_slice %arg7[%add3A_80, %dma_wait3A_101] : memref<20480x128xf32, #tpu.memory_space<hbm>> -> memref<128x128xf32, #tpu.memory_space<hbm>>
      %dma_wait3A_103 = arith.constant 0 : i32
      %dma_wait3A_104 = tpu.memref_slice %arg7[%add3A_80, %dma_wait3A_103] : memref<20480x128xf32, #tpu.memory_space<hbm>> -> memref<128x128xf32, #tpu.memory_space<hbm>>
      %dma_wait3A_105 = arith.constant 0 : i32
      %dma_wait3A_106 = arith.constant 0 : i32
      %dma_wait3A_107 = tpu.memref_slice %arg13[%dma_wait3A_105, %dma_wait3A_106] : memref<128x128xf32, #tpu.memory_space<vmem>> -> memref<128x128xf32, #tpu.memory_space<vmem>>
      tpu.wait_dma2 semaphore(%run_scoped3A : memref<!tpu.dma_semaphore, #tpu.memory_space<semaphore_mem>>) src(%dma_wait3A_107 : memref<128x128xf32, #tpu.memory_space<vmem>>) dst(%dma_wait3A_104 : memref<128x128xf32, #tpu.memory_space<hbm>>)
      tpu.yield
    }) : () -> ()
    %add3A_81 = arith.constant 512 : i32
    %add3A_82 = arith.addi %mul3A_4, %add3A_81 : i32
    "tpu.region"() ({
      %run_scoped3A = tpu.sem_alloc : memref<!tpu.dma_semaphore, #tpu.memory_space<semaphore_mem>>
      %dma_start3A_88 = arith.constant 0 : i32
      %dma_start3A_89 = arith.constant 0 : i32
      %dma_start3A_90 = tpu.memref_slice %arg13[%dma_start3A_88, %dma_start3A_89] : memref<128x128xf32, #tpu.memory_space<vmem>> -> memref<128x128xf32, #tpu.memory_space<vmem>>
      %dma_start3A_91 = arith.constant 0 : i32
      %dma_start3A_92 = tpu.memref_slice %arg8[%add3A_82, %dma_start3A_91] : memref<10240x128xf32, #tpu.memory_space<vmem_shared>> -> memref<128x128xf32, #tpu.memory_space<vmem_shared>>
      %dma_start3A_93 = arith.constant 0 : i32
      %dma_start3A_94 = arith.constant 0 : i32
      %dma_start3A_95 = tpu.memref_slice %arg13[%dma_start3A_93, %dma_start3A_94] : memref<128x128xf32, #tpu.memory_space<vmem>> -> memref<128x128xf32, #tpu.memory_space<vmem>>
      %dma_start3A_96 = arith.constant 0 : i32
      %dma_start3A_97 = tpu.memref_slice %arg8[%add3A_82, %dma_start3A_96] : memref<10240x128xf32, #tpu.memory_space<vmem_shared>> -> memref<128x128xf32, #tpu.memory_space<vmem_shared>>
      tpu.enqueue_dma source(%dma_start3A_97 : memref<128x128xf32, #tpu.memory_space<vmem_shared>>) target(%dma_start3A_95 : memref<128x128xf32, #tpu.memory_space<vmem>>) target_semaphore(%run_scoped3A : memref<!tpu.dma_semaphore, #tpu.memory_space<semaphore_mem>>)
      %dma_wait3A_98 = arith.constant 0 : i32
      %dma_wait3A_99 = arith.constant 0 : i32
      %dma_wait3A_100 = tpu.memref_slice %arg13[%dma_wait3A_98, %dma_wait3A_99] : memref<128x128xf32, #tpu.memory_space<vmem>> -> memref<128x128xf32, #tpu.memory_space<vmem>>
      %dma_wait3A_101 = arith.constant 0 : i32
      %dma_wait3A_102 = tpu.memref_slice %arg8[%add3A_82, %dma_wait3A_101] : memref<10240x128xf32, #tpu.memory_space<vmem_shared>> -> memref<128x128xf32, #tpu.memory_space<vmem_shared>>
      %dma_wait3A_103 = arith.constant 0 : i32
      %dma_wait3A_104 = arith.constant 0 : i32
      %dma_wait3A_105 = tpu.memref_slice %arg13[%dma_wait3A_103, %dma_wait3A_104] : memref<128x128xf32, #tpu.memory_space<vmem>> -> memref<128x128xf32, #tpu.memory_space<vmem>>
      %dma_wait3A_106 = arith.constant 0 : i32
      %dma_wait3A_107 = tpu.memref_slice %arg8[%add3A_82, %dma_wait3A_106] : memref<10240x128xf32, #tpu.memory_space<vmem_shared>> -> memref<128x128xf32, #tpu.memory_space<vmem_shared>>
      tpu.wait_dma2 semaphore(%run_scoped3A : memref<!tpu.dma_semaphore, #tpu.memory_space<semaphore_mem>>) src(%dma_wait3A_107 : memref<128x128xf32, #tpu.memory_space<vmem_shared>>) dst(%dma_wait3A_105 : memref<128x128xf32, #tpu.memory_space<vmem>>)
      tpu.yield
    }) : () -> ()
    %mul3A_83 = arith.constant 10240 : i32
    %mul3A_84 = arith.muli %arg0, %mul3A_83 : i32
    %add3A_85 = arith.addi %mul3A_84, %mul3A_4 : i32
    %add3A_86 = arith.constant 512 : i32
    %add3A_87 = arith.addi %add3A_85, %add3A_86 : i32
    "tpu.region"() ({
      %run_scoped3A = tpu.sem_alloc : memref<!tpu.dma_semaphore, #tpu.memory_space<semaphore_mem>>
      %dma_start3A_88 = arith.constant 0 : i32
      %dma_start3A_89 = arith.constant 0 : i32
      %dma_start3A_90 = tpu.memref_slice %arg13[%dma_start3A_88, %dma_start3A_89] : memref<128x128xf32, #tpu.memory_space<vmem>> -> memref<128x128xf32, #tpu.memory_space<vmem>>
      %dma_start3A_91 = arith.constant 0 : i32
      %dma_start3A_92 = tpu.memref_slice %arg7[%add3A_87, %dma_start3A_91] : memref<20480x128xf32, #tpu.memory_space<hbm>> -> memref<128x128xf32, #tpu.memory_space<hbm>>
      %dma_start3A_93 = arith.constant 0 : i32
      %dma_start3A_94 = tpu.memref_slice %arg7[%add3A_87, %dma_start3A_93] : memref<20480x128xf32, #tpu.memory_space<hbm>> -> memref<128x128xf32, #tpu.memory_space<hbm>>
      %dma_start3A_95 = arith.constant 0 : i32
      %dma_start3A_96 = arith.constant 0 : i32
      %dma_start3A_97 = tpu.memref_slice %arg13[%dma_start3A_95, %dma_start3A_96] : memref<128x128xf32, #tpu.memory_space<vmem>> -> memref<128x128xf32, #tpu.memory_space<vmem>>
      tpu.enqueue_dma source(%dma_start3A_97 : memref<128x128xf32, #tpu.memory_space<vmem>>) target(%dma_start3A_94 : memref<128x128xf32, #tpu.memory_space<hbm>>) target_semaphore(%run_scoped3A : memref<!tpu.dma_semaphore, #tpu.memory_space<semaphore_mem>>)
      %dma_wait3A_98 = arith.constant 0 : i32
      %dma_wait3A_99 = arith.constant 0 : i32
      %dma_wait3A_100 = tpu.memref_slice %arg13[%dma_wait3A_98, %dma_wait3A_99] : memref<128x128xf32, #tpu.memory_space<vmem>> -> memref<128x128xf32, #tpu.memory_space<vmem>>
      %dma_wait3A_101 = arith.constant 0 : i32
      %dma_wait3A_102 = tpu.memref_slice %arg7[%add3A_87, %dma_wait3A_101] : memref<20480x128xf32, #tpu.memory_space<hbm>> -> memref<128x128xf32, #tpu.memory_space<hbm>>
      %dma_wait3A_103 = arith.constant 0 : i32
      %dma_wait3A_104 = tpu.memref_slice %arg7[%add3A_87, %dma_wait3A_103] : memref<20480x128xf32, #tpu.memory_space<hbm>> -> memref<128x128xf32, #tpu.memory_space<hbm>>
      %dma_wait3A_105 = arith.constant 0 : i32
      %dma_wait3A_106 = arith.constant 0 : i32
      %dma_wait3A_107 = tpu.memref_slice %arg13[%dma_wait3A_105, %dma_wait3A_106] : memref<128x128xf32, #tpu.memory_space<vmem>> -> memref<128x128xf32, #tpu.memory_space<vmem>>
      tpu.wait_dma2 semaphore(%run_scoped3A : memref<!tpu.dma_semaphore, #tpu.memory_space<semaphore_mem>>) src(%dma_wait3A_107 : memref<128x128xf32, #tpu.memory_space<vmem>>) dst(%dma_wait3A_104 : memref<128x128xf32, #tpu.memory_space<hbm>>)
      tpu.yield
    }) : () -> ()
    return
  }
}

#map = affine_map<(d0, d1) -> (0)>
#map1 = affine_map<(d0, d1) -> (0, 0)>
module attributes {stable_mosaic.version = 14 : i64} {
  func.func @cntk(%arg0: i32, %arg1: i32, %arg2: memref<323712xi32, #tpu.memory_space<hbm>>, %arg3: memref<128x128xf32, #tpu.memory_space<hbm>>, %arg4: memref<128x128xf32, #tpu.memory_space<hbm>>, %arg5: memref<128xi32, #tpu.memory_space<hbm>>, %arg6: memref<20480x128xf32, #tpu.memory_space<hbm>>, %arg7: memref<10240x128xf32, #tpu.memory_space<vmem_shared>>, %arg8: memref<128xi32, #tpu.memory_space<vmem>>, %arg9: memref<128x128xf32, #tpu.memory_space<vmem>>, %arg10: memref<128x128xf32, #tpu.memory_space<vmem>>) attributes {dimension_semantics = [#tpu.dimension_semantics<core_parallel>, #tpu.dimension_semantics<subcore_parallel>], iteration_bounds = array<i64: 2, 16>, scalar_prefetch = 0 : i64, scratch_operands = 4 : i64, tpu.core_type = #tpu.core_type<sc_vector_subcore>, window_params = [{transform_indices = #map}, {transform_indices = #map1}, {transform_indices = #map1}, {transform_indices = #map}, {transform_indices = #map1}]} {
    %mul3A = arith.constant 2 : i32
    %mul3A_0 = arith.muli %arg1, %mul3A : i32
    %add3A = arith.addi %mul3A_0, %arg0 : i32
    %mul3A_1 = arith.constant 10112 : i32
    %mul3A_2 = arith.muli %add3A, %mul3A_1 : i32
    %mul3A_3 = arith.constant 640 : i32
    %mul3A_4 = arith.muli %arg1, %mul3A_3 : i32
    "tpu.region"() ({
      %run_scoped3A = tpu.sem_alloc : memref<!tpu.dma_semaphore, #tpu.memory_space<semaphore_mem>>
      tpu.enqueue_dma source(%arg3 : memref<128x128xf32, #tpu.memory_space<hbm>>) target(%arg10 : memref<128x128xf32, #tpu.memory_space<vmem>>) target_semaphore(%run_scoped3A : memref<!tpu.dma_semaphore, #tpu.memory_space<semaphore_mem>>)
      tpu.wait_dma2 semaphore(%run_scoped3A : memref<!tpu.dma_semaphore, #tpu.memory_space<semaphore_mem>>) src(%arg3 : memref<128x128xf32, #tpu.memory_space<hbm>>) dst(%arg10 : memref<128x128xf32, #tpu.memory_space<vmem>>)
      tpu.yield
    }) : () -> ()
    %add3A_5 = arith.constant 0 : i32
    %add3A_6 = arith.addi %mul3A_4, %add3A_5 : i32
    "tpu.region"() ({
      %run_scoped3A = tpu.sem_alloc : memref<!tpu.dma_semaphore, #tpu.memory_space<semaphore_mem>>
      %dma_start3A = arith.constant 0 : i32
      %dma_start3A_56 = arith.constant 0 : i32
      %dma_start3A_57 = tpu.memref_slice %arg10[%dma_start3A, %dma_start3A_56] : memref<128x128xf32, #tpu.memory_space<vmem>> -> memref<128x128xf32, #tpu.memory_space<vmem>>
      %dma_start3A_58 = arith.constant 0 : i32
      %dma_start3A_59 = tpu.memref_slice %arg7[%add3A_6, %dma_start3A_58] : memref<10240x128xf32, #tpu.memory_space<vmem_shared>> -> memref<128x128xf32, #tpu.memory_space<vmem_shared>>
      %dma_start3A_60 = arith.constant 0 : i32
      %dma_start3A_61 = tpu.memref_slice %arg7[%add3A_6, %dma_start3A_60] : memref<10240x128xf32, #tpu.memory_space<vmem_shared>> -> memref<128x128xf32, #tpu.memory_space<vmem_shared>>
      %dma_start3A_62 = arith.constant 0 : i32
      %dma_start3A_63 = arith.constant 0 : i32
      %dma_start3A_64 = tpu.memref_slice %arg10[%dma_start3A_62, %dma_start3A_63] : memref<128x128xf32, #tpu.memory_space<vmem>> -> memref<128x128xf32, #tpu.memory_space<vmem>>
      tpu.enqueue_dma source(%dma_start3A_64 : memref<128x128xf32, #tpu.memory_space<vmem>>) target(%dma_start3A_61 : memref<128x128xf32, #tpu.memory_space<vmem_shared>>) target_semaphore(%run_scoped3A : memref<!tpu.dma_semaphore, #tpu.memory_space<semaphore_mem>>)
      %dma_wait3A = arith.constant 0 : i32
      %dma_wait3A_65 = arith.constant 0 : i32
      %dma_wait3A_66 = tpu.memref_slice %arg10[%dma_wait3A, %dma_wait3A_65] : memref<128x128xf32, #tpu.memory_space<vmem>> -> memref<128x128xf32, #tpu.memory_space<vmem>>
      %dma_wait3A_67 = arith.constant 0 : i32
      %dma_wait3A_68 = tpu.memref_slice %arg7[%add3A_6, %dma_wait3A_67] : memref<10240x128xf32, #tpu.memory_space<vmem_shared>> -> memref<128x128xf32, #tpu.memory_space<vmem_shared>>
      %dma_wait3A_69 = arith.constant 0 : i32
      %dma_wait3A_70 = tpu.memref_slice %arg7[%add3A_6, %dma_wait3A_69] : memref<10240x128xf32, #tpu.memory_space<vmem_shared>> -> memref<128x128xf32, #tpu.memory_space<vmem_shared>>
      %dma_wait3A_71 = arith.constant 0 : i32
      %dma_wait3A_72 = arith.constant 0 : i32
      %dma_wait3A_73 = tpu.memref_slice %arg10[%dma_wait3A_71, %dma_wait3A_72] : memref<128x128xf32, #tpu.memory_space<vmem>> -> memref<128x128xf32, #tpu.memory_space<vmem>>
      tpu.wait_dma2 semaphore(%run_scoped3A : memref<!tpu.dma_semaphore, #tpu.memory_space<semaphore_mem>>) src(%dma_wait3A_73 : memref<128x128xf32, #tpu.memory_space<vmem>>) dst(%dma_wait3A_70 : memref<128x128xf32, #tpu.memory_space<vmem_shared>>)
      tpu.yield
    }) : () -> ()
    %add3A_7 = arith.constant 128 : i32
    %add3A_8 = arith.addi %mul3A_4, %add3A_7 : i32
    "tpu.region"() ({
      %run_scoped3A = tpu.sem_alloc : memref<!tpu.dma_semaphore, #tpu.memory_space<semaphore_mem>>
      %dma_start3A = arith.constant 0 : i32
      %dma_start3A_56 = arith.constant 0 : i32
      %dma_start3A_57 = tpu.memref_slice %arg10[%dma_start3A, %dma_start3A_56] : memref<128x128xf32, #tpu.memory_space<vmem>> -> memref<128x128xf32, #tpu.memory_space<vmem>>
      %dma_start3A_58 = arith.constant 0 : i32
      %dma_start3A_59 = tpu.memref_slice %arg7[%add3A_8, %dma_start3A_58] : memref<10240x128xf32, #tpu.memory_space<vmem_shared>> -> memref<128x128xf32, #tpu.memory_space<vmem_shared>>
      %dma_start3A_60 = arith.constant 0 : i32
      %dma_start3A_61 = tpu.memref_slice %arg7[%add3A_8, %dma_start3A_60] : memref<10240x128xf32, #tpu.memory_space<vmem_shared>> -> memref<128x128xf32, #tpu.memory_space<vmem_shared>>
      %dma_start3A_62 = arith.constant 0 : i32
      %dma_start3A_63 = arith.constant 0 : i32
      %dma_start3A_64 = tpu.memref_slice %arg10[%dma_start3A_62, %dma_start3A_63] : memref<128x128xf32, #tpu.memory_space<vmem>> -> memref<128x128xf32, #tpu.memory_space<vmem>>
      tpu.enqueue_dma source(%dma_start3A_64 : memref<128x128xf32, #tpu.memory_space<vmem>>) target(%dma_start3A_61 : memref<128x128xf32, #tpu.memory_space<vmem_shared>>) target_semaphore(%run_scoped3A : memref<!tpu.dma_semaphore, #tpu.memory_space<semaphore_mem>>)
      %dma_wait3A = arith.constant 0 : i32
      %dma_wait3A_65 = arith.constant 0 : i32
      %dma_wait3A_66 = tpu.memref_slice %arg10[%dma_wait3A, %dma_wait3A_65] : memref<128x128xf32, #tpu.memory_space<vmem>> -> memref<128x128xf32, #tpu.memory_space<vmem>>
      %dma_wait3A_67 = arith.constant 0 : i32
      %dma_wait3A_68 = tpu.memref_slice %arg7[%add3A_8, %dma_wait3A_67] : memref<10240x128xf32, #tpu.memory_space<vmem_shared>> -> memref<128x128xf32, #tpu.memory_space<vmem_shared>>
      %dma_wait3A_69 = arith.constant 0 : i32
      %dma_wait3A_70 = tpu.memref_slice %arg7[%add3A_8, %dma_wait3A_69] : memref<10240x128xf32, #tpu.memory_space<vmem_shared>> -> memref<128x128xf32, #tpu.memory_space<vmem_shared>>
      %dma_wait3A_71 = arith.constant 0 : i32
      %dma_wait3A_72 = arith.constant 0 : i32
      %dma_wait3A_73 = tpu.memref_slice %arg10[%dma_wait3A_71, %dma_wait3A_72] : memref<128x128xf32, #tpu.memory_space<vmem>> -> memref<128x128xf32, #tpu.memory_space<vmem>>
      tpu.wait_dma2 semaphore(%run_scoped3A : memref<!tpu.dma_semaphore, #tpu.memory_space<semaphore_mem>>) src(%dma_wait3A_73 : memref<128x128xf32, #tpu.memory_space<vmem>>) dst(%dma_wait3A_70 : memref<128x128xf32, #tpu.memory_space<vmem_shared>>)
      tpu.yield
    }) : () -> ()
    %add3A_9 = arith.constant 256 : i32
    %add3A_10 = arith.addi %mul3A_4, %add3A_9 : i32
    "tpu.region"() ({
      %run_scoped3A = tpu.sem_alloc : memref<!tpu.dma_semaphore, #tpu.memory_space<semaphore_mem>>
      %dma_start3A = arith.constant 0 : i32
      %dma_start3A_56 = arith.constant 0 : i32
      %dma_start3A_57 = tpu.memref_slice %arg10[%dma_start3A, %dma_start3A_56] : memref<128x128xf32, #tpu.memory_space<vmem>> -> memref<128x128xf32, #tpu.memory_space<vmem>>
      %dma_start3A_58 = arith.constant 0 : i32
      %dma_start3A_59 = tpu.memref_slice %arg7[%add3A_10, %dma_start3A_58] : memref<10240x128xf32, #tpu.memory_space<vmem_shared>> -> memref<128x128xf32, #tpu.memory_space<vmem_shared>>
      %dma_start3A_60 = arith.constant 0 : i32
      %dma_start3A_61 = tpu.memref_slice %arg7[%add3A_10, %dma_start3A_60] : memref<10240x128xf32, #tpu.memory_space<vmem_shared>> -> memref<128x128xf32, #tpu.memory_space<vmem_shared>>
      %dma_start3A_62 = arith.constant 0 : i32
      %dma_start3A_63 = arith.constant 0 : i32
      %dma_start3A_64 = tpu.memref_slice %arg10[%dma_start3A_62, %dma_start3A_63] : memref<128x128xf32, #tpu.memory_space<vmem>> -> memref<128x128xf32, #tpu.memory_space<vmem>>
      tpu.enqueue_dma source(%dma_start3A_64 : memref<128x128xf32, #tpu.memory_space<vmem>>) target(%dma_start3A_61 : memref<128x128xf32, #tpu.memory_space<vmem_shared>>) target_semaphore(%run_scoped3A : memref<!tpu.dma_semaphore, #tpu.memory_space<semaphore_mem>>)
      %dma_wait3A = arith.constant 0 : i32
      %dma_wait3A_65 = arith.constant 0 : i32
      %dma_wait3A_66 = tpu.memref_slice %arg10[%dma_wait3A, %dma_wait3A_65] : memref<128x128xf32, #tpu.memory_space<vmem>> -> memref<128x128xf32, #tpu.memory_space<vmem>>
      %dma_wait3A_67 = arith.constant 0 : i32
      %dma_wait3A_68 = tpu.memref_slice %arg7[%add3A_10, %dma_wait3A_67] : memref<10240x128xf32, #tpu.memory_space<vmem_shared>> -> memref<128x128xf32, #tpu.memory_space<vmem_shared>>
      %dma_wait3A_69 = arith.constant 0 : i32
      %dma_wait3A_70 = tpu.memref_slice %arg7[%add3A_10, %dma_wait3A_69] : memref<10240x128xf32, #tpu.memory_space<vmem_shared>> -> memref<128x128xf32, #tpu.memory_space<vmem_shared>>
      %dma_wait3A_71 = arith.constant 0 : i32
      %dma_wait3A_72 = arith.constant 0 : i32
      %dma_wait3A_73 = tpu.memref_slice %arg10[%dma_wait3A_71, %dma_wait3A_72] : memref<128x128xf32, #tpu.memory_space<vmem>> -> memref<128x128xf32, #tpu.memory_space<vmem>>
      tpu.wait_dma2 semaphore(%run_scoped3A : memref<!tpu.dma_semaphore, #tpu.memory_space<semaphore_mem>>) src(%dma_wait3A_73 : memref<128x128xf32, #tpu.memory_space<vmem>>) dst(%dma_wait3A_70 : memref<128x128xf32, #tpu.memory_space<vmem_shared>>)
      tpu.yield
    }) : () -> ()
    %add3A_11 = arith.constant 384 : i32
    %add3A_12 = arith.addi %mul3A_4, %add3A_11 : i32
    "tpu.region"() ({
      %run_scoped3A = tpu.sem_alloc : memref<!tpu.dma_semaphore, #tpu.memory_space<semaphore_mem>>
      %dma_start3A = arith.constant 0 : i32
      %dma_start3A_56 = arith.constant 0 : i32
      %dma_start3A_57 = tpu.memref_slice %arg10[%dma_start3A, %dma_start3A_56] : memref<128x128xf32, #tpu.memory_space<vmem>> -> memref<128x128xf32, #tpu.memory_space<vmem>>
      %dma_start3A_58 = arith.constant 0 : i32
      %dma_start3A_59 = tpu.memref_slice %arg7[%add3A_12, %dma_start3A_58] : memref<10240x128xf32, #tpu.memory_space<vmem_shared>> -> memref<128x128xf32, #tpu.memory_space<vmem_shared>>
      %dma_start3A_60 = arith.constant 0 : i32
      %dma_start3A_61 = tpu.memref_slice %arg7[%add3A_12, %dma_start3A_60] : memref<10240x128xf32, #tpu.memory_space<vmem_shared>> -> memref<128x128xf32, #tpu.memory_space<vmem_shared>>
      %dma_start3A_62 = arith.constant 0 : i32
      %dma_start3A_63 = arith.constant 0 : i32
      %dma_start3A_64 = tpu.memref_slice %arg10[%dma_start3A_62, %dma_start3A_63] : memref<128x128xf32, #tpu.memory_space<vmem>> -> memref<128x128xf32, #tpu.memory_space<vmem>>
      tpu.enqueue_dma source(%dma_start3A_64 : memref<128x128xf32, #tpu.memory_space<vmem>>) target(%dma_start3A_61 : memref<128x128xf32, #tpu.memory_space<vmem_shared>>) target_semaphore(%run_scoped3A : memref<!tpu.dma_semaphore, #tpu.memory_space<semaphore_mem>>)
      %dma_wait3A = arith.constant 0 : i32
      %dma_wait3A_65 = arith.constant 0 : i32
      %dma_wait3A_66 = tpu.memref_slice %arg10[%dma_wait3A, %dma_wait3A_65] : memref<128x128xf32, #tpu.memory_space<vmem>> -> memref<128x128xf32, #tpu.memory_space<vmem>>
      %dma_wait3A_67 = arith.constant 0 : i32
      %dma_wait3A_68 = tpu.memref_slice %arg7[%add3A_12, %dma_wait3A_67] : memref<10240x128xf32, #tpu.memory_space<vmem_shared>> -> memref<128x128xf32, #tpu.memory_space<vmem_shared>>
      %dma_wait3A_69 = arith.constant 0 : i32
      %dma_wait3A_70 = tpu.memref_slice %arg7[%add3A_12, %dma_wait3A_69] : memref<10240x128xf32, #tpu.memory_space<vmem_shared>> -> memref<128x128xf32, #tpu.memory_space<vmem_shared>>
      %dma_wait3A_71 = arith.constant 0 : i32
      %dma_wait3A_72 = arith.constant 0 : i32
      %dma_wait3A_73 = tpu.memref_slice %arg10[%dma_wait3A_71, %dma_wait3A_72] : memref<128x128xf32, #tpu.memory_space<vmem>> -> memref<128x128xf32, #tpu.memory_space<vmem>>
      tpu.wait_dma2 semaphore(%run_scoped3A : memref<!tpu.dma_semaphore, #tpu.memory_space<semaphore_mem>>) src(%dma_wait3A_73 : memref<128x128xf32, #tpu.memory_space<vmem>>) dst(%dma_wait3A_70 : memref<128x128xf32, #tpu.memory_space<vmem_shared>>)
      tpu.yield
    }) : () -> ()
    %add3A_13 = arith.constant 512 : i32
    %add3A_14 = arith.addi %mul3A_4, %add3A_13 : i32
    "tpu.region"() ({
      %run_scoped3A = tpu.sem_alloc : memref<!tpu.dma_semaphore, #tpu.memory_space<semaphore_mem>>
      %dma_start3A = arith.constant 0 : i32
      %dma_start3A_56 = arith.constant 0 : i32
      %dma_start3A_57 = tpu.memref_slice %arg10[%dma_start3A, %dma_start3A_56] : memref<128x128xf32, #tpu.memory_space<vmem>> -> memref<128x128xf32, #tpu.memory_space<vmem>>
      %dma_start3A_58 = arith.constant 0 : i32
      %dma_start3A_59 = tpu.memref_slice %arg7[%add3A_14, %dma_start3A_58] : memref<10240x128xf32, #tpu.memory_space<vmem_shared>> -> memref<128x128xf32, #tpu.memory_space<vmem_shared>>
      %dma_start3A_60 = arith.constant 0 : i32
      %dma_start3A_61 = tpu.memref_slice %arg7[%add3A_14, %dma_start3A_60] : memref<10240x128xf32, #tpu.memory_space<vmem_shared>> -> memref<128x128xf32, #tpu.memory_space<vmem_shared>>
      %dma_start3A_62 = arith.constant 0 : i32
      %dma_start3A_63 = arith.constant 0 : i32
      %dma_start3A_64 = tpu.memref_slice %arg10[%dma_start3A_62, %dma_start3A_63] : memref<128x128xf32, #tpu.memory_space<vmem>> -> memref<128x128xf32, #tpu.memory_space<vmem>>
      tpu.enqueue_dma source(%dma_start3A_64 : memref<128x128xf32, #tpu.memory_space<vmem>>) target(%dma_start3A_61 : memref<128x128xf32, #tpu.memory_space<vmem_shared>>) target_semaphore(%run_scoped3A : memref<!tpu.dma_semaphore, #tpu.memory_space<semaphore_mem>>)
      %dma_wait3A = arith.constant 0 : i32
      %dma_wait3A_65 = arith.constant 0 : i32
      %dma_wait3A_66 = tpu.memref_slice %arg10[%dma_wait3A, %dma_wait3A_65] : memref<128x128xf32, #tpu.memory_space<vmem>> -> memref<128x128xf32, #tpu.memory_space<vmem>>
      %dma_wait3A_67 = arith.constant 0 : i32
      %dma_wait3A_68 = tpu.memref_slice %arg7[%add3A_14, %dma_wait3A_67] : memref<10240x128xf32, #tpu.memory_space<vmem_shared>> -> memref<128x128xf32, #tpu.memory_space<vmem_shared>>
      %dma_wait3A_69 = arith.constant 0 : i32
      %dma_wait3A_70 = tpu.memref_slice %arg7[%add3A_14, %dma_wait3A_69] : memref<10240x128xf32, #tpu.memory_space<vmem_shared>> -> memref<128x128xf32, #tpu.memory_space<vmem_shared>>
      %dma_wait3A_71 = arith.constant 0 : i32
      %dma_wait3A_72 = arith.constant 0 : i32
      %dma_wait3A_73 = tpu.memref_slice %arg10[%dma_wait3A_71, %dma_wait3A_72] : memref<128x128xf32, #tpu.memory_space<vmem>> -> memref<128x128xf32, #tpu.memory_space<vmem>>
      tpu.wait_dma2 semaphore(%run_scoped3A : memref<!tpu.dma_semaphore, #tpu.memory_space<semaphore_mem>>) src(%dma_wait3A_73 : memref<128x128xf32, #tpu.memory_space<vmem>>) dst(%dma_wait3A_70 : memref<128x128xf32, #tpu.memory_space<vmem_shared>>)
      tpu.yield
    }) : () -> ()
    "tpu.region"() ({
      %run_scoped3A = tpu.sem_alloc : memref<!tpu.dma_semaphore, #tpu.memory_space<semaphore_mem>>
      tpu.enqueue_dma source(%arg4 : memref<128x128xf32, #tpu.memory_space<hbm>>) target(%arg9 : memref<128x128xf32, #tpu.memory_space<vmem>>) target_semaphore(%run_scoped3A : memref<!tpu.dma_semaphore, #tpu.memory_space<semaphore_mem>>)
      tpu.wait_dma2 semaphore(%run_scoped3A : memref<!tpu.dma_semaphore, #tpu.memory_space<semaphore_mem>>) src(%arg4 : memref<128x128xf32, #tpu.memory_space<hbm>>) dst(%arg9 : memref<128x128xf32, #tpu.memory_space<vmem>>)
      tpu.yield
    }) : () -> ()
    %barrier3A = arith.constant 0 : index
    tpu.barrier barrier_id(%barrier3A)
    %scan3A = arith.constant 0 : i32
    %scan3A_15 = arith.constant 0 : i32
    %scan3A_16 = arith.constant 79 : i32
    %scan3A_17 = arith.addi %scan3A_15, %scan3A_16 : i32
    %scan3A_18 = arith.constant 1 : i32
    scf.for %scan3A_56 = %scan3A_15 to %scan3A_17 step %scan3A_18  : i32 {
      %mul3A_57 = arith.constant 128 : i32
      %mul3A_58 = arith.muli %scan3A_56, %mul3A_57 : i32
      %add3A_59 = arith.addi %mul3A_2, %mul3A_58 : i32
      "tpu.region"() ({
        %run_scoped3A = tpu.sem_alloc : memref<!tpu.dma_semaphore, #tpu.memory_space<semaphore_mem>>
        %dma_start3A = tpu.memref_slice %arg2[%add3A_59] : memref<323712xi32, #tpu.memory_space<hbm>> -> memref<128xi32, #tpu.memory_space<hbm>>
        %dma_start3A_60 = tpu.memref_slice %arg2[%add3A_59] : memref<323712xi32, #tpu.memory_space<hbm>> -> memref<128xi32, #tpu.memory_space<hbm>>
        tpu.enqueue_dma source(%dma_start3A_60 : memref<128xi32, #tpu.memory_space<hbm>>) target(%arg8 : memref<128xi32, #tpu.memory_space<vmem>>) target_semaphore(%run_scoped3A : memref<!tpu.dma_semaphore, #tpu.memory_space<semaphore_mem>>)
        %dma_wait3A = tpu.memref_slice %arg2[%add3A_59] : memref<323712xi32, #tpu.memory_space<hbm>> -> memref<128xi32, #tpu.memory_space<hbm>>
        %dma_wait3A_61 = tpu.memref_slice %arg2[%add3A_59] : memref<323712xi32, #tpu.memory_space<hbm>> -> memref<128xi32, #tpu.memory_space<hbm>>
        tpu.wait_dma2 semaphore(%run_scoped3A : memref<!tpu.dma_semaphore, #tpu.memory_space<semaphore_mem>>) src(%dma_wait3A_61 : memref<128xi32, #tpu.memory_space<hbm>>) dst(%arg8 : memref<128xi32, #tpu.memory_space<vmem>>)
        tpu.yield
      }) : () -> ()
      "tpu.region"() ({
        %run_scoped3A = tpu.sem_alloc : memref<!tpu.dma_semaphore, #tpu.memory_space<semaphore_mem>>
        %dma_start3A = arith.constant 0 : i32
        %dma_start3A_60 = arith.constant 0 : i32
        %dma_start3A_61 = tpu.memref_slice %arg7[%dma_start3A, %dma_start3A_60] : memref<10240x128xf32, #tpu.memory_space<vmem_shared>> -> memref<10240x128xf32, #tpu.memory_space<vmem_shared>>
        tpu.enqueue_indirect_dma source(%arg9 : memref<128x128xf32, #tpu.memory_space<vmem>>) target(%dma_start3A_61 : memref<10240x128xf32, #tpu.memory_space<vmem_shared>>) offsets(%arg8 : memref<128xi32, #tpu.memory_space<vmem>>) semaphore(%run_scoped3A : memref<!tpu.dma_semaphore, #tpu.memory_space<semaphore_mem>>) {add = true}
        %dma_wait3A = arith.constant 0 : i32
        %dma_wait3A_62 = arith.constant 0 : i32
        %dma_wait3A_63 = tpu.memref_slice %arg7[%dma_wait3A, %dma_wait3A_62] : memref<10240x128xf32, #tpu.memory_space<vmem_shared>> -> memref<10240x128xf32, #tpu.memory_space<vmem_shared>>
        tpu.wait_indirect_dma semaphore(%run_scoped3A : memref<!tpu.dma_semaphore, #tpu.memory_space<semaphore_mem>>) src(%arg9 : memref<128x128xf32, #tpu.memory_space<vmem>>) dst(%dma_wait3A_63 : memref<10240x128xf32, #tpu.memory_space<vmem_shared>>)
        tpu.yield
      }) : () -> ()
    }
    %scan3A_19 = arith.constant 79 : i32
    %barrier3A_20 = arith.constant 0 : index
    tpu.barrier barrier_id(%barrier3A_20)
    %add3A_21 = arith.constant 0 : i32
    %add3A_22 = arith.addi %mul3A_4, %add3A_21 : i32
    "tpu.region"() ({
      %run_scoped3A = tpu.sem_alloc : memref<!tpu.dma_semaphore, #tpu.memory_space<semaphore_mem>>
      %dma_start3A = arith.constant 0 : i32
      %dma_start3A_56 = arith.constant 0 : i32
      %dma_start3A_57 = tpu.memref_slice %arg10[%dma_start3A, %dma_start3A_56] : memref<128x128xf32, #tpu.memory_space<vmem>> -> memref<128x128xf32, #tpu.memory_space<vmem>>
      %dma_start3A_58 = arith.constant 0 : i32
      %dma_start3A_59 = tpu.memref_slice %arg7[%add3A_22, %dma_start3A_58] : memref<10240x128xf32, #tpu.memory_space<vmem_shared>> -> memref<128x128xf32, #tpu.memory_space<vmem_shared>>
      %dma_start3A_60 = arith.constant 0 : i32
      %dma_start3A_61 = arith.constant 0 : i32
      %dma_start3A_62 = tpu.memref_slice %arg10[%dma_start3A_60, %dma_start3A_61] : memref<128x128xf32, #tpu.memory_space<vmem>> -> memref<128x128xf32, #tpu.memory_space<vmem>>
      %dma_start3A_63 = arith.constant 0 : i32
      %dma_start3A_64 = tpu.memref_slice %arg7[%add3A_22, %dma_start3A_63] : memref<10240x128xf32, #tpu.memory_space<vmem_shared>> -> memref<128x128xf32, #tpu.memory_space<vmem_shared>>
      tpu.enqueue_dma source(%dma_start3A_64 : memref<128x128xf32, #tpu.memory_space<vmem_shared>>) target(%dma_start3A_62 : memref<128x128xf32, #tpu.memory_space<vmem>>) target_semaphore(%run_scoped3A : memref<!tpu.dma_semaphore, #tpu.memory_space<semaphore_mem>>)
      %dma_wait3A = arith.constant 0 : i32
      %dma_wait3A_65 = arith.constant 0 : i32
      %dma_wait3A_66 = tpu.memref_slice %arg10[%dma_wait3A, %dma_wait3A_65] : memref<128x128xf32, #tpu.memory_space<vmem>> -> memref<128x128xf32, #tpu.memory_space<vmem>>
      %dma_wait3A_67 = arith.constant 0 : i32
      %dma_wait3A_68 = tpu.memref_slice %arg7[%add3A_22, %dma_wait3A_67] : memref<10240x128xf32, #tpu.memory_space<vmem_shared>> -> memref<128x128xf32, #tpu.memory_space<vmem_shared>>
      %dma_wait3A_69 = arith.constant 0 : i32
      %dma_wait3A_70 = arith.constant 0 : i32
      %dma_wait3A_71 = tpu.memref_slice %arg10[%dma_wait3A_69, %dma_wait3A_70] : memref<128x128xf32, #tpu.memory_space<vmem>> -> memref<128x128xf32, #tpu.memory_space<vmem>>
      %dma_wait3A_72 = arith.constant 0 : i32
      %dma_wait3A_73 = tpu.memref_slice %arg7[%add3A_22, %dma_wait3A_72] : memref<10240x128xf32, #tpu.memory_space<vmem_shared>> -> memref<128x128xf32, #tpu.memory_space<vmem_shared>>
      tpu.wait_dma2 semaphore(%run_scoped3A : memref<!tpu.dma_semaphore, #tpu.memory_space<semaphore_mem>>) src(%dma_wait3A_73 : memref<128x128xf32, #tpu.memory_space<vmem_shared>>) dst(%dma_wait3A_71 : memref<128x128xf32, #tpu.memory_space<vmem>>)
      tpu.yield
    }) : () -> ()
    %mul3A_23 = arith.constant 10240 : i32
    %mul3A_24 = arith.muli %arg0, %mul3A_23 : i32
    %add3A_25 = arith.addi %mul3A_24, %mul3A_4 : i32
    %add3A_26 = arith.constant 0 : i32
    %add3A_27 = arith.addi %add3A_25, %add3A_26 : i32
    "tpu.region"() ({
      %run_scoped3A = tpu.sem_alloc : memref<!tpu.dma_semaphore, #tpu.memory_space<semaphore_mem>>
      %dma_start3A = arith.constant 0 : i32
      %dma_start3A_56 = arith.constant 0 : i32
      %dma_start3A_57 = tpu.memref_slice %arg10[%dma_start3A, %dma_start3A_56] : memref<128x128xf32, #tpu.memory_space<vmem>> -> memref<128x128xf32, #tpu.memory_space<vmem>>
      %dma_start3A_58 = arith.constant 0 : i32
      %dma_start3A_59 = tpu.memref_slice %arg6[%add3A_27, %dma_start3A_58] : memref<20480x128xf32, #tpu.memory_space<hbm>> -> memref<128x128xf32, #tpu.memory_space<hbm>>
      %dma_start3A_60 = arith.constant 0 : i32
      %dma_start3A_61 = tpu.memref_slice %arg6[%add3A_27, %dma_start3A_60] : memref<20480x128xf32, #tpu.memory_space<hbm>> -> memref<128x128xf32, #tpu.memory_space<hbm>>
      %dma_start3A_62 = arith.constant 0 : i32
      %dma_start3A_63 = arith.constant 0 : i32
      %dma_start3A_64 = tpu.memref_slice %arg10[%dma_start3A_62, %dma_start3A_63] : memref<128x128xf32, #tpu.memory_space<vmem>> -> memref<128x128xf32, #tpu.memory_space<vmem>>
      tpu.enqueue_dma source(%dma_start3A_64 : memref<128x128xf32, #tpu.memory_space<vmem>>) target(%dma_start3A_61 : memref<128x128xf32, #tpu.memory_space<hbm>>) target_semaphore(%run_scoped3A : memref<!tpu.dma_semaphore, #tpu.memory_space<semaphore_mem>>)
      %dma_wait3A = arith.constant 0 : i32
      %dma_wait3A_65 = arith.constant 0 : i32
      %dma_wait3A_66 = tpu.memref_slice %arg10[%dma_wait3A, %dma_wait3A_65] : memref<128x128xf32, #tpu.memory_space<vmem>> -> memref<128x128xf32, #tpu.memory_space<vmem>>
      %dma_wait3A_67 = arith.constant 0 : i32
      %dma_wait3A_68 = tpu.memref_slice %arg6[%add3A_27, %dma_wait3A_67] : memref<20480x128xf32, #tpu.memory_space<hbm>> -> memref<128x128xf32, #tpu.memory_space<hbm>>
      %dma_wait3A_69 = arith.constant 0 : i32
      %dma_wait3A_70 = tpu.memref_slice %arg6[%add3A_27, %dma_wait3A_69] : memref<20480x128xf32, #tpu.memory_space<hbm>> -> memref<128x128xf32, #tpu.memory_space<hbm>>
      %dma_wait3A_71 = arith.constant 0 : i32
      %dma_wait3A_72 = arith.constant 0 : i32
      %dma_wait3A_73 = tpu.memref_slice %arg10[%dma_wait3A_71, %dma_wait3A_72] : memref<128x128xf32, #tpu.memory_space<vmem>> -> memref<128x128xf32, #tpu.memory_space<vmem>>
      tpu.wait_dma2 semaphore(%run_scoped3A : memref<!tpu.dma_semaphore, #tpu.memory_space<semaphore_mem>>) src(%dma_wait3A_73 : memref<128x128xf32, #tpu.memory_space<vmem>>) dst(%dma_wait3A_70 : memref<128x128xf32, #tpu.memory_space<hbm>>)
      tpu.yield
    }) : () -> ()
    %add3A_28 = arith.constant 128 : i32
    %add3A_29 = arith.addi %mul3A_4, %add3A_28 : i32
    "tpu.region"() ({
      %run_scoped3A = tpu.sem_alloc : memref<!tpu.dma_semaphore, #tpu.memory_space<semaphore_mem>>
      %dma_start3A = arith.constant 0 : i32
      %dma_start3A_56 = arith.constant 0 : i32
      %dma_start3A_57 = tpu.memref_slice %arg10[%dma_start3A, %dma_start3A_56] : memref<128x128xf32, #tpu.memory_space<vmem>> -> memref<128x128xf32, #tpu.memory_space<vmem>>
      %dma_start3A_58 = arith.constant 0 : i32
      %dma_start3A_59 = tpu.memref_slice %arg7[%add3A_29, %dma_start3A_58] : memref<10240x128xf32, #tpu.memory_space<vmem_shared>> -> memref<128x128xf32, #tpu.memory_space<vmem_shared>>
      %dma_start3A_60 = arith.constant 0 : i32
      %dma_start3A_61 = arith.constant 0 : i32
      %dma_start3A_62 = tpu.memref_slice %arg10[%dma_start3A_60, %dma_start3A_61] : memref<128x128xf32, #tpu.memory_space<vmem>> -> memref<128x128xf32, #tpu.memory_space<vmem>>
      %dma_start3A_63 = arith.constant 0 : i32
      %dma_start3A_64 = tpu.memref_slice %arg7[%add3A_29, %dma_start3A_63] : memref<10240x128xf32, #tpu.memory_space<vmem_shared>> -> memref<128x128xf32, #tpu.memory_space<vmem_shared>>
      tpu.enqueue_dma source(%dma_start3A_64 : memref<128x128xf32, #tpu.memory_space<vmem_shared>>) target(%dma_start3A_62 : memref<128x128xf32, #tpu.memory_space<vmem>>) target_semaphore(%run_scoped3A : memref<!tpu.dma_semaphore, #tpu.memory_space<semaphore_mem>>)
      %dma_wait3A = arith.constant 0 : i32
      %dma_wait3A_65 = arith.constant 0 : i32
      %dma_wait3A_66 = tpu.memref_slice %arg10[%dma_wait3A, %dma_wait3A_65] : memref<128x128xf32, #tpu.memory_space<vmem>> -> memref<128x128xf32, #tpu.memory_space<vmem>>
      %dma_wait3A_67 = arith.constant 0 : i32
      %dma_wait3A_68 = tpu.memref_slice %arg7[%add3A_29, %dma_wait3A_67] : memref<10240x128xf32, #tpu.memory_space<vmem_shared>> -> memref<128x128xf32, #tpu.memory_space<vmem_shared>>
      %dma_wait3A_69 = arith.constant 0 : i32
      %dma_wait3A_70 = arith.constant 0 : i32
      %dma_wait3A_71 = tpu.memref_slice %arg10[%dma_wait3A_69, %dma_wait3A_70] : memref<128x128xf32, #tpu.memory_space<vmem>> -> memref<128x128xf32, #tpu.memory_space<vmem>>
      %dma_wait3A_72 = arith.constant 0 : i32
      %dma_wait3A_73 = tpu.memref_slice %arg7[%add3A_29, %dma_wait3A_72] : memref<10240x128xf32, #tpu.memory_space<vmem_shared>> -> memref<128x128xf32, #tpu.memory_space<vmem_shared>>
      tpu.wait_dma2 semaphore(%run_scoped3A : memref<!tpu.dma_semaphore, #tpu.memory_space<semaphore_mem>>) src(%dma_wait3A_73 : memref<128x128xf32, #tpu.memory_space<vmem_shared>>) dst(%dma_wait3A_71 : memref<128x128xf32, #tpu.memory_space<vmem>>)
      tpu.yield
    }) : () -> ()
    %mul3A_30 = arith.constant 10240 : i32
    %mul3A_31 = arith.muli %arg0, %mul3A_30 : i32
    %add3A_32 = arith.addi %mul3A_31, %mul3A_4 : i32
    %add3A_33 = arith.constant 128 : i32
    %add3A_34 = arith.addi %add3A_32, %add3A_33 : i32
    "tpu.region"() ({
      %run_scoped3A = tpu.sem_alloc : memref<!tpu.dma_semaphore, #tpu.memory_space<semaphore_mem>>
      %dma_start3A = arith.constant 0 : i32
      %dma_start3A_56 = arith.constant 0 : i32
      %dma_start3A_57 = tpu.memref_slice %arg10[%dma_start3A, %dma_start3A_56] : memref<128x128xf32, #tpu.memory_space<vmem>> -> memref<128x128xf32, #tpu.memory_space<vmem>>
      %dma_start3A_58 = arith.constant 0 : i32
      %dma_start3A_59 = tpu.memref_slice %arg6[%add3A_34, %dma_start3A_58] : memref<20480x128xf32, #tpu.memory_space<hbm>> -> memref<128x128xf32, #tpu.memory_space<hbm>>
      %dma_start3A_60 = arith.constant 0 : i32
      %dma_start3A_61 = tpu.memref_slice %arg6[%add3A_34, %dma_start3A_60] : memref<20480x128xf32, #tpu.memory_space<hbm>> -> memref<128x128xf32, #tpu.memory_space<hbm>>
      %dma_start3A_62 = arith.constant 0 : i32
      %dma_start3A_63 = arith.constant 0 : i32
      %dma_start3A_64 = tpu.memref_slice %arg10[%dma_start3A_62, %dma_start3A_63] : memref<128x128xf32, #tpu.memory_space<vmem>> -> memref<128x128xf32, #tpu.memory_space<vmem>>
      tpu.enqueue_dma source(%dma_start3A_64 : memref<128x128xf32, #tpu.memory_space<vmem>>) target(%dma_start3A_61 : memref<128x128xf32, #tpu.memory_space<hbm>>) target_semaphore(%run_scoped3A : memref<!tpu.dma_semaphore, #tpu.memory_space<semaphore_mem>>)
      %dma_wait3A = arith.constant 0 : i32
      %dma_wait3A_65 = arith.constant 0 : i32
      %dma_wait3A_66 = tpu.memref_slice %arg10[%dma_wait3A, %dma_wait3A_65] : memref<128x128xf32, #tpu.memory_space<vmem>> -> memref<128x128xf32, #tpu.memory_space<vmem>>
      %dma_wait3A_67 = arith.constant 0 : i32
      %dma_wait3A_68 = tpu.memref_slice %arg6[%add3A_34, %dma_wait3A_67] : memref<20480x128xf32, #tpu.memory_space<hbm>> -> memref<128x128xf32, #tpu.memory_space<hbm>>
      %dma_wait3A_69 = arith.constant 0 : i32
      %dma_wait3A_70 = tpu.memref_slice %arg6[%add3A_34, %dma_wait3A_69] : memref<20480x128xf32, #tpu.memory_space<hbm>> -> memref<128x128xf32, #tpu.memory_space<hbm>>
      %dma_wait3A_71 = arith.constant 0 : i32
      %dma_wait3A_72 = arith.constant 0 : i32
      %dma_wait3A_73 = tpu.memref_slice %arg10[%dma_wait3A_71, %dma_wait3A_72] : memref<128x128xf32, #tpu.memory_space<vmem>> -> memref<128x128xf32, #tpu.memory_space<vmem>>
      tpu.wait_dma2 semaphore(%run_scoped3A : memref<!tpu.dma_semaphore, #tpu.memory_space<semaphore_mem>>) src(%dma_wait3A_73 : memref<128x128xf32, #tpu.memory_space<vmem>>) dst(%dma_wait3A_70 : memref<128x128xf32, #tpu.memory_space<hbm>>)
      tpu.yield
    }) : () -> ()
    %add3A_35 = arith.constant 256 : i32
    %add3A_36 = arith.addi %mul3A_4, %add3A_35 : i32
    "tpu.region"() ({
      %run_scoped3A = tpu.sem_alloc : memref<!tpu.dma_semaphore, #tpu.memory_space<semaphore_mem>>
      %dma_start3A = arith.constant 0 : i32
      %dma_start3A_56 = arith.constant 0 : i32
      %dma_start3A_57 = tpu.memref_slice %arg10[%dma_start3A, %dma_start3A_56] : memref<128x128xf32, #tpu.memory_space<vmem>> -> memref<128x128xf32, #tpu.memory_space<vmem>>
      %dma_start3A_58 = arith.constant 0 : i32
      %dma_start3A_59 = tpu.memref_slice %arg7[%add3A_36, %dma_start3A_58] : memref<10240x128xf32, #tpu.memory_space<vmem_shared>> -> memref<128x128xf32, #tpu.memory_space<vmem_shared>>
      %dma_start3A_60 = arith.constant 0 : i32
      %dma_start3A_61 = arith.constant 0 : i32
      %dma_start3A_62 = tpu.memref_slice %arg10[%dma_start3A_60, %dma_start3A_61] : memref<128x128xf32, #tpu.memory_space<vmem>> -> memref<128x128xf32, #tpu.memory_space<vmem>>
      %dma_start3A_63 = arith.constant 0 : i32
      %dma_start3A_64 = tpu.memref_slice %arg7[%add3A_36, %dma_start3A_63] : memref<10240x128xf32, #tpu.memory_space<vmem_shared>> -> memref<128x128xf32, #tpu.memory_space<vmem_shared>>
      tpu.enqueue_dma source(%dma_start3A_64 : memref<128x128xf32, #tpu.memory_space<vmem_shared>>) target(%dma_start3A_62 : memref<128x128xf32, #tpu.memory_space<vmem>>) target_semaphore(%run_scoped3A : memref<!tpu.dma_semaphore, #tpu.memory_space<semaphore_mem>>)
      %dma_wait3A = arith.constant 0 : i32
      %dma_wait3A_65 = arith.constant 0 : i32
      %dma_wait3A_66 = tpu.memref_slice %arg10[%dma_wait3A, %dma_wait3A_65] : memref<128x128xf32, #tpu.memory_space<vmem>> -> memref<128x128xf32, #tpu.memory_space<vmem>>
      %dma_wait3A_67 = arith.constant 0 : i32
      %dma_wait3A_68 = tpu.memref_slice %arg7[%add3A_36, %dma_wait3A_67] : memref<10240x128xf32, #tpu.memory_space<vmem_shared>> -> memref<128x128xf32, #tpu.memory_space<vmem_shared>>
      %dma_wait3A_69 = arith.constant 0 : i32
      %dma_wait3A_70 = arith.constant 0 : i32
      %dma_wait3A_71 = tpu.memref_slice %arg10[%dma_wait3A_69, %dma_wait3A_70] : memref<128x128xf32, #tpu.memory_space<vmem>> -> memref<128x128xf32, #tpu.memory_space<vmem>>
      %dma_wait3A_72 = arith.constant 0 : i32
      %dma_wait3A_73 = tpu.memref_slice %arg7[%add3A_36, %dma_wait3A_72] : memref<10240x128xf32, #tpu.memory_space<vmem_shared>> -> memref<128x128xf32, #tpu.memory_space<vmem_shared>>
      tpu.wait_dma2 semaphore(%run_scoped3A : memref<!tpu.dma_semaphore, #tpu.memory_space<semaphore_mem>>) src(%dma_wait3A_73 : memref<128x128xf32, #tpu.memory_space<vmem_shared>>) dst(%dma_wait3A_71 : memref<128x128xf32, #tpu.memory_space<vmem>>)
      tpu.yield
    }) : () -> ()
    %mul3A_37 = arith.constant 10240 : i32
    %mul3A_38 = arith.muli %arg0, %mul3A_37 : i32
    %add3A_39 = arith.addi %mul3A_38, %mul3A_4 : i32
    %add3A_40 = arith.constant 256 : i32
    %add3A_41 = arith.addi %add3A_39, %add3A_40 : i32
    "tpu.region"() ({
      %run_scoped3A = tpu.sem_alloc : memref<!tpu.dma_semaphore, #tpu.memory_space<semaphore_mem>>
      %dma_start3A = arith.constant 0 : i32
      %dma_start3A_56 = arith.constant 0 : i32
      %dma_start3A_57 = tpu.memref_slice %arg10[%dma_start3A, %dma_start3A_56] : memref<128x128xf32, #tpu.memory_space<vmem>> -> memref<128x128xf32, #tpu.memory_space<vmem>>
      %dma_start3A_58 = arith.constant 0 : i32
      %dma_start3A_59 = tpu.memref_slice %arg6[%add3A_41, %dma_start3A_58] : memref<20480x128xf32, #tpu.memory_space<hbm>> -> memref<128x128xf32, #tpu.memory_space<hbm>>
      %dma_start3A_60 = arith.constant 0 : i32
      %dma_start3A_61 = tpu.memref_slice %arg6[%add3A_41, %dma_start3A_60] : memref<20480x128xf32, #tpu.memory_space<hbm>> -> memref<128x128xf32, #tpu.memory_space<hbm>>
      %dma_start3A_62 = arith.constant 0 : i32
      %dma_start3A_63 = arith.constant 0 : i32
      %dma_start3A_64 = tpu.memref_slice %arg10[%dma_start3A_62, %dma_start3A_63] : memref<128x128xf32, #tpu.memory_space<vmem>> -> memref<128x128xf32, #tpu.memory_space<vmem>>
      tpu.enqueue_dma source(%dma_start3A_64 : memref<128x128xf32, #tpu.memory_space<vmem>>) target(%dma_start3A_61 : memref<128x128xf32, #tpu.memory_space<hbm>>) target_semaphore(%run_scoped3A : memref<!tpu.dma_semaphore, #tpu.memory_space<semaphore_mem>>)
      %dma_wait3A = arith.constant 0 : i32
      %dma_wait3A_65 = arith.constant 0 : i32
      %dma_wait3A_66 = tpu.memref_slice %arg10[%dma_wait3A, %dma_wait3A_65] : memref<128x128xf32, #tpu.memory_space<vmem>> -> memref<128x128xf32, #tpu.memory_space<vmem>>
      %dma_wait3A_67 = arith.constant 0 : i32
      %dma_wait3A_68 = tpu.memref_slice %arg6[%add3A_41, %dma_wait3A_67] : memref<20480x128xf32, #tpu.memory_space<hbm>> -> memref<128x128xf32, #tpu.memory_space<hbm>>
      %dma_wait3A_69 = arith.constant 0 : i32
      %dma_wait3A_70 = tpu.memref_slice %arg6[%add3A_41, %dma_wait3A_69] : memref<20480x128xf32, #tpu.memory_space<hbm>> -> memref<128x128xf32, #tpu.memory_space<hbm>>
      %dma_wait3A_71 = arith.constant 0 : i32
      %dma_wait3A_72 = arith.constant 0 : i32
      %dma_wait3A_73 = tpu.memref_slice %arg10[%dma_wait3A_71, %dma_wait3A_72] : memref<128x128xf32, #tpu.memory_space<vmem>> -> memref<128x128xf32, #tpu.memory_space<vmem>>
      tpu.wait_dma2 semaphore(%run_scoped3A : memref<!tpu.dma_semaphore, #tpu.memory_space<semaphore_mem>>) src(%dma_wait3A_73 : memref<128x128xf32, #tpu.memory_space<vmem>>) dst(%dma_wait3A_70 : memref<128x128xf32, #tpu.memory_space<hbm>>)
      tpu.yield
    }) : () -> ()
    %add3A_42 = arith.constant 384 : i32
    %add3A_43 = arith.addi %mul3A_4, %add3A_42 : i32
    "tpu.region"() ({
      %run_scoped3A = tpu.sem_alloc : memref<!tpu.dma_semaphore, #tpu.memory_space<semaphore_mem>>
      %dma_start3A = arith.constant 0 : i32
      %dma_start3A_56 = arith.constant 0 : i32
      %dma_start3A_57 = tpu.memref_slice %arg10[%dma_start3A, %dma_start3A_56] : memref<128x128xf32, #tpu.memory_space<vmem>> -> memref<128x128xf32, #tpu.memory_space<vmem>>
      %dma_start3A_58 = arith.constant 0 : i32
      %dma_start3A_59 = tpu.memref_slice %arg7[%add3A_43, %dma_start3A_58] : memref<10240x128xf32, #tpu.memory_space<vmem_shared>> -> memref<128x128xf32, #tpu.memory_space<vmem_shared>>
      %dma_start3A_60 = arith.constant 0 : i32
      %dma_start3A_61 = arith.constant 0 : i32
      %dma_start3A_62 = tpu.memref_slice %arg10[%dma_start3A_60, %dma_start3A_61] : memref<128x128xf32, #tpu.memory_space<vmem>> -> memref<128x128xf32, #tpu.memory_space<vmem>>
      %dma_start3A_63 = arith.constant 0 : i32
      %dma_start3A_64 = tpu.memref_slice %arg7[%add3A_43, %dma_start3A_63] : memref<10240x128xf32, #tpu.memory_space<vmem_shared>> -> memref<128x128xf32, #tpu.memory_space<vmem_shared>>
      tpu.enqueue_dma source(%dma_start3A_64 : memref<128x128xf32, #tpu.memory_space<vmem_shared>>) target(%dma_start3A_62 : memref<128x128xf32, #tpu.memory_space<vmem>>) target_semaphore(%run_scoped3A : memref<!tpu.dma_semaphore, #tpu.memory_space<semaphore_mem>>)
      %dma_wait3A = arith.constant 0 : i32
      %dma_wait3A_65 = arith.constant 0 : i32
      %dma_wait3A_66 = tpu.memref_slice %arg10[%dma_wait3A, %dma_wait3A_65] : memref<128x128xf32, #tpu.memory_space<vmem>> -> memref<128x128xf32, #tpu.memory_space<vmem>>
      %dma_wait3A_67 = arith.constant 0 : i32
      %dma_wait3A_68 = tpu.memref_slice %arg7[%add3A_43, %dma_wait3A_67] : memref<10240x128xf32, #tpu.memory_space<vmem_shared>> -> memref<128x128xf32, #tpu.memory_space<vmem_shared>>
      %dma_wait3A_69 = arith.constant 0 : i32
      %dma_wait3A_70 = arith.constant 0 : i32
      %dma_wait3A_71 = tpu.memref_slice %arg10[%dma_wait3A_69, %dma_wait3A_70] : memref<128x128xf32, #tpu.memory_space<vmem>> -> memref<128x128xf32, #tpu.memory_space<vmem>>
      %dma_wait3A_72 = arith.constant 0 : i32
      %dma_wait3A_73 = tpu.memref_slice %arg7[%add3A_43, %dma_wait3A_72] : memref<10240x128xf32, #tpu.memory_space<vmem_shared>> -> memref<128x128xf32, #tpu.memory_space<vmem_shared>>
      tpu.wait_dma2 semaphore(%run_scoped3A : memref<!tpu.dma_semaphore, #tpu.memory_space<semaphore_mem>>) src(%dma_wait3A_73 : memref<128x128xf32, #tpu.memory_space<vmem_shared>>) dst(%dma_wait3A_71 : memref<128x128xf32, #tpu.memory_space<vmem>>)
      tpu.yield
    }) : () -> ()
    %mul3A_44 = arith.constant 10240 : i32
    %mul3A_45 = arith.muli %arg0, %mul3A_44 : i32
    %add3A_46 = arith.addi %mul3A_45, %mul3A_4 : i32
    %add3A_47 = arith.constant 384 : i32
    %add3A_48 = arith.addi %add3A_46, %add3A_47 : i32
    "tpu.region"() ({
      %run_scoped3A = tpu.sem_alloc : memref<!tpu.dma_semaphore, #tpu.memory_space<semaphore_mem>>
      %dma_start3A = arith.constant 0 : i32
      %dma_start3A_56 = arith.constant 0 : i32
      %dma_start3A_57 = tpu.memref_slice %arg10[%dma_start3A, %dma_start3A_56] : memref<128x128xf32, #tpu.memory_space<vmem>> -> memref<128x128xf32, #tpu.memory_space<vmem>>
      %dma_start3A_58 = arith.constant 0 : i32
      %dma_start3A_59 = tpu.memref_slice %arg6[%add3A_48, %dma_start3A_58] : memref<20480x128xf32, #tpu.memory_space<hbm>> -> memref<128x128xf32, #tpu.memory_space<hbm>>
      %dma_start3A_60 = arith.constant 0 : i32
      %dma_start3A_61 = tpu.memref_slice %arg6[%add3A_48, %dma_start3A_60] : memref<20480x128xf32, #tpu.memory_space<hbm>> -> memref<128x128xf32, #tpu.memory_space<hbm>>
      %dma_start3A_62 = arith.constant 0 : i32
      %dma_start3A_63 = arith.constant 0 : i32
      %dma_start3A_64 = tpu.memref_slice %arg10[%dma_start3A_62, %dma_start3A_63] : memref<128x128xf32, #tpu.memory_space<vmem>> -> memref<128x128xf32, #tpu.memory_space<vmem>>
      tpu.enqueue_dma source(%dma_start3A_64 : memref<128x128xf32, #tpu.memory_space<vmem>>) target(%dma_start3A_61 : memref<128x128xf32, #tpu.memory_space<hbm>>) target_semaphore(%run_scoped3A : memref<!tpu.dma_semaphore, #tpu.memory_space<semaphore_mem>>)
      %dma_wait3A = arith.constant 0 : i32
      %dma_wait3A_65 = arith.constant 0 : i32
      %dma_wait3A_66 = tpu.memref_slice %arg10[%dma_wait3A, %dma_wait3A_65] : memref<128x128xf32, #tpu.memory_space<vmem>> -> memref<128x128xf32, #tpu.memory_space<vmem>>
      %dma_wait3A_67 = arith.constant 0 : i32
      %dma_wait3A_68 = tpu.memref_slice %arg6[%add3A_48, %dma_wait3A_67] : memref<20480x128xf32, #tpu.memory_space<hbm>> -> memref<128x128xf32, #tpu.memory_space<hbm>>
      %dma_wait3A_69 = arith.constant 0 : i32
      %dma_wait3A_70 = tpu.memref_slice %arg6[%add3A_48, %dma_wait3A_69] : memref<20480x128xf32, #tpu.memory_space<hbm>> -> memref<128x128xf32, #tpu.memory_space<hbm>>
      %dma_wait3A_71 = arith.constant 0 : i32
      %dma_wait3A_72 = arith.constant 0 : i32
      %dma_wait3A_73 = tpu.memref_slice %arg10[%dma_wait3A_71, %dma_wait3A_72] : memref<128x128xf32, #tpu.memory_space<vmem>> -> memref<128x128xf32, #tpu.memory_space<vmem>>
      tpu.wait_dma2 semaphore(%run_scoped3A : memref<!tpu.dma_semaphore, #tpu.memory_space<semaphore_mem>>) src(%dma_wait3A_73 : memref<128x128xf32, #tpu.memory_space<vmem>>) dst(%dma_wait3A_70 : memref<128x128xf32, #tpu.memory_space<hbm>>)
      tpu.yield
    }) : () -> ()
    %add3A_49 = arith.constant 512 : i32
    %add3A_50 = arith.addi %mul3A_4, %add3A_49 : i32
    "tpu.region"() ({
      %run_scoped3A = tpu.sem_alloc : memref<!tpu.dma_semaphore, #tpu.memory_space<semaphore_mem>>
      %dma_start3A = arith.constant 0 : i32
      %dma_start3A_56 = arith.constant 0 : i32
      %dma_start3A_57 = tpu.memref_slice %arg10[%dma_start3A, %dma_start3A_56] : memref<128x128xf32, #tpu.memory_space<vmem>> -> memref<128x128xf32, #tpu.memory_space<vmem>>
      %dma_start3A_58 = arith.constant 0 : i32
      %dma_start3A_59 = tpu.memref_slice %arg7[%add3A_50, %dma_start3A_58] : memref<10240x128xf32, #tpu.memory_space<vmem_shared>> -> memref<128x128xf32, #tpu.memory_space<vmem_shared>>
      %dma_start3A_60 = arith.constant 0 : i32
      %dma_start3A_61 = arith.constant 0 : i32
      %dma_start3A_62 = tpu.memref_slice %arg10[%dma_start3A_60, %dma_start3A_61] : memref<128x128xf32, #tpu.memory_space<vmem>> -> memref<128x128xf32, #tpu.memory_space<vmem>>
      %dma_start3A_63 = arith.constant 0 : i32
      %dma_start3A_64 = tpu.memref_slice %arg7[%add3A_50, %dma_start3A_63] : memref<10240x128xf32, #tpu.memory_space<vmem_shared>> -> memref<128x128xf32, #tpu.memory_space<vmem_shared>>
      tpu.enqueue_dma source(%dma_start3A_64 : memref<128x128xf32, #tpu.memory_space<vmem_shared>>) target(%dma_start3A_62 : memref<128x128xf32, #tpu.memory_space<vmem>>) target_semaphore(%run_scoped3A : memref<!tpu.dma_semaphore, #tpu.memory_space<semaphore_mem>>)
      %dma_wait3A = arith.constant 0 : i32
      %dma_wait3A_65 = arith.constant 0 : i32
      %dma_wait3A_66 = tpu.memref_slice %arg10[%dma_wait3A, %dma_wait3A_65] : memref<128x128xf32, #tpu.memory_space<vmem>> -> memref<128x128xf32, #tpu.memory_space<vmem>>
      %dma_wait3A_67 = arith.constant 0 : i32
      %dma_wait3A_68 = tpu.memref_slice %arg7[%add3A_50, %dma_wait3A_67] : memref<10240x128xf32, #tpu.memory_space<vmem_shared>> -> memref<128x128xf32, #tpu.memory_space<vmem_shared>>
      %dma_wait3A_69 = arith.constant 0 : i32
      %dma_wait3A_70 = arith.constant 0 : i32
      %dma_wait3A_71 = tpu.memref_slice %arg10[%dma_wait3A_69, %dma_wait3A_70] : memref<128x128xf32, #tpu.memory_space<vmem>> -> memref<128x128xf32, #tpu.memory_space<vmem>>
      %dma_wait3A_72 = arith.constant 0 : i32
      %dma_wait3A_73 = tpu.memref_slice %arg7[%add3A_50, %dma_wait3A_72] : memref<10240x128xf32, #tpu.memory_space<vmem_shared>> -> memref<128x128xf32, #tpu.memory_space<vmem_shared>>
      tpu.wait_dma2 semaphore(%run_scoped3A : memref<!tpu.dma_semaphore, #tpu.memory_space<semaphore_mem>>) src(%dma_wait3A_73 : memref<128x128xf32, #tpu.memory_space<vmem_shared>>) dst(%dma_wait3A_71 : memref<128x128xf32, #tpu.memory_space<vmem>>)
      tpu.yield
    }) : () -> ()
    %mul3A_51 = arith.constant 10240 : i32
    %mul3A_52 = arith.muli %arg0, %mul3A_51 : i32
    %add3A_53 = arith.addi %mul3A_52, %mul3A_4 : i32
    %add3A_54 = arith.constant 512 : i32
    %add3A_55 = arith.addi %add3A_53, %add3A_54 : i32
    "tpu.region"() ({
      %run_scoped3A = tpu.sem_alloc : memref<!tpu.dma_semaphore, #tpu.memory_space<semaphore_mem>>
      %dma_start3A = arith.constant 0 : i32
      %dma_start3A_56 = arith.constant 0 : i32
      %dma_start3A_57 = tpu.memref_slice %arg10[%dma_start3A, %dma_start3A_56] : memref<128x128xf32, #tpu.memory_space<vmem>> -> memref<128x128xf32, #tpu.memory_space<vmem>>
      %dma_start3A_58 = arith.constant 0 : i32
      %dma_start3A_59 = tpu.memref_slice %arg6[%add3A_55, %dma_start3A_58] : memref<20480x128xf32, #tpu.memory_space<hbm>> -> memref<128x128xf32, #tpu.memory_space<hbm>>
      %dma_start3A_60 = arith.constant 0 : i32
      %dma_start3A_61 = tpu.memref_slice %arg6[%add3A_55, %dma_start3A_60] : memref<20480x128xf32, #tpu.memory_space<hbm>> -> memref<128x128xf32, #tpu.memory_space<hbm>>
      %dma_start3A_62 = arith.constant 0 : i32
      %dma_start3A_63 = arith.constant 0 : i32
      %dma_start3A_64 = tpu.memref_slice %arg10[%dma_start3A_62, %dma_start3A_63] : memref<128x128xf32, #tpu.memory_space<vmem>> -> memref<128x128xf32, #tpu.memory_space<vmem>>
      tpu.enqueue_dma source(%dma_start3A_64 : memref<128x128xf32, #tpu.memory_space<vmem>>) target(%dma_start3A_61 : memref<128x128xf32, #tpu.memory_space<hbm>>) target_semaphore(%run_scoped3A : memref<!tpu.dma_semaphore, #tpu.memory_space<semaphore_mem>>)
      %dma_wait3A = arith.constant 0 : i32
      %dma_wait3A_65 = arith.constant 0 : i32
      %dma_wait3A_66 = tpu.memref_slice %arg10[%dma_wait3A, %dma_wait3A_65] : memref<128x128xf32, #tpu.memory_space<vmem>> -> memref<128x128xf32, #tpu.memory_space<vmem>>
      %dma_wait3A_67 = arith.constant 0 : i32
      %dma_wait3A_68 = tpu.memref_slice %arg6[%add3A_55, %dma_wait3A_67] : memref<20480x128xf32, #tpu.memory_space<hbm>> -> memref<128x128xf32, #tpu.memory_space<hbm>>
      %dma_wait3A_69 = arith.constant 0 : i32
      %dma_wait3A_70 = tpu.memref_slice %arg6[%add3A_55, %dma_wait3A_69] : memref<20480x128xf32, #tpu.memory_space<hbm>> -> memref<128x128xf32, #tpu.memory_space<hbm>>
      %dma_wait3A_71 = arith.constant 0 : i32
      %dma_wait3A_72 = arith.constant 0 : i32
      %dma_wait3A_73 = tpu.memref_slice %arg10[%dma_wait3A_71, %dma_wait3A_72] : memref<128x128xf32, #tpu.memory_space<vmem>> -> memref<128x128xf32, #tpu.memory_space<vmem>>
      tpu.wait_dma2 semaphore(%run_scoped3A : memref<!tpu.dma_semaphore, #tpu.memory_space<semaphore_mem>>) src(%dma_wait3A_73 : memref<128x128xf32, #tpu.memory_space<vmem>>) dst(%dma_wait3A_70 : memref<128x128xf32, #tpu.memory_space<hbm>>)
      tpu.yield
    }) : () -> ()
    return
  }
}

#map = affine_map<(d0, d1) -> (0, 0)>
#map1 = affine_map<(d0, d1) -> (0)>
module attributes {stable_mosaic.version = 14 : i64} {
  func.func @seg(%arg0: i32, %arg1: i32, %arg2: memref<10000x128xf32, #tpu.memory_space<hbm>>, %arg3: memref<323712xi32, #tpu.memory_space<hbm>>, %arg4: memref<323712xi32, #tpu.memory_space<hbm>>, %arg5: memref<128x128xf32, #tpu.memory_space<hbm>>, %arg6: memref<128xi32, #tpu.memory_space<hbm>>, %arg7: memref<20480x128xf32, #tpu.memory_space<hbm>>, %arg8: memref<10240x128xf32, #tpu.memory_space<vmem_shared>>, %arg9: memref<128xi32, #tpu.memory_space<vmem>>, %arg10: memref<128xi32, #tpu.memory_space<vmem>>, %arg11: memref<128xi32, #tpu.memory_space<vmem>>, %arg12: memref<128xi32, #tpu.memory_space<vmem>>, %arg13: memref<128x128xf32, #tpu.memory_space<vmem>>, %arg14: memref<128x128xf32, #tpu.memory_space<vmem>>, %arg15: memref<!tpu.dma_semaphore, #tpu.memory_space<semaphore_mem>>, %arg16: memref<!tpu.dma_semaphore, #tpu.memory_space<semaphore_mem>>, %arg17: memref<!tpu.dma_semaphore, #tpu.memory_space<semaphore_mem>>, %arg18: memref<!tpu.dma_semaphore, #tpu.memory_space<semaphore_mem>>) attributes {dimension_semantics = [#tpu.dimension_semantics<core_parallel>, #tpu.dimension_semantics<subcore_parallel>], iteration_bounds = array<i64: 2, 16>, scalar_prefetch = 0 : i64, scratch_operands = 11 : i64, tpu.core_type = #tpu.core_type<sc_vector_subcore>, window_params = [{transform_indices = #map}, {transform_indices = #map1}, {transform_indices = #map1}, {transform_indices = #map}, {transform_indices = #map1}, {transform_indices = #map}]} {
    %mul3A = arith.constant 2 : i32
    %mul3A_0 = arith.muli %arg1, %mul3A : i32
    %add3A = arith.addi %mul3A_0, %arg0 : i32
    %mul3A_1 = arith.constant 10112 : i32
    %mul3A_2 = arith.muli %add3A, %mul3A_1 : i32
    %mul3A_3 = arith.constant 640 : i32
    %mul3A_4 = arith.muli %arg1, %mul3A_3 : i32
    "tpu.region"() ({
      %run_scoped3A = tpu.sem_alloc : memref<!tpu.dma_semaphore, #tpu.memory_space<semaphore_mem>>
      tpu.enqueue_dma source(%arg5 : memref<128x128xf32, #tpu.memory_space<hbm>>) target(%arg13 : memref<128x128xf32, #tpu.memory_space<vmem>>) target_semaphore(%run_scoped3A : memref<!tpu.dma_semaphore, #tpu.memory_space<semaphore_mem>>)
      tpu.wait_dma2 semaphore(%run_scoped3A : memref<!tpu.dma_semaphore, #tpu.memory_space<semaphore_mem>>) src(%arg5 : memref<128x128xf32, #tpu.memory_space<hbm>>) dst(%arg13 : memref<128x128xf32, #tpu.memory_space<vmem>>)
      tpu.yield
    }) : () -> ()
    %add3A_5 = arith.constant 0 : i32
    %add3A_6 = arith.addi %mul3A_4, %add3A_5 : i32
    "tpu.region"() ({
      %run_scoped3A = tpu.sem_alloc : memref<!tpu.dma_semaphore, #tpu.memory_space<semaphore_mem>>
      %dma_start3A_88 = arith.constant 0 : i32
      %dma_start3A_89 = arith.constant 0 : i32
      %dma_start3A_90 = tpu.memref_slice %arg13[%dma_start3A_88, %dma_start3A_89] : memref<128x128xf32, #tpu.memory_space<vmem>> -> memref<128x128xf32, #tpu.memory_space<vmem>>
      %dma_start3A_91 = arith.constant 0 : i32
      %dma_start3A_92 = tpu.memref_slice %arg8[%add3A_6, %dma_start3A_91] : memref<10240x128xf32, #tpu.memory_space<vmem_shared>> -> memref<128x128xf32, #tpu.memory_space<vmem_shared>>
      %dma_start3A_93 = arith.constant 0 : i32
      %dma_start3A_94 = tpu.memref_slice %arg8[%add3A_6, %dma_start3A_93] : memref<10240x128xf32, #tpu.memory_space<vmem_shared>> -> memref<128x128xf32, #tpu.memory_space<vmem_shared>>
      %dma_start3A_95 = arith.constant 0 : i32
      %dma_start3A_96 = arith.constant 0 : i32
      %dma_start3A_97 = tpu.memref_slice %arg13[%dma_start3A_95, %dma_start3A_96] : memref<128x128xf32, #tpu.memory_space<vmem>> -> memref<128x128xf32, #tpu.memory_space<vmem>>
      tpu.enqueue_dma source(%dma_start3A_97 : memref<128x128xf32, #tpu.memory_space<vmem>>) target(%dma_start3A_94 : memref<128x128xf32, #tpu.memory_space<vmem_shared>>) target_semaphore(%run_scoped3A : memref<!tpu.dma_semaphore, #tpu.memory_space<semaphore_mem>>)
      %dma_wait3A_98 = arith.constant 0 : i32
      %dma_wait3A_99 = arith.constant 0 : i32
      %dma_wait3A_100 = tpu.memref_slice %arg13[%dma_wait3A_98, %dma_wait3A_99] : memref<128x128xf32, #tpu.memory_space<vmem>> -> memref<128x128xf32, #tpu.memory_space<vmem>>
      %dma_wait3A_101 = arith.constant 0 : i32
      %dma_wait3A_102 = tpu.memref_slice %arg8[%add3A_6, %dma_wait3A_101] : memref<10240x128xf32, #tpu.memory_space<vmem_shared>> -> memref<128x128xf32, #tpu.memory_space<vmem_shared>>
      %dma_wait3A_103 = arith.constant 0 : i32
      %dma_wait3A_104 = tpu.memref_slice %arg8[%add3A_6, %dma_wait3A_103] : memref<10240x128xf32, #tpu.memory_space<vmem_shared>> -> memref<128x128xf32, #tpu.memory_space<vmem_shared>>
      %dma_wait3A_105 = arith.constant 0 : i32
      %dma_wait3A_106 = arith.constant 0 : i32
      %dma_wait3A_107 = tpu.memref_slice %arg13[%dma_wait3A_105, %dma_wait3A_106] : memref<128x128xf32, #tpu.memory_space<vmem>> -> memref<128x128xf32, #tpu.memory_space<vmem>>
      tpu.wait_dma2 semaphore(%run_scoped3A : memref<!tpu.dma_semaphore, #tpu.memory_space<semaphore_mem>>) src(%dma_wait3A_107 : memref<128x128xf32, #tpu.memory_space<vmem>>) dst(%dma_wait3A_104 : memref<128x128xf32, #tpu.memory_space<vmem_shared>>)
      tpu.yield
    }) : () -> ()
    %add3A_7 = arith.constant 128 : i32
    %add3A_8 = arith.addi %mul3A_4, %add3A_7 : i32
    "tpu.region"() ({
      %run_scoped3A = tpu.sem_alloc : memref<!tpu.dma_semaphore, #tpu.memory_space<semaphore_mem>>
      %dma_start3A_88 = arith.constant 0 : i32
      %dma_start3A_89 = arith.constant 0 : i32
      %dma_start3A_90 = tpu.memref_slice %arg13[%dma_start3A_88, %dma_start3A_89] : memref<128x128xf32, #tpu.memory_space<vmem>> -> memref<128x128xf32, #tpu.memory_space<vmem>>
      %dma_start3A_91 = arith.constant 0 : i32
      %dma_start3A_92 = tpu.memref_slice %arg8[%add3A_8, %dma_start3A_91] : memref<10240x128xf32, #tpu.memory_space<vmem_shared>> -> memref<128x128xf32, #tpu.memory_space<vmem_shared>>
      %dma_start3A_93 = arith.constant 0 : i32
      %dma_start3A_94 = tpu.memref_slice %arg8[%add3A_8, %dma_start3A_93] : memref<10240x128xf32, #tpu.memory_space<vmem_shared>> -> memref<128x128xf32, #tpu.memory_space<vmem_shared>>
      %dma_start3A_95 = arith.constant 0 : i32
      %dma_start3A_96 = arith.constant 0 : i32
      %dma_start3A_97 = tpu.memref_slice %arg13[%dma_start3A_95, %dma_start3A_96] : memref<128x128xf32, #tpu.memory_space<vmem>> -> memref<128x128xf32, #tpu.memory_space<vmem>>
      tpu.enqueue_dma source(%dma_start3A_97 : memref<128x128xf32, #tpu.memory_space<vmem>>) target(%dma_start3A_94 : memref<128x128xf32, #tpu.memory_space<vmem_shared>>) target_semaphore(%run_scoped3A : memref<!tpu.dma_semaphore, #tpu.memory_space<semaphore_mem>>)
      %dma_wait3A_98 = arith.constant 0 : i32
      %dma_wait3A_99 = arith.constant 0 : i32
      %dma_wait3A_100 = tpu.memref_slice %arg13[%dma_wait3A_98, %dma_wait3A_99] : memref<128x128xf32, #tpu.memory_space<vmem>> -> memref<128x128xf32, #tpu.memory_space<vmem>>
      %dma_wait3A_101 = arith.constant 0 : i32
      %dma_wait3A_102 = tpu.memref_slice %arg8[%add3A_8, %dma_wait3A_101] : memref<10240x128xf32, #tpu.memory_space<vmem_shared>> -> memref<128x128xf32, #tpu.memory_space<vmem_shared>>
      %dma_wait3A_103 = arith.constant 0 : i32
      %dma_wait3A_104 = tpu.memref_slice %arg8[%add3A_8, %dma_wait3A_103] : memref<10240x128xf32, #tpu.memory_space<vmem_shared>> -> memref<128x128xf32, #tpu.memory_space<vmem_shared>>
      %dma_wait3A_105 = arith.constant 0 : i32
      %dma_wait3A_106 = arith.constant 0 : i32
      %dma_wait3A_107 = tpu.memref_slice %arg13[%dma_wait3A_105, %dma_wait3A_106] : memref<128x128xf32, #tpu.memory_space<vmem>> -> memref<128x128xf32, #tpu.memory_space<vmem>>
      tpu.wait_dma2 semaphore(%run_scoped3A : memref<!tpu.dma_semaphore, #tpu.memory_space<semaphore_mem>>) src(%dma_wait3A_107 : memref<128x128xf32, #tpu.memory_space<vmem>>) dst(%dma_wait3A_104 : memref<128x128xf32, #tpu.memory_space<vmem_shared>>)
      tpu.yield
    }) : () -> ()
    %add3A_9 = arith.constant 256 : i32
    %add3A_10 = arith.addi %mul3A_4, %add3A_9 : i32
    "tpu.region"() ({
      %run_scoped3A = tpu.sem_alloc : memref<!tpu.dma_semaphore, #tpu.memory_space<semaphore_mem>>
      %dma_start3A_88 = arith.constant 0 : i32
      %dma_start3A_89 = arith.constant 0 : i32
      %dma_start3A_90 = tpu.memref_slice %arg13[%dma_start3A_88, %dma_start3A_89] : memref<128x128xf32, #tpu.memory_space<vmem>> -> memref<128x128xf32, #tpu.memory_space<vmem>>
      %dma_start3A_91 = arith.constant 0 : i32
      %dma_start3A_92 = tpu.memref_slice %arg8[%add3A_10, %dma_start3A_91] : memref<10240x128xf32, #tpu.memory_space<vmem_shared>> -> memref<128x128xf32, #tpu.memory_space<vmem_shared>>
      %dma_start3A_93 = arith.constant 0 : i32
      %dma_start3A_94 = tpu.memref_slice %arg8[%add3A_10, %dma_start3A_93] : memref<10240x128xf32, #tpu.memory_space<vmem_shared>> -> memref<128x128xf32, #tpu.memory_space<vmem_shared>>
      %dma_start3A_95 = arith.constant 0 : i32
      %dma_start3A_96 = arith.constant 0 : i32
      %dma_start3A_97 = tpu.memref_slice %arg13[%dma_start3A_95, %dma_start3A_96] : memref<128x128xf32, #tpu.memory_space<vmem>> -> memref<128x128xf32, #tpu.memory_space<vmem>>
      tpu.enqueue_dma source(%dma_start3A_97 : memref<128x128xf32, #tpu.memory_space<vmem>>) target(%dma_start3A_94 : memref<128x128xf32, #tpu.memory_space<vmem_shared>>) target_semaphore(%run_scoped3A : memref<!tpu.dma_semaphore, #tpu.memory_space<semaphore_mem>>)
      %dma_wait3A_98 = arith.constant 0 : i32
      %dma_wait3A_99 = arith.constant 0 : i32
      %dma_wait3A_100 = tpu.memref_slice %arg13[%dma_wait3A_98, %dma_wait3A_99] : memref<128x128xf32, #tpu.memory_space<vmem>> -> memref<128x128xf32, #tpu.memory_space<vmem>>
      %dma_wait3A_101 = arith.constant 0 : i32
      %dma_wait3A_102 = tpu.memref_slice %arg8[%add3A_10, %dma_wait3A_101] : memref<10240x128xf32, #tpu.memory_space<vmem_shared>> -> memref<128x128xf32, #tpu.memory_space<vmem_shared>>
      %dma_wait3A_103 = arith.constant 0 : i32
      %dma_wait3A_104 = tpu.memref_slice %arg8[%add3A_10, %dma_wait3A_103] : memref<10240x128xf32, #tpu.memory_space<vmem_shared>> -> memref<128x128xf32, #tpu.memory_space<vmem_shared>>
      %dma_wait3A_105 = arith.constant 0 : i32
      %dma_wait3A_106 = arith.constant 0 : i32
      %dma_wait3A_107 = tpu.memref_slice %arg13[%dma_wait3A_105, %dma_wait3A_106] : memref<128x128xf32, #tpu.memory_space<vmem>> -> memref<128x128xf32, #tpu.memory_space<vmem>>
      tpu.wait_dma2 semaphore(%run_scoped3A : memref<!tpu.dma_semaphore, #tpu.memory_space<semaphore_mem>>) src(%dma_wait3A_107 : memref<128x128xf32, #tpu.memory_space<vmem>>) dst(%dma_wait3A_104 : memref<128x128xf32, #tpu.memory_space<vmem_shared>>)
      tpu.yield
    }) : () -> ()
    %add3A_11 = arith.constant 384 : i32
    %add3A_12 = arith.addi %mul3A_4, %add3A_11 : i32
    "tpu.region"() ({
      %run_scoped3A = tpu.sem_alloc : memref<!tpu.dma_semaphore, #tpu.memory_space<semaphore_mem>>
      %dma_start3A_88 = arith.constant 0 : i32
      %dma_start3A_89 = arith.constant 0 : i32
      %dma_start3A_90 = tpu.memref_slice %arg13[%dma_start3A_88, %dma_start3A_89] : memref<128x128xf32, #tpu.memory_space<vmem>> -> memref<128x128xf32, #tpu.memory_space<vmem>>
      %dma_start3A_91 = arith.constant 0 : i32
      %dma_start3A_92 = tpu.memref_slice %arg8[%add3A_12, %dma_start3A_91] : memref<10240x128xf32, #tpu.memory_space<vmem_shared>> -> memref<128x128xf32, #tpu.memory_space<vmem_shared>>
      %dma_start3A_93 = arith.constant 0 : i32
      %dma_start3A_94 = tpu.memref_slice %arg8[%add3A_12, %dma_start3A_93] : memref<10240x128xf32, #tpu.memory_space<vmem_shared>> -> memref<128x128xf32, #tpu.memory_space<vmem_shared>>
      %dma_start3A_95 = arith.constant 0 : i32
      %dma_start3A_96 = arith.constant 0 : i32
      %dma_start3A_97 = tpu.memref_slice %arg13[%dma_start3A_95, %dma_start3A_96] : memref<128x128xf32, #tpu.memory_space<vmem>> -> memref<128x128xf32, #tpu.memory_space<vmem>>
      tpu.enqueue_dma source(%dma_start3A_97 : memref<128x128xf32, #tpu.memory_space<vmem>>) target(%dma_start3A_94 : memref<128x128xf32, #tpu.memory_space<vmem_shared>>) target_semaphore(%run_scoped3A : memref<!tpu.dma_semaphore, #tpu.memory_space<semaphore_mem>>)
      %dma_wait3A_98 = arith.constant 0 : i32
      %dma_wait3A_99 = arith.constant 0 : i32
      %dma_wait3A_100 = tpu.memref_slice %arg13[%dma_wait3A_98, %dma_wait3A_99] : memref<128x128xf32, #tpu.memory_space<vmem>> -> memref<128x128xf32, #tpu.memory_space<vmem>>
      %dma_wait3A_101 = arith.constant 0 : i32
      %dma_wait3A_102 = tpu.memref_slice %arg8[%add3A_12, %dma_wait3A_101] : memref<10240x128xf32, #tpu.memory_space<vmem_shared>> -> memref<128x128xf32, #tpu.memory_space<vmem_shared>>
      %dma_wait3A_103 = arith.constant 0 : i32
      %dma_wait3A_104 = tpu.memref_slice %arg8[%add3A_12, %dma_wait3A_103] : memref<10240x128xf32, #tpu.memory_space<vmem_shared>> -> memref<128x128xf32, #tpu.memory_space<vmem_shared>>
      %dma_wait3A_105 = arith.constant 0 : i32
      %dma_wait3A_106 = arith.constant 0 : i32
      %dma_wait3A_107 = tpu.memref_slice %arg13[%dma_wait3A_105, %dma_wait3A_106] : memref<128x128xf32, #tpu.memory_space<vmem>> -> memref<128x128xf32, #tpu.memory_space<vmem>>
      tpu.wait_dma2 semaphore(%run_scoped3A : memref<!tpu.dma_semaphore, #tpu.memory_space<semaphore_mem>>) src(%dma_wait3A_107 : memref<128x128xf32, #tpu.memory_space<vmem>>) dst(%dma_wait3A_104 : memref<128x128xf32, #tpu.memory_space<vmem_shared>>)
      tpu.yield
    }) : () -> ()
    %add3A_13 = arith.constant 512 : i32
    %add3A_14 = arith.addi %mul3A_4, %add3A_13 : i32
    "tpu.region"() ({
      %run_scoped3A = tpu.sem_alloc : memref<!tpu.dma_semaphore, #tpu.memory_space<semaphore_mem>>
      %dma_start3A_88 = arith.constant 0 : i32
      %dma_start3A_89 = arith.constant 0 : i32
      %dma_start3A_90 = tpu.memref_slice %arg13[%dma_start3A_88, %dma_start3A_89] : memref<128x128xf32, #tpu.memory_space<vmem>> -> memref<128x128xf32, #tpu.memory_space<vmem>>
      %dma_start3A_91 = arith.constant 0 : i32
      %dma_start3A_92 = tpu.memref_slice %arg8[%add3A_14, %dma_start3A_91] : memref<10240x128xf32, #tpu.memory_space<vmem_shared>> -> memref<128x128xf32, #tpu.memory_space<vmem_shared>>
      %dma_start3A_93 = arith.constant 0 : i32
      %dma_start3A_94 = tpu.memref_slice %arg8[%add3A_14, %dma_start3A_93] : memref<10240x128xf32, #tpu.memory_space<vmem_shared>> -> memref<128x128xf32, #tpu.memory_space<vmem_shared>>
      %dma_start3A_95 = arith.constant 0 : i32
      %dma_start3A_96 = arith.constant 0 : i32
      %dma_start3A_97 = tpu.memref_slice %arg13[%dma_start3A_95, %dma_start3A_96] : memref<128x128xf32, #tpu.memory_space<vmem>> -> memref<128x128xf32, #tpu.memory_space<vmem>>
      tpu.enqueue_dma source(%dma_start3A_97 : memref<128x128xf32, #tpu.memory_space<vmem>>) target(%dma_start3A_94 : memref<128x128xf32, #tpu.memory_space<vmem_shared>>) target_semaphore(%run_scoped3A : memref<!tpu.dma_semaphore, #tpu.memory_space<semaphore_mem>>)
      %dma_wait3A_98 = arith.constant 0 : i32
      %dma_wait3A_99 = arith.constant 0 : i32
      %dma_wait3A_100 = tpu.memref_slice %arg13[%dma_wait3A_98, %dma_wait3A_99] : memref<128x128xf32, #tpu.memory_space<vmem>> -> memref<128x128xf32, #tpu.memory_space<vmem>>
      %dma_wait3A_101 = arith.constant 0 : i32
      %dma_wait3A_102 = tpu.memref_slice %arg8[%add3A_14, %dma_wait3A_101] : memref<10240x128xf32, #tpu.memory_space<vmem_shared>> -> memref<128x128xf32, #tpu.memory_space<vmem_shared>>
      %dma_wait3A_103 = arith.constant 0 : i32
      %dma_wait3A_104 = tpu.memref_slice %arg8[%add3A_14, %dma_wait3A_103] : memref<10240x128xf32, #tpu.memory_space<vmem_shared>> -> memref<128x128xf32, #tpu.memory_space<vmem_shared>>
      %dma_wait3A_105 = arith.constant 0 : i32
      %dma_wait3A_106 = arith.constant 0 : i32
      %dma_wait3A_107 = tpu.memref_slice %arg13[%dma_wait3A_105, %dma_wait3A_106] : memref<128x128xf32, #tpu.memory_space<vmem>> -> memref<128x128xf32, #tpu.memory_space<vmem>>
      tpu.wait_dma2 semaphore(%run_scoped3A : memref<!tpu.dma_semaphore, #tpu.memory_space<semaphore_mem>>) src(%dma_wait3A_107 : memref<128x128xf32, #tpu.memory_space<vmem>>) dst(%dma_wait3A_104 : memref<128x128xf32, #tpu.memory_space<vmem_shared>>)
      tpu.yield
    }) : () -> ()
    "tpu.region"() ({
      %run_scoped3A = tpu.sem_alloc : memref<!tpu.dma_semaphore, #tpu.memory_space<semaphore_mem>>
      %dma_start3A_88 = tpu.memref_slice %arg3[%mul3A_2] : memref<323712xi32, #tpu.memory_space<hbm>> -> memref<128xi32, #tpu.memory_space<hbm>>
      %dma_start3A_89 = tpu.memref_slice %arg3[%mul3A_2] : memref<323712xi32, #tpu.memory_space<hbm>> -> memref<128xi32, #tpu.memory_space<hbm>>
      tpu.enqueue_dma source(%dma_start3A_89 : memref<128xi32, #tpu.memory_space<hbm>>) target(%arg9 : memref<128xi32, #tpu.memory_space<vmem>>) target_semaphore(%run_scoped3A : memref<!tpu.dma_semaphore, #tpu.memory_space<semaphore_mem>>)
      %dma_wait3A_90 = tpu.memref_slice %arg3[%mul3A_2] : memref<323712xi32, #tpu.memory_space<hbm>> -> memref<128xi32, #tpu.memory_space<hbm>>
      %dma_wait3A_91 = tpu.memref_slice %arg3[%mul3A_2] : memref<323712xi32, #tpu.memory_space<hbm>> -> memref<128xi32, #tpu.memory_space<hbm>>
      tpu.wait_dma2 semaphore(%run_scoped3A : memref<!tpu.dma_semaphore, #tpu.memory_space<semaphore_mem>>) src(%dma_wait3A_91 : memref<128xi32, #tpu.memory_space<hbm>>) dst(%arg9 : memref<128xi32, #tpu.memory_space<vmem>>)
      tpu.yield
    }) : () -> ()
    "tpu.region"() ({
      %run_scoped3A = tpu.sem_alloc : memref<!tpu.dma_semaphore, #tpu.memory_space<semaphore_mem>>
      %dma_start3A_88 = tpu.memref_slice %arg4[%mul3A_2] : memref<323712xi32, #tpu.memory_space<hbm>> -> memref<128xi32, #tpu.memory_space<hbm>>
      %dma_start3A_89 = tpu.memref_slice %arg4[%mul3A_2] : memref<323712xi32, #tpu.memory_space<hbm>> -> memref<128xi32, #tpu.memory_space<hbm>>
      tpu.enqueue_dma source(%dma_start3A_89 : memref<128xi32, #tpu.memory_space<hbm>>) target(%arg10 : memref<128xi32, #tpu.memory_space<vmem>>) target_semaphore(%run_scoped3A : memref<!tpu.dma_semaphore, #tpu.memory_space<semaphore_mem>>)
      %dma_wait3A_90 = tpu.memref_slice %arg4[%mul3A_2] : memref<323712xi32, #tpu.memory_space<hbm>> -> memref<128xi32, #tpu.memory_space<hbm>>
      %dma_wait3A_91 = tpu.memref_slice %arg4[%mul3A_2] : memref<323712xi32, #tpu.memory_space<hbm>> -> memref<128xi32, #tpu.memory_space<hbm>>
      tpu.wait_dma2 semaphore(%run_scoped3A : memref<!tpu.dma_semaphore, #tpu.memory_space<semaphore_mem>>) src(%dma_wait3A_91 : memref<128xi32, #tpu.memory_space<hbm>>) dst(%arg10 : memref<128xi32, #tpu.memory_space<vmem>>)
      tpu.yield
    }) : () -> ()
    "tpu.region"() ({
      %run_scoped3A = tpu.sem_alloc : memref<!tpu.dma_semaphore, #tpu.memory_space<semaphore_mem>>
      tpu.enqueue_dma source(%arg6 : memref<128xi32, #tpu.memory_space<hbm>>) target(%arg12 : memref<128xi32, #tpu.memory_space<vmem>>) target_semaphore(%run_scoped3A : memref<!tpu.dma_semaphore, #tpu.memory_space<semaphore_mem>>)
      tpu.wait_dma2 semaphore(%run_scoped3A : memref<!tpu.dma_semaphore, #tpu.memory_space<semaphore_mem>>) src(%arg6 : memref<128xi32, #tpu.memory_space<hbm>>) dst(%arg12 : memref<128xi32, #tpu.memory_space<vmem>>)
      tpu.yield
    }) : () -> ()
    %barrier3A = arith.constant 0 : index
    tpu.barrier barrier_id(%barrier3A)
    %dma_start3A = arith.constant 0 : i32
    %dma_start3A_15 = arith.constant 0 : i32
    %dma_start3A_16 = tpu.memref_slice %arg8[%dma_start3A, %dma_start3A_15] : memref<10240x128xf32, #tpu.memory_space<vmem_shared>> -> memref<10240x128xf32, #tpu.memory_space<vmem_shared>>
    tpu.enqueue_indirect_dma source(%arg14 : memref<128x128xf32, #tpu.memory_space<vmem>>) target(%dma_start3A_16 : memref<10240x128xf32, #tpu.memory_space<vmem_shared>>) offsets(%arg12 : memref<128xi32, #tpu.memory_space<vmem>>) semaphore(%arg17 : memref<!tpu.dma_semaphore, #tpu.memory_space<semaphore_mem>>) {add = true}
    %dma_start3A_17 = arith.constant 0 : i32
    %dma_start3A_18 = arith.constant 0 : i32
    %dma_start3A_19 = tpu.memref_slice %arg2[%dma_start3A_17, %dma_start3A_18] : memref<10000x128xf32, #tpu.memory_space<hbm>> -> memref<10000x128xf32, #tpu.memory_space<hbm>>
    tpu.enqueue_indirect_dma source(%dma_start3A_19 : memref<10000x128xf32, #tpu.memory_space<hbm>>) target(%arg13 : memref<128x128xf32, #tpu.memory_space<vmem>>) offsets(%arg9 : memref<128xi32, #tpu.memory_space<vmem>>) semaphore(%arg15 : memref<!tpu.dma_semaphore, #tpu.memory_space<semaphore_mem>>)
    %scan3A = arith.constant 0 : i32
    %scan3A_20 = arith.constant 0 : i32
    %scan3A_21 = arith.constant 39 : i32
    %scan3A_22 = arith.addi %scan3A_20, %scan3A_21 : i32
    %scan3A_23 = arith.constant 1 : i32
    scf.for %scan3A_88 = %scan3A_20 to %scan3A_22 step %scan3A_23  : i32 {
      %mul3A_89 = arith.constant 2 : i32
      %mul3A_90 = arith.muli %mul3A_89, %scan3A_88 : i32
      %dma_wait3A_91 = arith.constant 0 : i32
      %dma_wait3A_92 = arith.constant 0 : i32
      %dma_wait3A_93 = tpu.memref_slice %arg2[%dma_wait3A_91, %dma_wait3A_92] : memref<10000x128xf32, #tpu.memory_space<hbm>> -> memref<10000x128xf32, #tpu.memory_space<hbm>>
      tpu.wait_indirect_dma semaphore(%arg15 : memref<!tpu.dma_semaphore, #tpu.memory_space<semaphore_mem>>) src(%dma_wait3A_93 : memref<10000x128xf32, #tpu.memory_space<hbm>>) dst(%arg13 : memref<128x128xf32, #tpu.memory_space<vmem>>)
      %dma_start3A_94 = arith.constant 0 : i32
      %dma_start3A_95 = arith.constant 0 : i32
      %dma_start3A_96 = tpu.memref_slice %arg8[%dma_start3A_94, %dma_start3A_95] : memref<10240x128xf32, #tpu.memory_space<vmem_shared>> -> memref<10240x128xf32, #tpu.memory_space<vmem_shared>>
      tpu.enqueue_indirect_dma source(%arg13 : memref<128x128xf32, #tpu.memory_space<vmem>>) target(%dma_start3A_96 : memref<10240x128xf32, #tpu.memory_space<vmem_shared>>) offsets(%arg10 : memref<128xi32, #tpu.memory_space<vmem>>) semaphore(%arg16 : memref<!tpu.dma_semaphore, #tpu.memory_space<semaphore_mem>>) {add = true}
      %add3A_97 = arith.constant 1 : i32
      %add3A_98 = arith.addi %mul3A_90, %add3A_97 : i32
      %mul3A_99 = arith.constant 128 : i32
      %mul3A_100 = arith.muli %add3A_98, %mul3A_99 : i32
      %add3A_101 = arith.addi %mul3A_2, %mul3A_100 : i32
      %dma_start3A_102 = tpu.memref_slice %arg3[%add3A_101] : memref<323712xi32, #tpu.memory_space<hbm>> -> memref<128xi32, #tpu.memory_space<hbm>>
      %dma_start3A_103 = tpu.memref_slice %arg3[%add3A_101] : memref<323712xi32, #tpu.memory_space<hbm>> -> memref<128xi32, #tpu.memory_space<hbm>>
      tpu.enqueue_dma source(%dma_start3A_103 : memref<128xi32, #tpu.memory_space<hbm>>) target(%arg11 : memref<128xi32, #tpu.memory_space<vmem>>) target_semaphore(%arg18 : memref<!tpu.dma_semaphore, #tpu.memory_space<semaphore_mem>>)
      %dma_wait3A_104 = arith.constant 0 : i32
      %dma_wait3A_105 = arith.constant 0 : i32
      %dma_wait3A_106 = tpu.memref_slice %arg8[%dma_wait3A_104, %dma_wait3A_105] : memref<10240x128xf32, #tpu.memory_space<vmem_shared>> -> memref<10240x128xf32, #tpu.memory_space<vmem_shared>>
      tpu.wait_indirect_dma semaphore(%arg17 : memref<!tpu.dma_semaphore, #tpu.memory_space<semaphore_mem>>) src(%arg14 : memref<128x128xf32, #tpu.memory_space<vmem>>) dst(%dma_wait3A_106 : memref<10240x128xf32, #tpu.memory_space<vmem_shared>>)
      %dma_start3A_107 = tpu.memref_slice %arg4[%add3A_101] : memref<323712xi32, #tpu.memory_space<hbm>> -> memref<128xi32, #tpu.memory_space<hbm>>
      %dma_start3A_108 = tpu.memref_slice %arg4[%add3A_101] : memref<323712xi32, #tpu.memory_space<hbm>> -> memref<128xi32, #tpu.memory_space<hbm>>
      tpu.enqueue_dma source(%dma_start3A_108 : memref<128xi32, #tpu.memory_space<hbm>>) target(%arg12 : memref<128xi32, #tpu.memory_space<vmem>>) target_semaphore(%arg18 : memref<!tpu.dma_semaphore, #tpu.memory_space<semaphore_mem>>)
      %dma_wait3A_109 = tpu.memref_slice %arg3[%add3A_101] : memref<323712xi32, #tpu.memory_space<hbm>> -> memref<128xi32, #tpu.memory_space<hbm>>
      %dma_wait3A_110 = tpu.memref_slice %arg3[%add3A_101] : memref<323712xi32, #tpu.memory_space<hbm>> -> memref<128xi32, #tpu.memory_space<hbm>>
      tpu.wait_dma2 semaphore(%arg18 : memref<!tpu.dma_semaphore, #tpu.memory_space<semaphore_mem>>) src(%dma_wait3A_110 : memref<128xi32, #tpu.memory_space<hbm>>) dst(%arg11 : memref<128xi32, #tpu.memory_space<vmem>>)
      %dma_wait3A_111 = tpu.memref_slice %arg4[%add3A_101] : memref<323712xi32, #tpu.memory_space<hbm>> -> memref<128xi32, #tpu.memory_space<hbm>>
      %dma_wait3A_112 = tpu.memref_slice %arg4[%add3A_101] : memref<323712xi32, #tpu.memory_space<hbm>> -> memref<128xi32, #tpu.memory_space<hbm>>
      tpu.wait_dma2 semaphore(%arg18 : memref<!tpu.dma_semaphore, #tpu.memory_space<semaphore_mem>>) src(%dma_wait3A_112 : memref<128xi32, #tpu.memory_space<hbm>>) dst(%arg12 : memref<128xi32, #tpu.memory_space<vmem>>)
      %dma_start3A_113 = arith.constant 0 : i32
      %dma_start3A_114 = arith.constant 0 : i32
      %dma_start3A_115 = tpu.memref_slice %arg2[%dma_start3A_113, %dma_start3A_114] : memref<10000x128xf32, #tpu.memory_space<hbm>> -> memref<10000x128xf32, #tpu.memory_space<hbm>>
      tpu.enqueue_indirect_dma source(%dma_start3A_115 : memref<10000x128xf32, #tpu.memory_space<hbm>>) target(%arg14 : memref<128x128xf32, #tpu.memory_space<vmem>>) offsets(%arg11 : memref<128xi32, #tpu.memory_space<vmem>>) semaphore(%arg15 : memref<!tpu.dma_semaphore, #tpu.memory_space<semaphore_mem>>)
      %mul3A_116 = arith.constant 2 : i32
      %mul3A_117 = arith.muli %mul3A_116, %scan3A_88 : i32
      %add3A_118 = arith.constant 1 : i32
      %add3A_119 = arith.addi %mul3A_117, %add3A_118 : i32
      %dma_wait3A_120 = arith.constant 0 : i32
      %dma_wait3A_121 = arith.constant 0 : i32
      %dma_wait3A_122 = tpu.memref_slice %arg2[%dma_wait3A_120, %dma_wait3A_121] : memref<10000x128xf32, #tpu.memory_space<hbm>> -> memref<10000x128xf32, #tpu.memory_space<hbm>>
      tpu.wait_indirect_dma semaphore(%arg15 : memref<!tpu.dma_semaphore, #tpu.memory_space<semaphore_mem>>) src(%dma_wait3A_122 : memref<10000x128xf32, #tpu.memory_space<hbm>>) dst(%arg14 : memref<128x128xf32, #tpu.memory_space<vmem>>)
      %dma_start3A_123 = arith.constant 0 : i32
      %dma_start3A_124 = arith.constant 0 : i32
      %dma_start3A_125 = tpu.memref_slice %arg8[%dma_start3A_123, %dma_start3A_124] : memref<10240x128xf32, #tpu.memory_space<vmem_shared>> -> memref<10240x128xf32, #tpu.memory_space<vmem_shared>>
      tpu.enqueue_indirect_dma source(%arg14 : memref<128x128xf32, #tpu.memory_space<vmem>>) target(%dma_start3A_125 : memref<10240x128xf32, #tpu.memory_space<vmem_shared>>) offsets(%arg12 : memref<128xi32, #tpu.memory_space<vmem>>) semaphore(%arg17 : memref<!tpu.dma_semaphore, #tpu.memory_space<semaphore_mem>>) {add = true}
      %add3A_126 = arith.constant 1 : i32
      %add3A_127 = arith.addi %add3A_119, %add3A_126 : i32
      %mul3A_128 = arith.constant 128 : i32
      %mul3A_129 = arith.muli %add3A_127, %mul3A_128 : i32
      %add3A_130 = arith.addi %mul3A_2, %mul3A_129 : i32
      %dma_start3A_131 = tpu.memref_slice %arg3[%add3A_130] : memref<323712xi32, #tpu.memory_space<hbm>> -> memref<128xi32, #tpu.memory_space<hbm>>
      %dma_start3A_132 = tpu.memref_slice %arg3[%add3A_130] : memref<323712xi32, #tpu.memory_space<hbm>> -> memref<128xi32, #tpu.memory_space<hbm>>
      tpu.enqueue_dma source(%dma_start3A_132 : memref<128xi32, #tpu.memory_space<hbm>>) target(%arg9 : memref<128xi32, #tpu.memory_space<vmem>>) target_semaphore(%arg18 : memref<!tpu.dma_semaphore, #tpu.memory_space<semaphore_mem>>)
      %dma_wait3A_133 = arith.constant 0 : i32
      %dma_wait3A_134 = arith.constant 0 : i32
      %dma_wait3A_135 = tpu.memref_slice %arg8[%dma_wait3A_133, %dma_wait3A_134] : memref<10240x128xf32, #tpu.memory_space<vmem_shared>> -> memref<10240x128xf32, #tpu.memory_space<vmem_shared>>
      tpu.wait_indirect_dma semaphore(%arg16 : memref<!tpu.dma_semaphore, #tpu.memory_space<semaphore_mem>>) src(%arg13 : memref<128x128xf32, #tpu.memory_space<vmem>>) dst(%dma_wait3A_135 : memref<10240x128xf32, #tpu.memory_space<vmem_shared>>)
      %dma_start3A_136 = tpu.memref_slice %arg4[%add3A_130] : memref<323712xi32, #tpu.memory_space<hbm>> -> memref<128xi32, #tpu.memory_space<hbm>>
      %dma_start3A_137 = tpu.memref_slice %arg4[%add3A_130] : memref<323712xi32, #tpu.memory_space<hbm>> -> memref<128xi32, #tpu.memory_space<hbm>>
      tpu.enqueue_dma source(%dma_start3A_137 : memref<128xi32, #tpu.memory_space<hbm>>) target(%arg10 : memref<128xi32, #tpu.memory_space<vmem>>) target_semaphore(%arg18 : memref<!tpu.dma_semaphore, #tpu.memory_space<semaphore_mem>>)
      %dma_wait3A_138 = tpu.memref_slice %arg3[%add3A_130] : memref<323712xi32, #tpu.memory_space<hbm>> -> memref<128xi32, #tpu.memory_space<hbm>>
      %dma_wait3A_139 = tpu.memref_slice %arg3[%add3A_130] : memref<323712xi32, #tpu.memory_space<hbm>> -> memref<128xi32, #tpu.memory_space<hbm>>
      tpu.wait_dma2 semaphore(%arg18 : memref<!tpu.dma_semaphore, #tpu.memory_space<semaphore_mem>>) src(%dma_wait3A_139 : memref<128xi32, #tpu.memory_space<hbm>>) dst(%arg9 : memref<128xi32, #tpu.memory_space<vmem>>)
      %dma_wait3A_140 = tpu.memref_slice %arg4[%add3A_130] : memref<323712xi32, #tpu.memory_space<hbm>> -> memref<128xi32, #tpu.memory_space<hbm>>
      %dma_wait3A_141 = tpu.memref_slice %arg4[%add3A_130] : memref<323712xi32, #tpu.memory_space<hbm>> -> memref<128xi32, #tpu.memory_space<hbm>>
      tpu.wait_dma2 semaphore(%arg18 : memref<!tpu.dma_semaphore, #tpu.memory_space<semaphore_mem>>) src(%dma_wait3A_141 : memref<128xi32, #tpu.memory_space<hbm>>) dst(%arg10 : memref<128xi32, #tpu.memory_space<vmem>>)
      %dma_start3A_142 = arith.constant 0 : i32
      %dma_start3A_143 = arith.constant 0 : i32
      %dma_start3A_144 = tpu.memref_slice %arg2[%dma_start3A_142, %dma_start3A_143] : memref<10000x128xf32, #tpu.memory_space<hbm>> -> memref<10000x128xf32, #tpu.memory_space<hbm>>
      tpu.enqueue_indirect_dma source(%dma_start3A_144 : memref<10000x128xf32, #tpu.memory_space<hbm>>) target(%arg13 : memref<128x128xf32, #tpu.memory_space<vmem>>) offsets(%arg9 : memref<128xi32, #tpu.memory_space<vmem>>) semaphore(%arg15 : memref<!tpu.dma_semaphore, #tpu.memory_space<semaphore_mem>>)
    }
    %scan3A_24 = arith.constant 39 : i32
    %dma_wait3A = arith.constant 0 : i32
    %dma_wait3A_25 = arith.constant 0 : i32
    %dma_wait3A_26 = tpu.memref_slice %arg2[%dma_wait3A, %dma_wait3A_25] : memref<10000x128xf32, #tpu.memory_space<hbm>> -> memref<10000x128xf32, #tpu.memory_space<hbm>>
    tpu.wait_indirect_dma semaphore(%arg15 : memref<!tpu.dma_semaphore, #tpu.memory_space<semaphore_mem>>) src(%dma_wait3A_26 : memref<10000x128xf32, #tpu.memory_space<hbm>>) dst(%arg13 : memref<128x128xf32, #tpu.memory_space<vmem>>)
    %dma_start3A_27 = arith.constant 0 : i32
    %dma_start3A_28 = arith.constant 0 : i32
    %dma_start3A_29 = tpu.memref_slice %arg8[%dma_start3A_27, %dma_start3A_28] : memref<10240x128xf32, #tpu.memory_space<vmem_shared>> -> memref<10240x128xf32, #tpu.memory_space<vmem_shared>>
    tpu.enqueue_indirect_dma source(%arg13 : memref<128x128xf32, #tpu.memory_space<vmem>>) target(%dma_start3A_29 : memref<10240x128xf32, #tpu.memory_space<vmem_shared>>) offsets(%arg10 : memref<128xi32, #tpu.memory_space<vmem>>) semaphore(%arg16 : memref<!tpu.dma_semaphore, #tpu.memory_space<semaphore_mem>>) {add = true}
    %add3A_30 = arith.constant 10112 : i32
    %add3A_31 = arith.addi %mul3A_2, %add3A_30 : i32
    %dma_start3A_32 = tpu.memref_slice %arg3[%add3A_31] : memref<323712xi32, #tpu.memory_space<hbm>> -> memref<128xi32, #tpu.memory_space<hbm>>
    %dma_start3A_33 = tpu.memref_slice %arg3[%add3A_31] : memref<323712xi32, #tpu.memory_space<hbm>> -> memref<128xi32, #tpu.memory_space<hbm>>
    tpu.enqueue_dma source(%dma_start3A_33 : memref<128xi32, #tpu.memory_space<hbm>>) target(%arg11 : memref<128xi32, #tpu.memory_space<vmem>>) target_semaphore(%arg18 : memref<!tpu.dma_semaphore, #tpu.memory_space<semaphore_mem>>)
    %dma_wait3A_34 = arith.constant 0 : i32
    %dma_wait3A_35 = arith.constant 0 : i32
    %dma_wait3A_36 = tpu.memref_slice %arg8[%dma_wait3A_34, %dma_wait3A_35] : memref<10240x128xf32, #tpu.memory_space<vmem_shared>> -> memref<10240x128xf32, #tpu.memory_space<vmem_shared>>
    tpu.wait_indirect_dma semaphore(%arg17 : memref<!tpu.dma_semaphore, #tpu.memory_space<semaphore_mem>>) src(%arg14 : memref<128x128xf32, #tpu.memory_space<vmem>>) dst(%dma_wait3A_36 : memref<10240x128xf32, #tpu.memory_space<vmem_shared>>)
    %dma_start3A_37 = tpu.memref_slice %arg4[%add3A_31] : memref<323712xi32, #tpu.memory_space<hbm>> -> memref<128xi32, #tpu.memory_space<hbm>>
    %dma_start3A_38 = tpu.memref_slice %arg4[%add3A_31] : memref<323712xi32, #tpu.memory_space<hbm>> -> memref<128xi32, #tpu.memory_space<hbm>>
    tpu.enqueue_dma source(%dma_start3A_38 : memref<128xi32, #tpu.memory_space<hbm>>) target(%arg12 : memref<128xi32, #tpu.memory_space<vmem>>) target_semaphore(%arg18 : memref<!tpu.dma_semaphore, #tpu.memory_space<semaphore_mem>>)
    %dma_wait3A_39 = tpu.memref_slice %arg3[%add3A_31] : memref<323712xi32, #tpu.memory_space<hbm>> -> memref<128xi32, #tpu.memory_space<hbm>>
    %dma_wait3A_40 = tpu.memref_slice %arg3[%add3A_31] : memref<323712xi32, #tpu.memory_space<hbm>> -> memref<128xi32, #tpu.memory_space<hbm>>
    tpu.wait_dma2 semaphore(%arg18 : memref<!tpu.dma_semaphore, #tpu.memory_space<semaphore_mem>>) src(%dma_wait3A_40 : memref<128xi32, #tpu.memory_space<hbm>>) dst(%arg11 : memref<128xi32, #tpu.memory_space<vmem>>)
    %dma_wait3A_41 = tpu.memref_slice %arg4[%add3A_31] : memref<323712xi32, #tpu.memory_space<hbm>> -> memref<128xi32, #tpu.memory_space<hbm>>
    %dma_wait3A_42 = tpu.memref_slice %arg4[%add3A_31] : memref<323712xi32, #tpu.memory_space<hbm>> -> memref<128xi32, #tpu.memory_space<hbm>>
    tpu.wait_dma2 semaphore(%arg18 : memref<!tpu.dma_semaphore, #tpu.memory_space<semaphore_mem>>) src(%dma_wait3A_42 : memref<128xi32, #tpu.memory_space<hbm>>) dst(%arg12 : memref<128xi32, #tpu.memory_space<vmem>>)
    %dma_start3A_43 = arith.constant 0 : i32
    %dma_start3A_44 = arith.constant 0 : i32
    %dma_start3A_45 = tpu.memref_slice %arg2[%dma_start3A_43, %dma_start3A_44] : memref<10000x128xf32, #tpu.memory_space<hbm>> -> memref<10000x128xf32, #tpu.memory_space<hbm>>
    tpu.enqueue_indirect_dma source(%dma_start3A_45 : memref<10000x128xf32, #tpu.memory_space<hbm>>) target(%arg14 : memref<128x128xf32, #tpu.memory_space<vmem>>) offsets(%arg11 : memref<128xi32, #tpu.memory_space<vmem>>) semaphore(%arg15 : memref<!tpu.dma_semaphore, #tpu.memory_space<semaphore_mem>>)
    %dma_wait3A_46 = arith.constant 0 : i32
    %dma_wait3A_47 = arith.constant 0 : i32
    %dma_wait3A_48 = tpu.memref_slice %arg2[%dma_wait3A_46, %dma_wait3A_47] : memref<10000x128xf32, #tpu.memory_space<hbm>> -> memref<10000x128xf32, #tpu.memory_space<hbm>>
    tpu.wait_indirect_dma semaphore(%arg15 : memref<!tpu.dma_semaphore, #tpu.memory_space<semaphore_mem>>) src(%dma_wait3A_48 : memref<10000x128xf32, #tpu.memory_space<hbm>>) dst(%arg14 : memref<128x128xf32, #tpu.memory_space<vmem>>)
    %dma_wait3A_49 = arith.constant 0 : i32
    %dma_wait3A_50 = arith.constant 0 : i32
    %dma_wait3A_51 = tpu.memref_slice %arg8[%dma_wait3A_49, %dma_wait3A_50] : memref<10240x128xf32, #tpu.memory_space<vmem_shared>> -> memref<10240x128xf32, #tpu.memory_space<vmem_shared>>
    tpu.wait_indirect_dma semaphore(%arg16 : memref<!tpu.dma_semaphore, #tpu.memory_space<semaphore_mem>>) src(%arg13 : memref<128x128xf32, #tpu.memory_space<vmem>>) dst(%dma_wait3A_51 : memref<10240x128xf32, #tpu.memory_space<vmem_shared>>)
    %barrier3A_52 = arith.constant 0 : index
    tpu.barrier barrier_id(%barrier3A_52)
    %add3A_53 = arith.constant 0 : i32
    %add3A_54 = arith.addi %mul3A_4, %add3A_53 : i32
    "tpu.region"() ({
      %run_scoped3A = tpu.sem_alloc : memref<!tpu.dma_semaphore, #tpu.memory_space<semaphore_mem>>
      %dma_start3A_88 = arith.constant 0 : i32
      %dma_start3A_89 = arith.constant 0 : i32
      %dma_start3A_90 = tpu.memref_slice %arg13[%dma_start3A_88, %dma_start3A_89] : memref<128x128xf32, #tpu.memory_space<vmem>> -> memref<128x128xf32, #tpu.memory_space<vmem>>
      %dma_start3A_91 = arith.constant 0 : i32
      %dma_start3A_92 = tpu.memref_slice %arg8[%add3A_54, %dma_start3A_91] : memref<10240x128xf32, #tpu.memory_space<vmem_shared>> -> memref<128x128xf32, #tpu.memory_space<vmem_shared>>
      %dma_start3A_93 = arith.constant 0 : i32
      %dma_start3A_94 = arith.constant 0 : i32
      %dma_start3A_95 = tpu.memref_slice %arg13[%dma_start3A_93, %dma_start3A_94] : memref<128x128xf32, #tpu.memory_space<vmem>> -> memref<128x128xf32, #tpu.memory_space<vmem>>
      %dma_start3A_96 = arith.constant 0 : i32
      %dma_start3A_97 = tpu.memref_slice %arg8[%add3A_54, %dma_start3A_96] : memref<10240x128xf32, #tpu.memory_space<vmem_shared>> -> memref<128x128xf32, #tpu.memory_space<vmem_shared>>
      tpu.enqueue_dma source(%dma_start3A_97 : memref<128x128xf32, #tpu.memory_space<vmem_shared>>) target(%dma_start3A_95 : memref<128x128xf32, #tpu.memory_space<vmem>>) target_semaphore(%run_scoped3A : memref<!tpu.dma_semaphore, #tpu.memory_space<semaphore_mem>>)
      %dma_wait3A_98 = arith.constant 0 : i32
      %dma_wait3A_99 = arith.constant 0 : i32
      %dma_wait3A_100 = tpu.memref_slice %arg13[%dma_wait3A_98, %dma_wait3A_99] : memref<128x128xf32, #tpu.memory_space<vmem>> -> memref<128x128xf32, #tpu.memory_space<vmem>>
      %dma_wait3A_101 = arith.constant 0 : i32
      %dma_wait3A_102 = tpu.memref_slice %arg8[%add3A_54, %dma_wait3A_101] : memref<10240x128xf32, #tpu.memory_space<vmem_shared>> -> memref<128x128xf32, #tpu.memory_space<vmem_shared>>
      %dma_wait3A_103 = arith.constant 0 : i32
      %dma_wait3A_104 = arith.constant 0 : i32
      %dma_wait3A_105 = tpu.memref_slice %arg13[%dma_wait3A_103, %dma_wait3A_104] : memref<128x128xf32, #tpu.memory_space<vmem>> -> memref<128x128xf32, #tpu.memory_space<vmem>>
      %dma_wait3A_106 = arith.constant 0 : i32
      %dma_wait3A_107 = tpu.memref_slice %arg8[%add3A_54, %dma_wait3A_106] : memref<10240x128xf32, #tpu.memory_space<vmem_shared>> -> memref<128x128xf32, #tpu.memory_space<vmem_shared>>
      tpu.wait_dma2 semaphore(%run_scoped3A : memref<!tpu.dma_semaphore, #tpu.memory_space<semaphore_mem>>) src(%dma_wait3A_107 : memref<128x128xf32, #tpu.memory_space<vmem_shared>>) dst(%dma_wait3A_105 : memref<128x128xf32, #tpu.memory_space<vmem>>)
      tpu.yield
    }) : () -> ()
    %mul3A_55 = arith.constant 10240 : i32
    %mul3A_56 = arith.muli %arg0, %mul3A_55 : i32
    %add3A_57 = arith.addi %mul3A_56, %mul3A_4 : i32
    %add3A_58 = arith.constant 0 : i32
    %add3A_59 = arith.addi %add3A_57, %add3A_58 : i32
    "tpu.region"() ({
      %run_scoped3A = tpu.sem_alloc : memref<!tpu.dma_semaphore, #tpu.memory_space<semaphore_mem>>
      %dma_start3A_88 = arith.constant 0 : i32
      %dma_start3A_89 = arith.constant 0 : i32
      %dma_start3A_90 = tpu.memref_slice %arg13[%dma_start3A_88, %dma_start3A_89] : memref<128x128xf32, #tpu.memory_space<vmem>> -> memref<128x128xf32, #tpu.memory_space<vmem>>
      %dma_start3A_91 = arith.constant 0 : i32
      %dma_start3A_92 = tpu.memref_slice %arg7[%add3A_59, %dma_start3A_91] : memref<20480x128xf32, #tpu.memory_space<hbm>> -> memref<128x128xf32, #tpu.memory_space<hbm>>
      %dma_start3A_93 = arith.constant 0 : i32
      %dma_start3A_94 = tpu.memref_slice %arg7[%add3A_59, %dma_start3A_93] : memref<20480x128xf32, #tpu.memory_space<hbm>> -> memref<128x128xf32, #tpu.memory_space<hbm>>
      %dma_start3A_95 = arith.constant 0 : i32
      %dma_start3A_96 = arith.constant 0 : i32
      %dma_start3A_97 = tpu.memref_slice %arg13[%dma_start3A_95, %dma_start3A_96] : memref<128x128xf32, #tpu.memory_space<vmem>> -> memref<128x128xf32, #tpu.memory_space<vmem>>
      tpu.enqueue_dma source(%dma_start3A_97 : memref<128x128xf32, #tpu.memory_space<vmem>>) target(%dma_start3A_94 : memref<128x128xf32, #tpu.memory_space<hbm>>) target_semaphore(%run_scoped3A : memref<!tpu.dma_semaphore, #tpu.memory_space<semaphore_mem>>)
      %dma_wait3A_98 = arith.constant 0 : i32
      %dma_wait3A_99 = arith.constant 0 : i32
      %dma_wait3A_100 = tpu.memref_slice %arg13[%dma_wait3A_98, %dma_wait3A_99] : memref<128x128xf32, #tpu.memory_space<vmem>> -> memref<128x128xf32, #tpu.memory_space<vmem>>
      %dma_wait3A_101 = arith.constant 0 : i32
      %dma_wait3A_102 = tpu.memref_slice %arg7[%add3A_59, %dma_wait3A_101] : memref<20480x128xf32, #tpu.memory_space<hbm>> -> memref<128x128xf32, #tpu.memory_space<hbm>>
      %dma_wait3A_103 = arith.constant 0 : i32
      %dma_wait3A_104 = tpu.memref_slice %arg7[%add3A_59, %dma_wait3A_103] : memref<20480x128xf32, #tpu.memory_space<hbm>> -> memref<128x128xf32, #tpu.memory_space<hbm>>
      %dma_wait3A_105 = arith.constant 0 : i32
      %dma_wait3A_106 = arith.constant 0 : i32
      %dma_wait3A_107 = tpu.memref_slice %arg13[%dma_wait3A_105, %dma_wait3A_106] : memref<128x128xf32, #tpu.memory_space<vmem>> -> memref<128x128xf32, #tpu.memory_space<vmem>>
      tpu.wait_dma2 semaphore(%run_scoped3A : memref<!tpu.dma_semaphore, #tpu.memory_space<semaphore_mem>>) src(%dma_wait3A_107 : memref<128x128xf32, #tpu.memory_space<vmem>>) dst(%dma_wait3A_104 : memref<128x128xf32, #tpu.memory_space<hbm>>)
      tpu.yield
    }) : () -> ()
    %add3A_60 = arith.constant 128 : i32
    %add3A_61 = arith.addi %mul3A_4, %add3A_60 : i32
    "tpu.region"() ({
      %run_scoped3A = tpu.sem_alloc : memref<!tpu.dma_semaphore, #tpu.memory_space<semaphore_mem>>
      %dma_start3A_88 = arith.constant 0 : i32
      %dma_start3A_89 = arith.constant 0 : i32
      %dma_start3A_90 = tpu.memref_slice %arg13[%dma_start3A_88, %dma_start3A_89] : memref<128x128xf32, #tpu.memory_space<vmem>> -> memref<128x128xf32, #tpu.memory_space<vmem>>
      %dma_start3A_91 = arith.constant 0 : i32
      %dma_start3A_92 = tpu.memref_slice %arg8[%add3A_61, %dma_start3A_91] : memref<10240x128xf32, #tpu.memory_space<vmem_shared>> -> memref<128x128xf32, #tpu.memory_space<vmem_shared>>
      %dma_start3A_93 = arith.constant 0 : i32
      %dma_start3A_94 = arith.constant 0 : i32
      %dma_start3A_95 = tpu.memref_slice %arg13[%dma_start3A_93, %dma_start3A_94] : memref<128x128xf32, #tpu.memory_space<vmem>> -> memref<128x128xf32, #tpu.memory_space<vmem>>
      %dma_start3A_96 = arith.constant 0 : i32
      %dma_start3A_97 = tpu.memref_slice %arg8[%add3A_61, %dma_start3A_96] : memref<10240x128xf32, #tpu.memory_space<vmem_shared>> -> memref<128x128xf32, #tpu.memory_space<vmem_shared>>
      tpu.enqueue_dma source(%dma_start3A_97 : memref<128x128xf32, #tpu.memory_space<vmem_shared>>) target(%dma_start3A_95 : memref<128x128xf32, #tpu.memory_space<vmem>>) target_semaphore(%run_scoped3A : memref<!tpu.dma_semaphore, #tpu.memory_space<semaphore_mem>>)
      %dma_wait3A_98 = arith.constant 0 : i32
      %dma_wait3A_99 = arith.constant 0 : i32
      %dma_wait3A_100 = tpu.memref_slice %arg13[%dma_wait3A_98, %dma_wait3A_99] : memref<128x128xf32, #tpu.memory_space<vmem>> -> memref<128x128xf32, #tpu.memory_space<vmem>>
      %dma_wait3A_101 = arith.constant 0 : i32
      %dma_wait3A_102 = tpu.memref_slice %arg8[%add3A_61, %dma_wait3A_101] : memref<10240x128xf32, #tpu.memory_space<vmem_shared>> -> memref<128x128xf32, #tpu.memory_space<vmem_shared>>
      %dma_wait3A_103 = arith.constant 0 : i32
      %dma_wait3A_104 = arith.constant 0 : i32
      %dma_wait3A_105 = tpu.memref_slice %arg13[%dma_wait3A_103, %dma_wait3A_104] : memref<128x128xf32, #tpu.memory_space<vmem>> -> memref<128x128xf32, #tpu.memory_space<vmem>>
      %dma_wait3A_106 = arith.constant 0 : i32
      %dma_wait3A_107 = tpu.memref_slice %arg8[%add3A_61, %dma_wait3A_106] : memref<10240x128xf32, #tpu.memory_space<vmem_shared>> -> memref<128x128xf32, #tpu.memory_space<vmem_shared>>
      tpu.wait_dma2 semaphore(%run_scoped3A : memref<!tpu.dma_semaphore, #tpu.memory_space<semaphore_mem>>) src(%dma_wait3A_107 : memref<128x128xf32, #tpu.memory_space<vmem_shared>>) dst(%dma_wait3A_105 : memref<128x128xf32, #tpu.memory_space<vmem>>)
      tpu.yield
    }) : () -> ()
    %mul3A_62 = arith.constant 10240 : i32
    %mul3A_63 = arith.muli %arg0, %mul3A_62 : i32
    %add3A_64 = arith.addi %mul3A_63, %mul3A_4 : i32
    %add3A_65 = arith.constant 128 : i32
    %add3A_66 = arith.addi %add3A_64, %add3A_65 : i32
    "tpu.region"() ({
      %run_scoped3A = tpu.sem_alloc : memref<!tpu.dma_semaphore, #tpu.memory_space<semaphore_mem>>
      %dma_start3A_88 = arith.constant 0 : i32
      %dma_start3A_89 = arith.constant 0 : i32
      %dma_start3A_90 = tpu.memref_slice %arg13[%dma_start3A_88, %dma_start3A_89] : memref<128x128xf32, #tpu.memory_space<vmem>> -> memref<128x128xf32, #tpu.memory_space<vmem>>
      %dma_start3A_91 = arith.constant 0 : i32
      %dma_start3A_92 = tpu.memref_slice %arg7[%add3A_66, %dma_start3A_91] : memref<20480x128xf32, #tpu.memory_space<hbm>> -> memref<128x128xf32, #tpu.memory_space<hbm>>
      %dma_start3A_93 = arith.constant 0 : i32
      %dma_start3A_94 = tpu.memref_slice %arg7[%add3A_66, %dma_start3A_93] : memref<20480x128xf32, #tpu.memory_space<hbm>> -> memref<128x128xf32, #tpu.memory_space<hbm>>
      %dma_start3A_95 = arith.constant 0 : i32
      %dma_start3A_96 = arith.constant 0 : i32
      %dma_start3A_97 = tpu.memref_slice %arg13[%dma_start3A_95, %dma_start3A_96] : memref<128x128xf32, #tpu.memory_space<vmem>> -> memref<128x128xf32, #tpu.memory_space<vmem>>
      tpu.enqueue_dma source(%dma_start3A_97 : memref<128x128xf32, #tpu.memory_space<vmem>>) target(%dma_start3A_94 : memref<128x128xf32, #tpu.memory_space<hbm>>) target_semaphore(%run_scoped3A : memref<!tpu.dma_semaphore, #tpu.memory_space<semaphore_mem>>)
      %dma_wait3A_98 = arith.constant 0 : i32
      %dma_wait3A_99 = arith.constant 0 : i32
      %dma_wait3A_100 = tpu.memref_slice %arg13[%dma_wait3A_98, %dma_wait3A_99] : memref<128x128xf32, #tpu.memory_space<vmem>> -> memref<128x128xf32, #tpu.memory_space<vmem>>
      %dma_wait3A_101 = arith.constant 0 : i32
      %dma_wait3A_102 = tpu.memref_slice %arg7[%add3A_66, %dma_wait3A_101] : memref<20480x128xf32, #tpu.memory_space<hbm>> -> memref<128x128xf32, #tpu.memory_space<hbm>>
      %dma_wait3A_103 = arith.constant 0 : i32
      %dma_wait3A_104 = tpu.memref_slice %arg7[%add3A_66, %dma_wait3A_103] : memref<20480x128xf32, #tpu.memory_space<hbm>> -> memref<128x128xf32, #tpu.memory_space<hbm>>
      %dma_wait3A_105 = arith.constant 0 : i32
      %dma_wait3A_106 = arith.constant 0 : i32
      %dma_wait3A_107 = tpu.memref_slice %arg13[%dma_wait3A_105, %dma_wait3A_106] : memref<128x128xf32, #tpu.memory_space<vmem>> -> memref<128x128xf32, #tpu.memory_space<vmem>>
      tpu.wait_dma2 semaphore(%run_scoped3A : memref<!tpu.dma_semaphore, #tpu.memory_space<semaphore_mem>>) src(%dma_wait3A_107 : memref<128x128xf32, #tpu.memory_space<vmem>>) dst(%dma_wait3A_104 : memref<128x128xf32, #tpu.memory_space<hbm>>)
      tpu.yield
    }) : () -> ()
    %add3A_67 = arith.constant 256 : i32
    %add3A_68 = arith.addi %mul3A_4, %add3A_67 : i32
    "tpu.region"() ({
      %run_scoped3A = tpu.sem_alloc : memref<!tpu.dma_semaphore, #tpu.memory_space<semaphore_mem>>
      %dma_start3A_88 = arith.constant 0 : i32
      %dma_start3A_89 = arith.constant 0 : i32
      %dma_start3A_90 = tpu.memref_slice %arg13[%dma_start3A_88, %dma_start3A_89] : memref<128x128xf32, #tpu.memory_space<vmem>> -> memref<128x128xf32, #tpu.memory_space<vmem>>
      %dma_start3A_91 = arith.constant 0 : i32
      %dma_start3A_92 = tpu.memref_slice %arg8[%add3A_68, %dma_start3A_91] : memref<10240x128xf32, #tpu.memory_space<vmem_shared>> -> memref<128x128xf32, #tpu.memory_space<vmem_shared>>
      %dma_start3A_93 = arith.constant 0 : i32
      %dma_start3A_94 = arith.constant 0 : i32
      %dma_start3A_95 = tpu.memref_slice %arg13[%dma_start3A_93, %dma_start3A_94] : memref<128x128xf32, #tpu.memory_space<vmem>> -> memref<128x128xf32, #tpu.memory_space<vmem>>
      %dma_start3A_96 = arith.constant 0 : i32
      %dma_start3A_97 = tpu.memref_slice %arg8[%add3A_68, %dma_start3A_96] : memref<10240x128xf32, #tpu.memory_space<vmem_shared>> -> memref<128x128xf32, #tpu.memory_space<vmem_shared>>
      tpu.enqueue_dma source(%dma_start3A_97 : memref<128x128xf32, #tpu.memory_space<vmem_shared>>) target(%dma_start3A_95 : memref<128x128xf32, #tpu.memory_space<vmem>>) target_semaphore(%run_scoped3A : memref<!tpu.dma_semaphore, #tpu.memory_space<semaphore_mem>>)
      %dma_wait3A_98 = arith.constant 0 : i32
      %dma_wait3A_99 = arith.constant 0 : i32
      %dma_wait3A_100 = tpu.memref_slice %arg13[%dma_wait3A_98, %dma_wait3A_99] : memref<128x128xf32, #tpu.memory_space<vmem>> -> memref<128x128xf32, #tpu.memory_space<vmem>>
      %dma_wait3A_101 = arith.constant 0 : i32
      %dma_wait3A_102 = tpu.memref_slice %arg8[%add3A_68, %dma_wait3A_101] : memref<10240x128xf32, #tpu.memory_space<vmem_shared>> -> memref<128x128xf32, #tpu.memory_space<vmem_shared>>
      %dma_wait3A_103 = arith.constant 0 : i32
      %dma_wait3A_104 = arith.constant 0 : i32
      %dma_wait3A_105 = tpu.memref_slice %arg13[%dma_wait3A_103, %dma_wait3A_104] : memref<128x128xf32, #tpu.memory_space<vmem>> -> memref<128x128xf32, #tpu.memory_space<vmem>>
      %dma_wait3A_106 = arith.constant 0 : i32
      %dma_wait3A_107 = tpu.memref_slice %arg8[%add3A_68, %dma_wait3A_106] : memref<10240x128xf32, #tpu.memory_space<vmem_shared>> -> memref<128x128xf32, #tpu.memory_space<vmem_shared>>
      tpu.wait_dma2 semaphore(%run_scoped3A : memref<!tpu.dma_semaphore, #tpu.memory_space<semaphore_mem>>) src(%dma_wait3A_107 : memref<128x128xf32, #tpu.memory_space<vmem_shared>>) dst(%dma_wait3A_105 : memref<128x128xf32, #tpu.memory_space<vmem>>)
      tpu.yield
    }) : () -> ()
    %mul3A_69 = arith.constant 10240 : i32
    %mul3A_70 = arith.muli %arg0, %mul3A_69 : i32
    %add3A_71 = arith.addi %mul3A_70, %mul3A_4 : i32
    %add3A_72 = arith.constant 256 : i32
    %add3A_73 = arith.addi %add3A_71, %add3A_72 : i32
    "tpu.region"() ({
      %run_scoped3A = tpu.sem_alloc : memref<!tpu.dma_semaphore, #tpu.memory_space<semaphore_mem>>
      %dma_start3A_88 = arith.constant 0 : i32
      %dma_start3A_89 = arith.constant 0 : i32
      %dma_start3A_90 = tpu.memref_slice %arg13[%dma_start3A_88, %dma_start3A_89] : memref<128x128xf32, #tpu.memory_space<vmem>> -> memref<128x128xf32, #tpu.memory_space<vmem>>
      %dma_start3A_91 = arith.constant 0 : i32
      %dma_start3A_92 = tpu.memref_slice %arg7[%add3A_73, %dma_start3A_91] : memref<20480x128xf32, #tpu.memory_space<hbm>> -> memref<128x128xf32, #tpu.memory_space<hbm>>
      %dma_start3A_93 = arith.constant 0 : i32
      %dma_start3A_94 = tpu.memref_slice %arg7[%add3A_73, %dma_start3A_93] : memref<20480x128xf32, #tpu.memory_space<hbm>> -> memref<128x128xf32, #tpu.memory_space<hbm>>
      %dma_start3A_95 = arith.constant 0 : i32
      %dma_start3A_96 = arith.constant 0 : i32
      %dma_start3A_97 = tpu.memref_slice %arg13[%dma_start3A_95, %dma_start3A_96] : memref<128x128xf32, #tpu.memory_space<vmem>> -> memref<128x128xf32, #tpu.memory_space<vmem>>
      tpu.enqueue_dma source(%dma_start3A_97 : memref<128x128xf32, #tpu.memory_space<vmem>>) target(%dma_start3A_94 : memref<128x128xf32, #tpu.memory_space<hbm>>) target_semaphore(%run_scoped3A : memref<!tpu.dma_semaphore, #tpu.memory_space<semaphore_mem>>)
      %dma_wait3A_98 = arith.constant 0 : i32
      %dma_wait3A_99 = arith.constant 0 : i32
      %dma_wait3A_100 = tpu.memref_slice %arg13[%dma_wait3A_98, %dma_wait3A_99] : memref<128x128xf32, #tpu.memory_space<vmem>> -> memref<128x128xf32, #tpu.memory_space<vmem>>
      %dma_wait3A_101 = arith.constant 0 : i32
      %dma_wait3A_102 = tpu.memref_slice %arg7[%add3A_73, %dma_wait3A_101] : memref<20480x128xf32, #tpu.memory_space<hbm>> -> memref<128x128xf32, #tpu.memory_space<hbm>>
      %dma_wait3A_103 = arith.constant 0 : i32
      %dma_wait3A_104 = tpu.memref_slice %arg7[%add3A_73, %dma_wait3A_103] : memref<20480x128xf32, #tpu.memory_space<hbm>> -> memref<128x128xf32, #tpu.memory_space<hbm>>
      %dma_wait3A_105 = arith.constant 0 : i32
      %dma_wait3A_106 = arith.constant 0 : i32
      %dma_wait3A_107 = tpu.memref_slice %arg13[%dma_wait3A_105, %dma_wait3A_106] : memref<128x128xf32, #tpu.memory_space<vmem>> -> memref<128x128xf32, #tpu.memory_space<vmem>>
      tpu.wait_dma2 semaphore(%run_scoped3A : memref<!tpu.dma_semaphore, #tpu.memory_space<semaphore_mem>>) src(%dma_wait3A_107 : memref<128x128xf32, #tpu.memory_space<vmem>>) dst(%dma_wait3A_104 : memref<128x128xf32, #tpu.memory_space<hbm>>)
      tpu.yield
    }) : () -> ()
    %add3A_74 = arith.constant 384 : i32
    %add3A_75 = arith.addi %mul3A_4, %add3A_74 : i32
    "tpu.region"() ({
      %run_scoped3A = tpu.sem_alloc : memref<!tpu.dma_semaphore, #tpu.memory_space<semaphore_mem>>
      %dma_start3A_88 = arith.constant 0 : i32
      %dma_start3A_89 = arith.constant 0 : i32
      %dma_start3A_90 = tpu.memref_slice %arg13[%dma_start3A_88, %dma_start3A_89] : memref<128x128xf32, #tpu.memory_space<vmem>> -> memref<128x128xf32, #tpu.memory_space<vmem>>
      %dma_start3A_91 = arith.constant 0 : i32
      %dma_start3A_92 = tpu.memref_slice %arg8[%add3A_75, %dma_start3A_91] : memref<10240x128xf32, #tpu.memory_space<vmem_shared>> -> memref<128x128xf32, #tpu.memory_space<vmem_shared>>
      %dma_start3A_93 = arith.constant 0 : i32
      %dma_start3A_94 = arith.constant 0 : i32
      %dma_start3A_95 = tpu.memref_slice %arg13[%dma_start3A_93, %dma_start3A_94] : memref<128x128xf32, #tpu.memory_space<vmem>> -> memref<128x128xf32, #tpu.memory_space<vmem>>
      %dma_start3A_96 = arith.constant 0 : i32
      %dma_start3A_97 = tpu.memref_slice %arg8[%add3A_75, %dma_start3A_96] : memref<10240x128xf32, #tpu.memory_space<vmem_shared>> -> memref<128x128xf32, #tpu.memory_space<vmem_shared>>
      tpu.enqueue_dma source(%dma_start3A_97 : memref<128x128xf32, #tpu.memory_space<vmem_shared>>) target(%dma_start3A_95 : memref<128x128xf32, #tpu.memory_space<vmem>>) target_semaphore(%run_scoped3A : memref<!tpu.dma_semaphore, #tpu.memory_space<semaphore_mem>>)
      %dma_wait3A_98 = arith.constant 0 : i32
      %dma_wait3A_99 = arith.constant 0 : i32
      %dma_wait3A_100 = tpu.memref_slice %arg13[%dma_wait3A_98, %dma_wait3A_99] : memref<128x128xf32, #tpu.memory_space<vmem>> -> memref<128x128xf32, #tpu.memory_space<vmem>>
      %dma_wait3A_101 = arith.constant 0 : i32
      %dma_wait3A_102 = tpu.memref_slice %arg8[%add3A_75, %dma_wait3A_101] : memref<10240x128xf32, #tpu.memory_space<vmem_shared>> -> memref<128x128xf32, #tpu.memory_space<vmem_shared>>
      %dma_wait3A_103 = arith.constant 0 : i32
      %dma_wait3A_104 = arith.constant 0 : i32
      %dma_wait3A_105 = tpu.memref_slice %arg13[%dma_wait3A_103, %dma_wait3A_104] : memref<128x128xf32, #tpu.memory_space<vmem>> -> memref<128x128xf32, #tpu.memory_space<vmem>>
      %dma_wait3A_106 = arith.constant 0 : i32
      %dma_wait3A_107 = tpu.memref_slice %arg8[%add3A_75, %dma_wait3A_106] : memref<10240x128xf32, #tpu.memory_space<vmem_shared>> -> memref<128x128xf32, #tpu.memory_space<vmem_shared>>
      tpu.wait_dma2 semaphore(%run_scoped3A : memref<!tpu.dma_semaphore, #tpu.memory_space<semaphore_mem>>) src(%dma_wait3A_107 : memref<128x128xf32, #tpu.memory_space<vmem_shared>>) dst(%dma_wait3A_105 : memref<128x128xf32, #tpu.memory_space<vmem>>)
      tpu.yield
    }) : () -> ()
    %mul3A_76 = arith.constant 10240 : i32
    %mul3A_77 = arith.muli %arg0, %mul3A_76 : i32
    %add3A_78 = arith.addi %mul3A_77, %mul3A_4 : i32
    %add3A_79 = arith.constant 384 : i32
    %add3A_80 = arith.addi %add3A_78, %add3A_79 : i32
    "tpu.region"() ({
      %run_scoped3A = tpu.sem_alloc : memref<!tpu.dma_semaphore, #tpu.memory_space<semaphore_mem>>
      %dma_start3A_88 = arith.constant 0 : i32
      %dma_start3A_89 = arith.constant 0 : i32
      %dma_start3A_90 = tpu.memref_slice %arg13[%dma_start3A_88, %dma_start3A_89] : memref<128x128xf32, #tpu.memory_space<vmem>> -> memref<128x128xf32, #tpu.memory_space<vmem>>
      %dma_start3A_91 = arith.constant 0 : i32
      %dma_start3A_92 = tpu.memref_slice %arg7[%add3A_80, %dma_start3A_91] : memref<20480x128xf32, #tpu.memory_space<hbm>> -> memref<128x128xf32, #tpu.memory_space<hbm>>
      %dma_start3A_93 = arith.constant 0 : i32
      %dma_start3A_94 = tpu.memref_slice %arg7[%add3A_80, %dma_start3A_93] : memref<20480x128xf32, #tpu.memory_space<hbm>> -> memref<128x128xf32, #tpu.memory_space<hbm>>
      %dma_start3A_95 = arith.constant 0 : i32
      %dma_start3A_96 = arith.constant 0 : i32
      %dma_start3A_97 = tpu.memref_slice %arg13[%dma_start3A_95, %dma_start3A_96] : memref<128x128xf32, #tpu.memory_space<vmem>> -> memref<128x128xf32, #tpu.memory_space<vmem>>
      tpu.enqueue_dma source(%dma_start3A_97 : memref<128x128xf32, #tpu.memory_space<vmem>>) target(%dma_start3A_94 : memref<128x128xf32, #tpu.memory_space<hbm>>) target_semaphore(%run_scoped3A : memref<!tpu.dma_semaphore, #tpu.memory_space<semaphore_mem>>)
      %dma_wait3A_98 = arith.constant 0 : i32
      %dma_wait3A_99 = arith.constant 0 : i32
      %dma_wait3A_100 = tpu.memref_slice %arg13[%dma_wait3A_98, %dma_wait3A_99] : memref<128x128xf32, #tpu.memory_space<vmem>> -> memref<128x128xf32, #tpu.memory_space<vmem>>
      %dma_wait3A_101 = arith.constant 0 : i32
      %dma_wait3A_102 = tpu.memref_slice %arg7[%add3A_80, %dma_wait3A_101] : memref<20480x128xf32, #tpu.memory_space<hbm>> -> memref<128x128xf32, #tpu.memory_space<hbm>>
      %dma_wait3A_103 = arith.constant 0 : i32
      %dma_wait3A_104 = tpu.memref_slice %arg7[%add3A_80, %dma_wait3A_103] : memref<20480x128xf32, #tpu.memory_space<hbm>> -> memref<128x128xf32, #tpu.memory_space<hbm>>
      %dma_wait3A_105 = arith.constant 0 : i32
      %dma_wait3A_106 = arith.constant 0 : i32
      %dma_wait3A_107 = tpu.memref_slice %arg13[%dma_wait3A_105, %dma_wait3A_106] : memref<128x128xf32, #tpu.memory_space<vmem>> -> memref<128x128xf32, #tpu.memory_space<vmem>>
      tpu.wait_dma2 semaphore(%run_scoped3A : memref<!tpu.dma_semaphore, #tpu.memory_space<semaphore_mem>>) src(%dma_wait3A_107 : memref<128x128xf32, #tpu.memory_space<vmem>>) dst(%dma_wait3A_104 : memref<128x128xf32, #tpu.memory_space<hbm>>)
      tpu.yield
    }) : () -> ()
    %add3A_81 = arith.constant 512 : i32
    %add3A_82 = arith.addi %mul3A_4, %add3A_81 : i32
    "tpu.region"() ({
      %run_scoped3A = tpu.sem_alloc : memref<!tpu.dma_semaphore, #tpu.memory_space<semaphore_mem>>
      %dma_start3A_88 = arith.constant 0 : i32
      %dma_start3A_89 = arith.constant 0 : i32
      %dma_start3A_90 = tpu.memref_slice %arg13[%dma_start3A_88, %dma_start3A_89] : memref<128x128xf32, #tpu.memory_space<vmem>> -> memref<128x128xf32, #tpu.memory_space<vmem>>
      %dma_start3A_91 = arith.constant 0 : i32
      %dma_start3A_92 = tpu.memref_slice %arg8[%add3A_82, %dma_start3A_91] : memref<10240x128xf32, #tpu.memory_space<vmem_shared>> -> memref<128x128xf32, #tpu.memory_space<vmem_shared>>
      %dma_start3A_93 = arith.constant 0 : i32
      %dma_start3A_94 = arith.constant 0 : i32
      %dma_start3A_95 = tpu.memref_slice %arg13[%dma_start3A_93, %dma_start3A_94] : memref<128x128xf32, #tpu.memory_space<vmem>> -> memref<128x128xf32, #tpu.memory_space<vmem>>
      %dma_start3A_96 = arith.constant 0 : i32
      %dma_start3A_97 = tpu.memref_slice %arg8[%add3A_82, %dma_start3A_96] : memref<10240x128xf32, #tpu.memory_space<vmem_shared>> -> memref<128x128xf32, #tpu.memory_space<vmem_shared>>
      tpu.enqueue_dma source(%dma_start3A_97 : memref<128x128xf32, #tpu.memory_space<vmem_shared>>) target(%dma_start3A_95 : memref<128x128xf32, #tpu.memory_space<vmem>>) target_semaphore(%run_scoped3A : memref<!tpu.dma_semaphore, #tpu.memory_space<semaphore_mem>>)
      %dma_wait3A_98 = arith.constant 0 : i32
      %dma_wait3A_99 = arith.constant 0 : i32
      %dma_wait3A_100 = tpu.memref_slice %arg13[%dma_wait3A_98, %dma_wait3A_99] : memref<128x128xf32, #tpu.memory_space<vmem>> -> memref<128x128xf32, #tpu.memory_space<vmem>>
      %dma_wait3A_101 = arith.constant 0 : i32
      %dma_wait3A_102 = tpu.memref_slice %arg8[%add3A_82, %dma_wait3A_101] : memref<10240x128xf32, #tpu.memory_space<vmem_shared>> -> memref<128x128xf32, #tpu.memory_space<vmem_shared>>
      %dma_wait3A_103 = arith.constant 0 : i32
      %dma_wait3A_104 = arith.constant 0 : i32
      %dma_wait3A_105 = tpu.memref_slice %arg13[%dma_wait3A_103, %dma_wait3A_104] : memref<128x128xf32, #tpu.memory_space<vmem>> -> memref<128x128xf32, #tpu.memory_space<vmem>>
      %dma_wait3A_106 = arith.constant 0 : i32
      %dma_wait3A_107 = tpu.memref_slice %arg8[%add3A_82, %dma_wait3A_106] : memref<10240x128xf32, #tpu.memory_space<vmem_shared>> -> memref<128x128xf32, #tpu.memory_space<vmem_shared>>
      tpu.wait_dma2 semaphore(%run_scoped3A : memref<!tpu.dma_semaphore, #tpu.memory_space<semaphore_mem>>) src(%dma_wait3A_107 : memref<128x128xf32, #tpu.memory_space<vmem_shared>>) dst(%dma_wait3A_105 : memref<128x128xf32, #tpu.memory_space<vmem>>)
      tpu.yield
    }) : () -> ()
    %mul3A_83 = arith.constant 10240 : i32
    %mul3A_84 = arith.muli %arg0, %mul3A_83 : i32
    %add3A_85 = arith.addi %mul3A_84, %mul3A_4 : i32
    %add3A_86 = arith.constant 512 : i32
    %add3A_87 = arith.addi %add3A_85, %add3A_86 : i32
    "tpu.region"() ({
      %run_scoped3A = tpu.sem_alloc : memref<!tpu.dma_semaphore, #tpu.memory_space<semaphore_mem>>
      %dma_start3A_88 = arith.constant 0 : i32
      %dma_start3A_89 = arith.constant 0 : i32
      %dma_start3A_90 = tpu.memref_slice %arg13[%dma_start3A_88, %dma_start3A_89] : memref<128x128xf32, #tpu.memory_space<vmem>> -> memref<128x128xf32, #tpu.memory_space<vmem>>
      %dma_start3A_91 = arith.constant 0 : i32
      %dma_start3A_92 = tpu.memref_slice %arg7[%add3A_87, %dma_start3A_91] : memref<20480x128xf32, #tpu.memory_space<hbm>> -> memref<128x128xf32, #tpu.memory_space<hbm>>
      %dma_start3A_93 = arith.constant 0 : i32
      %dma_start3A_94 = tpu.memref_slice %arg7[%add3A_87, %dma_start3A_93] : memref<20480x128xf32, #tpu.memory_space<hbm>> -> memref<128x128xf32, #tpu.memory_space<hbm>>
      %dma_start3A_95 = arith.constant 0 : i32
      %dma_start3A_96 = arith.constant 0 : i32
      %dma_start3A_97 = tpu.memref_slice %arg13[%dma_start3A_95, %dma_start3A_96] : memref<128x128xf32, #tpu.memory_space<vmem>> -> memref<128x128xf32, #tpu.memory_space<vmem>>
      tpu.enqueue_dma source(%dma_start3A_97 : memref<128x128xf32, #tpu.memory_space<vmem>>) target(%dma_start3A_94 : memref<128x128xf32, #tpu.memory_space<hbm>>) target_semaphore(%run_scoped3A : memref<!tpu.dma_semaphore, #tpu.memory_space<semaphore_mem>>)
      %dma_wait3A_98 = arith.constant 0 : i32
      %dma_wait3A_99 = arith.constant 0 : i32
      %dma_wait3A_100 = tpu.memref_slice %arg13[%dma_wait3A_98, %dma_wait3A_99] : memref<128x128xf32, #tpu.memory_space<vmem>> -> memref<128x128xf32, #tpu.memory_space<vmem>>
      %dma_wait3A_101 = arith.constant 0 : i32
      %dma_wait3A_102 = tpu.memref_slice %arg7[%add3A_87, %dma_wait3A_101] : memref<20480x128xf32, #tpu.memory_space<hbm>> -> memref<128x128xf32, #tpu.memory_space<hbm>>
      %dma_wait3A_103 = arith.constant 0 : i32
      %dma_wait3A_104 = tpu.memref_slice %arg7[%add3A_87, %dma_wait3A_103] : memref<20480x128xf32, #tpu.memory_space<hbm>> -> memref<128x128xf32, #tpu.memory_space<hbm>>
      %dma_wait3A_105 = arith.constant 0 : i32
      %dma_wait3A_106 = arith.constant 0 : i32
      %dma_wait3A_107 = tpu.memref_slice %arg13[%dma_wait3A_105, %dma_wait3A_106] : memref<128x128xf32, #tpu.memory_space<vmem>> -> memref<128x128xf32, #tpu.memory_space<vmem>>
      tpu.wait_dma2 semaphore(%run_scoped3A : memref<!tpu.dma_semaphore, #tpu.memory_space<semaphore_mem>>) src(%dma_wait3A_107 : memref<128x128xf32, #tpu.memory_space<vmem>>) dst(%dma_wait3A_104 : memref<128x128xf32, #tpu.memory_space<hbm>>)
      tpu.yield
    }) : () -> ()
    return
  }
}

module attributes {stable_mosaic.version = 14 : i64} {
  func.func @body(%arg0: i32, %arg1: memref<1000x128xf32, #tpu.memory_space<vmem>>, %arg2: memref<128x128xf32, #tpu.memory_space<vmem>>, %arg3: memref<1x128xf32, #tpu.memory_space<vmem>>, %arg4: memref<128x128xf32, #tpu.memory_space<vmem>>, %arg5: memref<1x128xf32, #tpu.memory_space<vmem>>, %arg6: memref<1000x128xf32, #tpu.memory_space<vmem>>) attributes {dimension_semantics = [#tpu.dimension_semantics<arbitrary>], iteration_bounds = array<i64: 10>, scalar_prefetch = 0 : i64, scratch_operands = 0 : i64, tpu.core_type = #tpu.core_type<tc>, window_params = [{transform_indices = @transform_0, window_bounds = array<i64: 1000, 128>}, {pipeline_mode = #tpu.pipeline_mode<synchronous>, transform_indices = @transform_1, window_bounds = array<i64: 128, 128>}, {pipeline_mode = #tpu.pipeline_mode<synchronous>, transform_indices = @transform_2, window_bounds = array<i64: 1, 128>}, {pipeline_mode = #tpu.pipeline_mode<synchronous>, transform_indices = @transform_3, window_bounds = array<i64: 128, 128>}, {pipeline_mode = #tpu.pipeline_mode<synchronous>, transform_indices = @transform_4, window_bounds = array<i64: 1, 128>}, {transform_indices = @transform_5, window_bounds = array<i64: 1000, 128>}]} {
    %lt3A = arith.constant 5 : i32
    %lt3A_0 = arith.cmpi slt, %arg0, %lt3A : i32
    %get3A = arith.constant 0 : index
    %get3A_1 = arith.constant 0 : index
    %get3A_2 = vector.load %arg2[%get3A, %get3A_1] : memref<128x128xf32, #tpu.memory_space<vmem>>, vector<128x128xf32>
    %get3A_3 = arith.constant 0 : index
    %get3A_4 = arith.constant 0 : index
    %get3A_5 = vector.load %arg4[%get3A_3, %get3A_4] : memref<128x128xf32, #tpu.memory_space<vmem>>, vector<128x128xf32>
    %select_n3A = arith.select %lt3A_0, %get3A_2, %get3A_5 : vector<128x128xf32>
    %get3A_6 = arith.constant 0 : index
    %get3A_7 = arith.constant 0 : index
    %get3A_8 = vector.load %arg3[%get3A_6, %get3A_7] : memref<1x128xf32, #tpu.memory_space<vmem>>, vector<1x128xf32>
    %get3A_9 = arith.constant 0 : index
    %get3A_10 = arith.constant 0 : index
    %get3A_11 = vector.load %arg5[%get3A_9, %get3A_10] : memref<1x128xf32, #tpu.memory_space<vmem>>, vector<1x128xf32>
    %select_n3A_12 = arith.select %lt3A_0, %get3A_8, %get3A_11 : vector<1x128xf32>
    %get3A_13 = arith.constant 0 : index
    %get3A_14 = arith.constant 0 : index
    %get3A_15 = vector.load %arg1[%get3A_13, %get3A_14] : memref<1000x128xf32, #tpu.memory_space<vmem>>, vector<1000x128xf32>
    %dot_general3A = arith.constant dense<0.000000e+00> : vector<1000x128xf32>
    %dot_general3A_16 = tpu.matmul %get3A_15, %select_n3A, %dot_general3A {dimension_numbers = #tpu.dot_dimension_numbers<[1], [1], [0], [0], [0, 0, 1, 0], [], []>, precision = #tpu.contract_precision<fp32>, transpose_lhs_hint = false} : vector<1000x128xf32>, vector<128x128xf32>, vector<1000x128xf32> -> vector<1000x128xf32>
    %add3A = vector.broadcast %select_n3A_12 : vector<1x128xf32> to vector<1000x128xf32>
    %add3A_17 = arith.addf %dot_general3A_16, %add3A : vector<1000x128xf32>
    %swap3A = arith.constant 0 : index
    %swap3A_18 = arith.constant 0 : index
    %swap3A_19 = vector.load %arg6[%swap3A, %swap3A_18] : memref<1000x128xf32, #tpu.memory_space<vmem>>, vector<1000x128xf32>
    tpu.vector_store %arg6[%swap3A, %swap3A_18], %add3A_17 {strides = array<i32>} : memref<1000x128xf32, #tpu.memory_space<vmem>>, vector<1000x128xf32>,
    return
  }
  func.func @transform_0(%arg0: i32) -> (i32, i32) {
    %c0_i32 = arith.constant 0 : i32
    %c0_i32_0 = arith.constant 0 : i32
    return %arg0, %c0_i32 : i32, i32
  }
  func.func @transform_1(%arg0: i32) -> (i32, i32) {
    %c0_i32 = arith.constant 0 : i32
    %c0_i32_0 = arith.constant 0 : i32
    %c0_i32_1 = arith.constant 0 : i32
    return %c0_i32, %c0_i32_0 : i32, i32
  }
  func.func @transform_2(%arg0: i32) -> (i32, i32) {
    %c0_i32 = arith.constant 0 : i32
    %c0_i32_0 = arith.constant 0 : i32
    %c0_i32_1 = arith.constant 0 : i32
    return %c0_i32, %c0_i32_0 : i32, i32
  }
  func.func @transform_3(%arg0: i32) -> (i32, i32) {
    %c0_i32 = arith.constant 0 : i32
    %c0_i32_0 = arith.constant 0 : i32
    %c0_i32_1 = arith.constant 0 : i32
    return %c0_i32, %c0_i32_0 : i32, i32
  }
  func.func @transform_4(%arg0: i32) -> (i32, i32) {
    %c0_i32 = arith.constant 0 : i32
    %c0_i32_0 = arith.constant 0 : i32
    %c0_i32_1 = arith.constant 0 : i32
    return %c0_i32, %c0_i32_0 : i32, i32
  }
  func.func @transform_5(%arg0: i32) -> (i32, i32) {
    %c0_i32 = arith.constant 0 : i32
    %c0_i32_0 = arith.constant 0 : i32
    return %arg0, %c0_i32 : i32, i32
  }
}

module attributes {stable_mosaic.version = 14 : i64} {
  func.func @body(%arg0: memref<2x10240x128xf32, #tpu.memory_space<vmem>>, %arg1: memref<10000x1xf32, #tpu.memory_space<vmem>>) attributes {dimension_semantics = [], scalar_prefetch = 0 : i64, scratch_operands = 0 : i64, tpu.core_type = #tpu.core_type<tc>} {
    %get3A = arith.constant 0 : index
    %get3A_0 = arith.constant 0 : index
    %get3A_1 = arith.constant 0 : index
    %get3A_2 = vector.load %arg0[%get3A, %get3A_0, %get3A_1] : memref<2x10240x128xf32, #tpu.memory_space<vmem>>, vector<1x10000x1xf32>
    %get3A_3 = vector.shape_cast %get3A_2 : vector<1x10000x1xf32> to vector<10000x1xf32>
    %get3A_4 = arith.constant 1 : index
    %get3A_5 = arith.constant 0 : index
    %get3A_6 = arith.constant 0 : index
    %get3A_7 = vector.load %arg0[%get3A_4, %get3A_5, %get3A_6] : memref<2x10240x128xf32, #tpu.memory_space<vmem>>, vector<1x10000x1xf32>
    %get3A_8 = vector.shape_cast %get3A_7 : vector<1x10000x1xf32> to vector<10000x1xf32>
    %add3A = arith.addf %get3A_3, %get3A_8 : vector<10000x1xf32>
    %max3A = arith.constant 1.000000e+00 : f32
    %max3A_9 = vector.broadcast %max3A : f32 to vector<10000x1xf32>
    %max3A_10 = arith.maximumf %add3A, %max3A_9 : vector<10000x1xf32>
    %div3A = arith.constant 1.000000e+00 : f32
    %div3A_11 = vector.broadcast %div3A : f32 to vector<10000x1xf32>
    %div3A_12 = arith.divf %div3A_11, %max3A_10 : vector<10000x1xf32>
    %swap3A = arith.constant 0 : index
    %swap3A_13 = arith.constant 0 : index
    %swap3A_14 = vector.load %arg1[%swap3A, %swap3A_13] : memref<10000x1xf32, #tpu.memory_space<vmem>>, vector<10000x1xf32>
    tpu.vector_store %arg1[%swap3A, %swap3A_13], %div3A_12 {strides = array<i32>} : memref<10000x1xf32, #tpu.memory_space<vmem>>, vector<10000x1xf32>,
    return
  }
}

module attributes {stable_mosaic.version = 14 : i64} {
  func.func @body(%arg0: i32, %arg1: memref<2x1000x128xf32, #tpu.memory_space<vmem>>, %arg2: memref<1000x1xf32, #tpu.memory_space<vmem>>, %arg3: memref<1000x128xf32, #tpu.memory_space<vmem>>, %arg4: memref<128x128xf32, #tpu.memory_space<vmem>>, %arg5: memref<1x128xf32, #tpu.memory_space<vmem>>, %arg6: memref<128x128xf32, #tpu.memory_space<vmem>>, %arg7: memref<1000x128xf32, #tpu.memory_space<vmem>>, %arg8: memref<1x128xf32, #tpu.memory_space<vmem>>, %arg9: memref<1x128xf32, #tpu.memory_space<vmem>>) attributes {dimension_semantics = [#tpu.dimension_semantics<arbitrary>], iteration_bounds = array<i64: 10>, scalar_prefetch = 0 : i64, scratch_operands = 0 : i64, tpu.core_type = #tpu.core_type<tc>, window_params = [{transform_indices = @transform_0, window_bounds = array<i64: 2, 1000, 128>}, {transform_indices = @transform_1, window_bounds = array<i64: 1000, 1>}, {transform_indices = @transform_2, window_bounds = array<i64: 1000, 128>}, {pipeline_mode = #tpu.pipeline_mode<synchronous>, transform_indices = @transform_3, window_bounds = array<i64: 128, 128>}, {pipeline_mode = #tpu.pipeline_mode<synchronous>, transform_indices = @transform_4, window_bounds = array<i64: 1, 128>}, {pipeline_mode = #tpu.pipeline_mode<synchronous>, transform_indices = @transform_5, window_bounds = array<i64: 128, 128>}, {transform_indices = @transform_6, window_bounds = array<i64: 1000, 128>}, {pipeline_mode = #tpu.pipeline_mode<synchronous>, transform_indices = @transform_7, window_bounds = array<i64: 1, 128>}, {pipeline_mode = #tpu.pipeline_mode<synchronous>, transform_indices = @transform_8, window_bounds = array<i64: 1, 128>}]} {
    %get3A = arith.constant 0 : index
    %get3A_0 = arith.constant 0 : index
    %get3A_1 = arith.constant 0 : index
    %get3A_2 = vector.load %arg1[%get3A, %get3A_0, %get3A_1] : memref<2x1000x128xf32, #tpu.memory_space<vmem>>, vector<1x1000x128xf32>
    %get3A_3 = vector.shape_cast %get3A_2 : vector<1x1000x128xf32> to vector<1000x128xf32>
    %get3A_4 = arith.constant 1 : index
    %get3A_5 = arith.constant 0 : index
    %get3A_6 = arith.constant 0 : index
    %get3A_7 = vector.load %arg1[%get3A_4, %get3A_5, %get3A_6] : memref<2x1000x128xf32, #tpu.memory_space<vmem>>, vector<1x1000x128xf32>
    %get3A_8 = vector.shape_cast %get3A_7 : vector<1x1000x128xf32> to vector<1000x128xf32>
    %add3A = arith.addf %get3A_3, %get3A_8 : vector<1000x128xf32>
    %get3A_9 = arith.constant 0 : index
    %get3A_10 = arith.constant 0 : index
    %get3A_11 = vector.load %arg2[%get3A_9, %get3A_10] : memref<1000x1xf32, #tpu.memory_space<vmem>>, vector<1000x1xf32>
    %mul3A = vector.broadcast %get3A_11 : vector<1000x1xf32> to vector<1000x128xf32>
    %mul3A_12 = arith.mulf %add3A, %mul3A : vector<1000x128xf32>
    %get3A_13 = arith.constant 0 : index
    %get3A_14 = arith.constant 0 : index
    %get3A_15 = vector.load %arg4[%get3A_13, %get3A_14] : memref<128x128xf32, #tpu.memory_space<vmem>>, vector<128x128xf32>
    %dot_general3A = arith.constant dense<0.000000e+00> : vector<1000x128xf32>
    %dot_general3A_16 = tpu.matmul %mul3A_12, %get3A_15, %dot_general3A {dimension_numbers = #tpu.dot_dimension_numbers<[1], [1], [0], [0], [0, 0, 1, 0], [], []>, precision = #tpu.contract_precision<fp32>, transpose_lhs_hint = false} : vector<1000x128xf32>, vector<128x128xf32>, vector<1000x128xf32> -> vector<1000x128xf32>
    %get3A_17 = arith.constant 0 : index
    %get3A_18 = arith.constant 0 : index
    %get3A_19 = vector.load %arg5[%get3A_17, %get3A_18] : memref<1x128xf32, #tpu.memory_space<vmem>>, vector<1x128xf32>
    %add3A_20 = vector.broadcast %get3A_19 : vector<1x128xf32> to vector<1000x128xf32>
    %add3A_21 = arith.addf %dot_general3A_16, %add3A_20 : vector<1000x128xf32>
    %get3A_22 = arith.constant 0 : index
    %get3A_23 = arith.constant 0 : index
    %get3A_24 = vector.load %arg3[%get3A_22, %get3A_23] : memref<1000x128xf32, #tpu.memory_space<vmem>>, vector<1000x128xf32>
    %get3A_25 = arith.constant 0 : index
    %get3A_26 = arith.constant 0 : index
    %get3A_27 = vector.load %arg6[%get3A_25, %get3A_26] : memref<128x128xf32, #tpu.memory_space<vmem>>, vector<128x128xf32>
    %dot_general3A_28 = arith.constant dense<0.000000e+00> : vector<1000x128xf32>
    %dot_general3A_29 = tpu.matmul %get3A_24, %get3A_27, %dot_general3A_28 {dimension_numbers = #tpu.dot_dimension_numbers<[1], [1], [0], [0], [0, 0, 1, 0], [], []>, precision = #tpu.contract_precision<fp32>, transpose_lhs_hint = false} : vector<1000x128xf32>, vector<128x128xf32>, vector<1000x128xf32> -> vector<1000x128xf32>
    %add3A_30 = arith.addf %add3A_21, %dot_general3A_29 : vector<1000x128xf32>
    %swap3A = arith.constant 0 : index
    %swap3A_31 = arith.constant 0 : index
    %swap3A_32 = vector.load %arg7[%swap3A, %swap3A_31] : memref<1000x128xf32, #tpu.memory_space<vmem>>, vector<1000x128xf32>
    tpu.vector_store %arg7[%swap3A, %swap3A_31], %add3A_30 {strides = array<i32>} : memref<1000x128xf32, #tpu.memory_space<vmem>>, vector<1000x128xf32>,
    %eq3A = arith.constant 0 : i32
    %eq3A_33 = arith.cmpi eq, %arg0, %eq3A : i32
    %convert_element_type3A = arith.extui %eq3A_33 : i1 to i32
    %cond3A = arith.constant 0 : i32
    %cond3A_34 = arith.cmpi ne, %convert_element_type3A, %cond3A : i32
    scf.if %cond3A_34 {
      %broadcast_in_dim3A_54 = arith.constant 0.000000e+00 : f32
      %broadcast_in_dim3A_55 = vector.broadcast %broadcast_in_dim3A_54 : f32 to vector<1x128xf32>
      %swap3A_56 = arith.constant 0 : index
      %swap3A_57 = arith.constant 0 : index
      %swap3A_58 = vector.load %arg8[%swap3A_56, %swap3A_57] : memref<1x128xf32, #tpu.memory_space<vmem>>, vector<1x128xf32>
      tpu.vector_store %arg8[%swap3A_56, %swap3A_57], %broadcast_in_dim3A_55 {strides = array<i32>} : memref<1x128xf32, #tpu.memory_space<vmem>>, vector<1x128xf32>,
      %broadcast_in_dim3A_59 = arith.constant 0.000000e+00 : f32
      %broadcast_in_dim3A_60 = vector.broadcast %broadcast_in_dim3A_59 : f32 to vector<1x128xf32>
      %swap3A_61 = arith.constant 0 : index
      %swap3A_62 = arith.constant 0 : index
      %swap3A_63 = vector.load %arg9[%swap3A_61, %swap3A_62] : memref<1x128xf32, #tpu.memory_space<vmem>>, vector<1x128xf32>
      tpu.vector_store %arg9[%swap3A_61, %swap3A_62], %broadcast_in_dim3A_60 {strides = array<i32>} : memref<1x128xf32, #tpu.memory_space<vmem>>, vector<1x128xf32>,
    } else {
    }
    %get3A_35 = arith.constant 0 : index
    %get3A_36 = arith.constant 0 : index
    %get3A_37 = vector.load %arg8[%get3A_35, %get3A_36] : memref<1x128xf32, #tpu.memory_space<vmem>>, vector<1x128xf32>
    %reduce_sum3A = arith.constant dense<0.000000e+00> : vector<128xf32>
    %reduce_sum3A_38 = vector.multi_reduction <add>, %add3A_30, %reduce_sum3A [0] : vector<1000x128xf32> to vector<128xf32>
    %broadcast_in_dim3A = vector.shape_cast %reduce_sum3A_38 : vector<128xf32> to vector<1x128xf32>
    %add3A_39 = arith.addf %get3A_37, %broadcast_in_dim3A : vector<1x128xf32>
    %swap3A_40 = arith.constant 0 : index
    %swap3A_41 = arith.constant 0 : index
    %swap3A_42 = vector.load %arg8[%swap3A_40, %swap3A_41] : memref<1x128xf32, #tpu.memory_space<vmem>>, vector<1x128xf32>
    tpu.vector_store %arg8[%swap3A_40, %swap3A_41], %add3A_39 {strides = array<i32>} : memref<1x128xf32, #tpu.memory_space<vmem>>, vector<1x128xf32>,
    %get3A_43 = arith.constant 0 : index
    %get3A_44 = arith.constant 0 : index
    %get3A_45 = vector.load %arg9[%get3A_43, %get3A_44] : memref<1x128xf32, #tpu.memory_space<vmem>>, vector<1x128xf32>
    %mul3A_46 = arith.mulf %add3A_30, %add3A_30 : vector<1000x128xf32>
    %reduce_sum3A_47 = arith.constant dense<0.000000e+00> : vector<128xf32>
    %reduce_sum3A_48 = vector.multi_reduction <add>, %mul3A_46, %reduce_sum3A_47 [0] : vector<1000x128xf32> to vector<128xf32>
    %broadcast_in_dim3A_49 = vector.shape_cast %reduce_sum3A_48 : vector<128xf32> to vector<1x128xf32>
    %add3A_50 = arith.addf %get3A_45, %broadcast_in_dim3A_49 : vector<1x128xf32>
    %swap3A_51 = arith.constant 0 : index
    %swap3A_52 = arith.constant 0 : index
    %swap3A_53 = vector.load %arg9[%swap3A_51, %swap3A_52] : memref<1x128xf32, #tpu.memory_space<vmem>>, vector<1x128xf32>
    tpu.vector_store %arg9[%swap3A_51, %swap3A_52], %add3A_50 {strides = array<i32>} : memref<1x128xf32, #tpu.memory_space<vmem>>, vector<1x128xf32>,
    return
  }
  func.func @transform_0(%arg0: i32) -> (i32, i32, i32) {
    %c0_i32 = arith.constant 0 : i32
    %c0_i32_0 = arith.constant 0 : i32
    %c0_i32_1 = arith.constant 0 : i32
    return %c0_i32, %arg0, %c0_i32_0 : i32, i32, i32
  }
  func.func @transform_1(%arg0: i32) -> (i32, i32) {
    %c0_i32 = arith.constant 0 : i32
    %c0_i32_0 = arith.constant 0 : i32
    return %arg0, %c0_i32 : i32, i32
  }
  func.func @transform_2(%arg0: i32) -> (i32, i32) {
    %c0_i32 = arith.constant 0 : i32
    %c0_i32_0 = arith.constant 0 : i32
    return %arg0, %c0_i32 : i32, i32
  }
  func.func @transform_3(%arg0: i32) -> (i32, i32) {
    %c0_i32 = arith.constant 0 : i32
    %c0_i32_0 = arith.constant 0 : i32
    %c0_i32_1 = arith.constant 0 : i32
    return %c0_i32, %c0_i32_0 : i32, i32
  }
  func.func @transform_4(%arg0: i32) -> (i32, i32) {
    %c0_i32 = arith.constant 0 : i32
    %c0_i32_0 = arith.constant 0 : i32
    %c0_i32_1 = arith.constant 0 : i32
    return %c0_i32, %c0_i32_0 : i32, i32
  }
  func.func @transform_5(%arg0: i32) -> (i32, i32) {
    %c0_i32 = arith.constant 0 : i32
    %c0_i32_0 = arith.constant 0 : i32
    %c0_i32_1 = arith.constant 0 : i32
    return %c0_i32, %c0_i32_0 : i32, i32
  }
  func.func @transform_6(%arg0: i32) -> (i32, i32) {
    %c0_i32 = arith.constant 0 : i32
    %c0_i32_0 = arith.constant 0 : i32
    return %arg0, %c0_i32 : i32, i32
  }
  func.func @transform_7(%arg0: i32) -> (i32, i32) {
    %c0_i32 = arith.constant 0 : i32
    %c0_i32_0 = arith.constant 0 : i32
    %c0_i32_1 = arith.constant 0 : i32
    return %c0_i32, %c0_i32_0 : i32, i32
  }
  func.func @transform_8(%arg0: i32) -> (i32, i32) {
    %c0_i32 = arith.constant 0 : i32
    %c0_i32_0 = arith.constant 0 : i32
    %c0_i32_1 = arith.constant 0 : i32
    return %c0_i32, %c0_i32_0 : i32, i32
  }
}

module attributes {stable_mosaic.version = 14 : i64} {
  func.func @body(%arg0: i32, %arg1: memref<1000x128xf32, #tpu.memory_space<vmem>>, %arg2: memref<1x128xf32, #tpu.memory_space<vmem>>, %arg3: memref<1x128xf32, #tpu.memory_space<vmem>>, %arg4: memref<1x128xf32, #tpu.memory_space<vmem>>, %arg5: memref<1x128xf32, #tpu.memory_space<vmem>>, %arg6: memref<1000x128xf32, #tpu.memory_space<vmem>>) attributes {dimension_semantics = [#tpu.dimension_semantics<arbitrary>], iteration_bounds = array<i64: 10>, scalar_prefetch = 0 : i64, scratch_operands = 0 : i64, tpu.core_type = #tpu.core_type<tc>, window_params = [{transform_indices = @transform_0, window_bounds = array<i64: 1000, 128>}, {pipeline_mode = #tpu.pipeline_mode<synchronous>, transform_indices = @transform_1, window_bounds = array<i64: 1, 128>}, {pipeline_mode = #tpu.pipeline_mode<synchronous>, transform_indices = @transform_2, window_bounds = array<i64: 1, 128>}, {pipeline_mode = #tpu.pipeline_mode<synchronous>, transform_indices = @transform_3, window_bounds = array<i64: 1, 128>}, {pipeline_mode = #tpu.pipeline_mode<synchronous>, transform_indices = @transform_4, window_bounds = array<i64: 1, 128>}, {transform_indices = @transform_5, window_bounds = array<i64: 1000, 128>}]} {
    %get3A = arith.constant 0 : index
    %get3A_0 = arith.constant 0 : index
    %get3A_1 = vector.load %arg2[%get3A, %get3A_0] : memref<1x128xf32, #tpu.memory_space<vmem>>, vector<1x128xf32>
    %mul3A = arith.constant 9.99999974E-5 : f32
    %mul3A_2 = vector.broadcast %mul3A : f32 to vector<1x128xf32>
    %mul3A_3 = arith.mulf %get3A_1, %mul3A_2 : vector<1x128xf32>
    %get3A_4 = arith.constant 0 : index
    %get3A_5 = arith.constant 0 : index
    %get3A_6 = vector.load %arg3[%get3A_4, %get3A_5] : memref<1x128xf32, #tpu.memory_space<vmem>>, vector<1x128xf32>
    %mul3A_7 = arith.constant 9.99999974E-5 : f32
    %mul3A_8 = vector.broadcast %mul3A_7 : f32 to vector<1x128xf32>
    %mul3A_9 = arith.mulf %get3A_6, %mul3A_8 : vector<1x128xf32>
    %mul3A_10 = arith.mulf %mul3A_3, %mul3A_3 : vector<1x128xf32>
    %sub3A = arith.subf %mul3A_9, %mul3A_10 : vector<1x128xf32>
    %get3A_11 = arith.constant 0 : index
    %get3A_12 = arith.constant 0 : index
    %get3A_13 = vector.load %arg1[%get3A_11, %get3A_12] : memref<1000x128xf32, #tpu.memory_space<vmem>>, vector<1000x128xf32>
    %sub3A_14 = vector.broadcast %mul3A_3 : vector<1x128xf32> to vector<1000x128xf32>
    %sub3A_15 = arith.subf %get3A_13, %sub3A_14 : vector<1000x128xf32>
    %add3A = arith.constant 9.99999974E-6 : f32
    %add3A_16 = vector.broadcast %add3A : f32 to vector<1x128xf32>
    %add3A_17 = arith.addf %sub3A, %add3A_16 : vector<1x128xf32>
    %rsqrt3A = math.rsqrt %add3A_17 : vector<1x128xf32>
    %mul3A_18 = vector.broadcast %rsqrt3A : vector<1x128xf32> to vector<1000x128xf32>
    %mul3A_19 = arith.mulf %sub3A_15, %mul3A_18 : vector<1000x128xf32>
    %get3A_20 = arith.constant 0 : index
    %get3A_21 = arith.constant 0 : index
    %get3A_22 = vector.load %arg4[%get3A_20, %get3A_21] : memref<1x128xf32, #tpu.memory_space<vmem>>, vector<1x128xf32>
    %mul3A_23 = vector.broadcast %get3A_22 : vector<1x128xf32> to vector<1000x128xf32>
    %mul3A_24 = arith.mulf %mul3A_19, %mul3A_23 : vector<1000x128xf32>
    %get3A_25 = arith.constant 0 : index
    %get3A_26 = arith.constant 0 : index
    %get3A_27 = vector.load %arg5[%get3A_25, %get3A_26] : memref<1x128xf32, #tpu.memory_space<vmem>>, vector<1x128xf32>
    %add3A_28 = vector.broadcast %get3A_27 : vector<1x128xf32> to vector<1000x128xf32>
    %add3A_29 = arith.addf %mul3A_24, %add3A_28 : vector<1000x128xf32>
    %max3A = arith.constant 0.000000e+00 : f32
    %max3A_30 = vector.broadcast %max3A : f32 to vector<1000x128xf32>
    %max3A_31 = arith.maximumf %add3A_29, %max3A_30 : vector<1000x128xf32>
    %swap3A = arith.constant 0 : index
    %swap3A_32 = arith.constant 0 : index
    %swap3A_33 = vector.load %arg6[%swap3A, %swap3A_32] : memref<1000x128xf32, #tpu.memory_space<vmem>>, vector<1000x128xf32>
    tpu.vector_store %arg6[%swap3A, %swap3A_32], %max3A_31 {strides = array<i32>} : memref<1000x128xf32, #tpu.memory_space<vmem>>, vector<1000x128xf32>,
    return
  }
  func.func @transform_0(%arg0: i32) -> (i32, i32) {
    %c0_i32 = arith.constant 0 : i32
    %c0_i32_0 = arith.constant 0 : i32
    return %arg0, %c0_i32 : i32, i32
  }
  func.func @transform_1(%arg0: i32) -> (i32, i32) {
    %c0_i32 = arith.constant 0 : i32
    %c0_i32_0 = arith.constant 0 : i32
    %c0_i32_1 = arith.constant 0 : i32
    return %c0_i32, %c0_i32_0 : i32, i32
  }
  func.func @transform_2(%arg0: i32) -> (i32, i32) {
    %c0_i32 = arith.constant 0 : i32
    %c0_i32_0 = arith.constant 0 : i32
    %c0_i32_1 = arith.constant 0 : i32
    return %c0_i32, %c0_i32_0 : i32, i32
  }
  func.func @transform_3(%arg0: i32) -> (i32, i32) {
    %c0_i32 = arith.constant 0 : i32
    %c0_i32_0 = arith.constant 0 : i32
    %c0_i32_1 = arith.constant 0 : i32
    return %c0_i32, %c0_i32_0 : i32, i32
  }
  func.func @transform_4(%arg0: i32) -> (i32, i32) {
    %c0_i32 = arith.constant 0 : i32
    %c0_i32_0 = arith.constant 0 : i32
    %c0_i32_1 = arith.constant 0 : i32
    return %c0_i32, %c0_i32_0 : i32, i32
  }
  func.func @transform_5(%arg0: i32) -> (i32, i32) {
    %c0_i32 = arith.constant 0 : i32
    %c0_i32_0 = arith.constant 0 : i32
    return %arg0, %c0_i32 : i32, i32
  }
}

module attributes {stable_mosaic.version = 14 : i64} {
  func.func @body(%arg0: i32, %arg1: memref<2x1000x128xf32, #tpu.memory_space<vmem>>, %arg2: memref<1000x1xf32, #tpu.memory_space<vmem>>, %arg3: memref<1000x128xf32, #tpu.memory_space<vmem>>, %arg4: memref<128x128xf32, #tpu.memory_space<vmem>>, %arg5: memref<1x128xf32, #tpu.memory_space<vmem>>, %arg6: memref<128x128xf32, #tpu.memory_space<vmem>>, %arg7: memref<1000x128xf32, #tpu.memory_space<vmem>>) attributes {dimension_semantics = [#tpu.dimension_semantics<arbitrary>], iteration_bounds = array<i64: 10>, scalar_prefetch = 0 : i64, scratch_operands = 0 : i64, tpu.core_type = #tpu.core_type<tc>, window_params = [{transform_indices = @transform_0, window_bounds = array<i64: 2, 1000, 128>}, {transform_indices = @transform_1, window_bounds = array<i64: 1000, 1>}, {transform_indices = @transform_2, window_bounds = array<i64: 1000, 128>}, {pipeline_mode = #tpu.pipeline_mode<synchronous>, transform_indices = @transform_3, window_bounds = array<i64: 128, 128>}, {pipeline_mode = #tpu.pipeline_mode<synchronous>, transform_indices = @transform_4, window_bounds = array<i64: 1, 128>}, {pipeline_mode = #tpu.pipeline_mode<synchronous>, transform_indices = @transform_5, window_bounds = array<i64: 128, 128>}, {transform_indices = @transform_6, window_bounds = array<i64: 1000, 128>}]} {
    %get3A = arith.constant 0 : index
    %get3A_0 = arith.constant 0 : index
    %get3A_1 = arith.constant 0 : index
    %get3A_2 = vector.load %arg1[%get3A, %get3A_0, %get3A_1] : memref<2x1000x128xf32, #tpu.memory_space<vmem>>, vector<1x1000x128xf32>
    %get3A_3 = vector.shape_cast %get3A_2 : vector<1x1000x128xf32> to vector<1000x128xf32>
    %get3A_4 = arith.constant 1 : index
    %get3A_5 = arith.constant 0 : index
    %get3A_6 = arith.constant 0 : index
    %get3A_7 = vector.load %arg1[%get3A_4, %get3A_5, %get3A_6] : memref<2x1000x128xf32, #tpu.memory_space<vmem>>, vector<1x1000x128xf32>
    %get3A_8 = vector.shape_cast %get3A_7 : vector<1x1000x128xf32> to vector<1000x128xf32>
    %add3A = arith.addf %get3A_3, %get3A_8 : vector<1000x128xf32>
    %get3A_9 = arith.constant 0 : index
    %get3A_10 = arith.constant 0 : index
    %get3A_11 = vector.load %arg2[%get3A_9, %get3A_10] : memref<1000x1xf32, #tpu.memory_space<vmem>>, vector<1000x1xf32>
    %mul3A = vector.broadcast %get3A_11 : vector<1000x1xf32> to vector<1000x128xf32>
    %mul3A_12 = arith.mulf %add3A, %mul3A : vector<1000x128xf32>
    %get3A_13 = arith.constant 0 : index
    %get3A_14 = arith.constant 0 : index
    %get3A_15 = vector.load %arg4[%get3A_13, %get3A_14] : memref<128x128xf32, #tpu.memory_space<vmem>>, vector<128x128xf32>
    %dot_general3A = arith.constant dense<0.000000e+00> : vector<1000x128xf32>
    %dot_general3A_16 = tpu.matmul %mul3A_12, %get3A_15, %dot_general3A {dimension_numbers = #tpu.dot_dimension_numbers<[1], [1], [0], [0], [0, 0, 1, 0], [], []>, precision = #tpu.contract_precision<fp32>, transpose_lhs_hint = false} : vector<1000x128xf32>, vector<128x128xf32>, vector<1000x128xf32> -> vector<1000x128xf32>
    %get3A_17 = arith.constant 0 : index
    %get3A_18 = arith.constant 0 : index
    %get3A_19 = vector.load %arg5[%get3A_17, %get3A_18] : memref<1x128xf32, #tpu.memory_space<vmem>>, vector<1x128xf32>
    %add3A_20 = vector.broadcast %get3A_19 : vector<1x128xf32> to vector<1000x128xf32>
    %add3A_21 = arith.addf %dot_general3A_16, %add3A_20 : vector<1000x128xf32>
    %get3A_22 = arith.constant 0 : index
    %get3A_23 = arith.constant 0 : index
    %get3A_24 = vector.load %arg3[%get3A_22, %get3A_23] : memref<1000x128xf32, #tpu.memory_space<vmem>>, vector<1000x128xf32>
    %get3A_25 = arith.constant 0 : index
    %get3A_26 = arith.constant 0 : index
    %get3A_27 = vector.load %arg6[%get3A_25, %get3A_26] : memref<128x128xf32, #tpu.memory_space<vmem>>, vector<128x128xf32>
    %dot_general3A_28 = arith.constant dense<0.000000e+00> : vector<1000x128xf32>
    %dot_general3A_29 = tpu.matmul %get3A_24, %get3A_27, %dot_general3A_28 {dimension_numbers = #tpu.dot_dimension_numbers<[1], [1], [0], [0], [0, 0, 1, 0], [], []>, precision = #tpu.contract_precision<fp32>, transpose_lhs_hint = false} : vector<1000x128xf32>, vector<128x128xf32>, vector<1000x128xf32> -> vector<1000x128xf32>
    %add3A_30 = arith.addf %add3A_21, %dot_general3A_29 : vector<1000x128xf32>
    %swap3A = arith.constant 0 : index
    %swap3A_31 = arith.constant 0 : index
    %swap3A_32 = vector.load %arg7[%swap3A, %swap3A_31] : memref<1000x128xf32, #tpu.memory_space<vmem>>, vector<1000x128xf32>
    tpu.vector_store %arg7[%swap3A, %swap3A_31], %add3A_30 {strides = array<i32>} : memref<1000x128xf32, #tpu.memory_space<vmem>>, vector<1000x128xf32>,
    return
  }
  func.func @transform_0(%arg0: i32) -> (i32, i32, i32) {
    %c0_i32 = arith.constant 0 : i32
    %c0_i32_0 = arith.constant 0 : i32
    %c0_i32_1 = arith.constant 0 : i32
    return %c0_i32, %arg0, %c0_i32_0 : i32, i32, i32
  }
  func.func @transform_1(%arg0: i32) -> (i32, i32) {
    %c0_i32 = arith.constant 0 : i32
    %c0_i32_0 = arith.constant 0 : i32
    return %arg0, %c0_i32 : i32, i32
  }
  func.func @transform_2(%arg0: i32) -> (i32, i32) {
    %c0_i32 = arith.constant 0 : i32
    %c0_i32_0 = arith.constant 0 : i32
    return %arg0, %c0_i32 : i32, i32
  }
  func.func @transform_3(%arg0: i32) -> (i32, i32) {
    %c0_i32 = arith.constant 0 : i32
    %c0_i32_0 = arith.constant 0 : i32
    %c0_i32_1 = arith.constant 0 : i32
    return %c0_i32, %c0_i32_0 : i32, i32
  }
  func.func @transform_4(%arg0: i32) -> (i32, i32) {
    %c0_i32 = arith.constant 0 : i32
    %c0_i32_0 = arith.constant 0 : i32
    %c0_i32_1 = arith.constant 0 : i32
    return %c0_i32, %c0_i32_0 : i32, i32
  }
  func.func @transform_5(%arg0: i32) -> (i32, i32) {
    %c0_i32 = arith.constant 0 : i32
    %c0_i32_0 = arith.constant 0 : i32
    %c0_i32_1 = arith.constant 0 : i32
    return %c0_i32, %c0_i32_0 : i32, i32
  }
  func.func @transform_6(%arg0: i32) -> (i32, i32) {
    %c0_i32 = arith.constant 0 : i32
    %c0_i32_0 = arith.constant 0 : i32
    return %arg0, %c0_i32 : i32, i32
  }
}

</mosaic_0001>

<sc_bundles>
// kernel: kernel.10.cloned.1.call-start
scs
__scs_entry_jumppad:
0x0: {  	(pc) =	sbr.rel $0x88, $3  }
0x1: {  	(tag) =	ssettag $0x0;
	lr =	simm.s32 $0x1  }
0x2: {  	[smem:$0x3F93] =	sst lr;
	_ =	strace $0xD0000000  }
0x3: {  	_ = 	snop  }
0x4: {  	_ = 	snop  }
0x5: {  	_ = 	snop  }
0x6: {  	_ = 	snop  }
0x7: {  	_ = 	snop  }
__scs_overlays_trampoline_lowered:
0x8: {  	[smem:$0x3FA2] =	sst s0  }
0x9: {  	[smem:$0x3FA3] =	sst s1  }
0xa: {  	[smem:$0x3FA4] =	sst s2  }
0xb: {  	[smem:$0x3FA5] =	sst s3  }
0xc: {  	[smem:$0x3FA6] =	sst s4  }
0xd: {  	[smem:$0x3FA7] =	sst s5  }
0xe: {  	[smem:$0x3FA8] =	sst s6  }
0xf: {  	[smem:$0x3FA9] =	sst s7  }
0x10: {  	[smem:$0x3FAA] =	sst s8  }
0x11: {  	[smem:$0x3FAB] =	sst s9;
	s0 =	simm.s32 @!p0 $0x0  }
0x12: {  	s1 =	sld [smem:$0x3F91];
	s0 =	simm.s32 @p0 $0x1  }
0x13: {  	[smem:$0x3FAC] =	sst s0;
	s0 =	simm.s32 @!p1 $0x0  }
0x14: {  	s2 =	sld [smem:$0x3F90];
	s0 =	simm.s32 @p1 $0x1  }
0x15: {  	[smem:$0x3FAD] =	sst s0;
	s0 =	simm.s32 @!p2 $0x0  }
0x16: {  	s3 =	sld [smem:$0x3FDB];
	s0 =	simm.s32 @p2 $0x1  }
0x17: {  	s4 =	simm.s32 $0x1BF5;
	[smem:$0x3FAF] =	sst s0  }
0x18: {  	s0 =	sld [smem:$0x3F92];
	_ =	swait.ge [sflag:s4], $0x0  }
0x19: {  	s7 =	sld [smem:$0x3F93]  }
0x1a: {  	s8 =	sadd.s32 $0xFFFFE003, lr  }
0x1b: {  	s9 =	sadd.s32 $0xFFFFFEF7, lr;
	s5 =	simm.s32 $0xFFFFFFFF;
	p2 =	slt.u32 s8, $0xFFFFF086  }
0x1c: {  	p1 =	slt.u32 s9, $0xF7A;
	s5 =	simm.s32 @!p2 $0x0  }
0x1d: {  	s5 =	simm.s32 @p1 $0x1;
	p0 =	seq.s32 s7, s2  }
0x1e: {  	s7 =	smul.u32 @!p0 $0xF7A, s2;
	p2 =	seq.s32 @!p0 s5, $0x0  }
0x1f: {  	s9 =	smul.u32 $0xF7A, s1;
	s8 =	simm.s32 @!p0 $0x1BF5;
	p2 =	por !p2, p0  }
0x20: {  	[sflag:s8] =	ssyncset.s32 @!p0 $0xFFFFF086;
	s6 =	sadd.s32 @!p0 s3, s7;
	s7 =	simm.s32 @!p0 $0x108  }
0x21: {  	s3 =	sadd.s32 s3, s9;
	s6 =	sadd.s32 @!p0 $0x88, s6;
	s7 =	simm.s32 @p2 $0x1082  }
0x22: {  	[simem:s7], [sflag:s8] =	dma.local @!p0 [hbm:s6], $0xF7A  }
0x23: {  	s9 =	sor.u32 $0xD0000000, s2;
	s6 =	simm.s32 $0x108;
	_ =	swait.ge @!p0 [sflag:s8], $0x0  }
0x24: {  	s3 =	sadd.s32 $0x88, s3;
	s6 =	simm.s32 @!p1 $0x1082;
	[sflag:s4] =	ssyncset.s32 $0xFFFFF086  }
0x25: {  	[simem:s6], [sflag:s4] =	dma.local [hbm:s3], $0xF7A  }
0x26: {  	[smem:$0x3F93] =	sst s1;
	(tag) =	ssettag s2;
	_ =	strace s9  }
0x27: {  	s1 =	sld [smem:$0x3FA3]  }
0x28: {  	s2 =	sld [smem:$0x3FA4]  }
0x29: {  	s4 =	sld [smem:$0x3FA6]  }
0x2a: {  	p0 =	seq.s32 s5, $0x0;
	s5 =	sld [smem:$0x3FA7]  }
0x2b: {  	s6 =	sld [smem:$0x3FA8]  }
0x2c: {  	s7 =	sld [smem:$0x3FA9]  }
0x2d: {  	s3 =	simm.s32 $0x108;
	s8 =	sld [smem:$0x3FAA]  }
0x2e: {  	s3 =	simm.s32 @!p0 $0x1082;
	s9 =	sld [smem:$0x3FAB]  }
0x2f: {  	lr =	sadd.s32 s0, s3;
	s0 =	sld [smem:$0x3FA2]  }
0x30: {  	s3 =	sld [smem:$0x3FA5]  }
0x31: {  	[smem:$0x3FAE] =	sst s10  }
0x32: {  	s10 =	sld [smem:$0x3FAC];
	_ =	sdelay $0x3  }
0x33: {  	p0 =	seq.s32 s10, $0x1;
	s10 =	sld [smem:$0x3FAE];
	_ =	sdelay $0x3  }
0x34: {  	[smem:$0x3FAE] =	sst s10  }
0x35: {  	s10 =	sld [smem:$0x3FAD];
	_ =	sdelay $0x3  }
0x36: {  	p1 =	seq.s32 s10, $0x1;
	s10 =	sld [smem:$0x3FAE];
	_ =	sdelay $0x3  }
0x37: {  	[smem:$0x3FAE] =	sst s10  }
0x38: {  	s10 =	sld [smem:$0x3FAF]  }
0x39: {  	_ = 	snop;
	(pc) =	sbr.ind lr, $3  }
0x3a: {  	_ = 	snop  }
0x3b: {  	_ = 	snop  }
0x3c: {  	p2 =	seq.s32 s10, $0x1;
	s10 =	sld [smem:$0x3FAE]  }
0x3d: {  	_ =	shalt  }
0x3e: {  	_ =	shalt  }
0x3f: {  	_ =	shalt  }
0x40: {  	_ =	shalt  }
0x41: {  	_ =	shalt  }
0x42: {  	_ =	shalt  }
0x43: {  	_ =	shalt  }
0x44: {  	_ =	shalt  }
0x45: {  	_ =	shalt  }
0x46: {  	_ =	shalt  }
0x47: {  	_ =	shalt  }
0x48: {  	_ =	shalt  }
0x49: {  	_ =	shalt  }
0x4a: {  	_ =	shalt  }
0x4b: {  	_ =	shalt  }
0x4c: {  	_ =	shalt  }
0x4d: {  	_ =	shalt  }
0x4e: {  	_ =	shalt  }
0x4f: {  	_ =	shalt  }
0x50: {  	_ =	shalt  }
0x51: {  	_ =	shalt  }
0x52: {  	_ =	shalt  }
0x53: {  	_ =	shalt  }
0x54: {  	_ =	shalt  }
0x55: {  	_ =	shalt  }
0x56: {  	_ =	shalt  }
0x57: {  	_ =	shalt  }
0x58: {  	_ =	shalt  }
0x59: {  	_ =	shalt  }
0x5a: {  	_ =	shalt  }
0x5b: {  	_ =	shalt  }
0x5c: {  	_ =	shalt  }
0x5d: {  	_ =	shalt  }
0x5e: {  	_ =	shalt  }
0x5f: {  	_ =	shalt  }
0x60: {  	_ =	shalt  }
0x61: {  	_ =	shalt  }
0x62: {  	_ =	shalt  }
0x63: {  	_ =	shalt  }
0x64: {  	_ =	shalt  }
0x65: {  	_ =	shalt  }
0x66: {  	_ =	shalt  }
0x67: {  	_ =	shalt  }
0x68: {  	_ =	shalt  }
0x69: {  	_ =	shalt  }
0x6a: {  	_ =	shalt  }
0x6b: {  	_ =	shalt  }
0x6c: {  	_ =	shalt  }
0x6d: {  	_ =	shalt  }
0x6e: {  	_ =	shalt  }
0x6f: {  	_ =	shalt  }
0x70: {  	_ =	shalt  }
0x71: {  	_ =	shalt  }
0x72: {  	_ =	shalt  }
0x73: {  	_ =	shalt  }
0x74: {  	_ =	shalt  }
0x75: {  	_ =	shalt  }
0x76: {  	_ =	shalt  }
0x77: {  	_ =	shalt  }
0x78: {  	_ =	shalt  }
0x79: {  	_ =	shalt  }
0x7a: {  	_ =	shalt  }
0x7b: {  	_ =	shalt  }
0x7c: {  	_ =	shalt  }
0x7d: {  	_ =	shalt  }
0x7e: {  	_ =	shalt  }
0x7f: {  	_ =	shalt  }
0x80: {  	_ =	shalt  }
0x81: {  	_ =	shalt  }
0x82: {  	_ =	shalt  }
0x83: {  	_ =	shalt  }
0x84: {  	_ =	shalt  }
0x85: {  	_ =	shalt  }
0x86: {  	_ =	shalt  }
0x87: {  	_ =	shalt  }
.Lfunc_end0:
.L_simem_size_0:
called_computation_lowered:
.L_overlay_start_0:
0x88: {  	s2 =	sld [smem:$0x3FD9]  }
0x89: {  	s3 =	sld [smem:$0x3FFE];
	_ =	sdelay $0x1  }
0x8a: {  	s1 =	srdreg.scid  }
0x8b: {  	s0 =	sand.u32 $0x1, s1  }
0x8c: {  	s16 =	sshll.u32 s0, $0xA;
	s2 =	sadd.s32 s3, s2  }
0x8d: {  	s2 =	sadd.s32 s2, s16  }
0x8e: {  	[smem:$0x3FBA] =	sst s2  }
0x8f: {  	_ = 	snop  }
0x90: {  	(tm) =	ssettm $0x1  }
0x91: {  	s17 =	sld [smem:$0x3FFB];
	_ =	sdelay $0x3  }
0x92: {  	_ =	strace s17  }
0x93: {  	s2 =	sld [smem:$0x3FFC];
	_ =	sdelay $0x3  }
0x94: {  	_ =	strace s2  }
0x95: {  	s2 =	sld [smem:$0x3FFD];
	_ =	sdelay $0x3  }
0x96: {  	_ =	strace s2  }
0x97: {  	_ =	strace $0x8FFFFFFF  }
0x98: {  	s18 =	sld [smem:$0x3FDB];
	_ =	sdelay $0x1  }
0x99: {  	s19 =	simm.s32 $_scs_section_size  }
0x9a: {  	s4 =	simm.s32 $_size__tile_overlayer_lowered;
	s5 =	simm.s32 $_tile_overlayer_lowered  }
0x9b: {  	s22 =	simm.s32 $0x1BFF;
	s21 =	sshll.u32 s5, $0x1;
	s2 =	sadd.s32 s19, s18  }
0x9c: {  	s6 =	simm.s32 $0x0;
	s20 =	sshll.u32 s4, $0x1;
	s4 =	sadd.s32 s21, s2  }
0x9d: {  	[timem:s6], [sflag:s22] =	dma.local [hbm:s4], s20  }
0x9e: {  	_ =	swait.ge [sflag:s22], s20  }
0x9f: {  	s3 =	ssub.s32 $0x0, s20;
	[sflag:s22] =	ssyncset.done $0x0  }
0xa0: {  	[sflag:s22] =	ssyncadd.s32 s3;
	_ =	sdelay $0x1  }
0xa1: {  	s23 =	simm.s32 $0x1B8B  }
0xa2: {  	_ =	swait.ge [sflag:s23], $0x1  }
0xa3: {  	[sflag:s23] =	ssyncset.done $0x0  }
0xa4: {  	s25 =	simm.s32 $0x1B8E;
	s24 =	sld [smem:$0x3FFE];
	[sflag:s23] =	ssyncadd.s32 $0xFFFFFFFF  }
0xa5: {  	s26 =	simm.s32 $execute0_lowered;
	[smem:$0x3FD2] =	sst s25  }
0xa6: {  	s4 =	sshll.u32 s26, $0x1;
	_ =	strace $0x80000046;
	[dreg:$0x1] =	wrdreg $0xFFFFFFFF  }
0xa7: {  	s28 =	simm.s32 $_size_execute0_lowered;
	s2 =	sadd.s32 s2, s4;
	[dreg:$0x0] =	wrdreg $0x0  }
0xa8: {  	s4 =	sshll.u32 s28, $0x1;
	[dreg:$0x2] =	wrdreg s2  }
0xa9: {  	[dreg:$0x3] =	wrdreg s4  }
0xaa: {  	[dreg:$0x4] =	wrdreg $0xC0  }
0xab: {  	_ =	task [dreg:s6], $0x5FFFF  }
0xac: {  	[dreg:$0x1] =	wrdreg $0xFFFFFFFF  }
0xad: {  	[dreg:$0x0] =	wrdreg $0x60  }
0xae: {  	[dreg:$0x2] =	wrdreg s24  }
0xaf: {  	[dreg:$0x3] =	wrdreg $0x0  }
0xb0: {  	[dreg:$0x4] =	wrdreg $0x9  }
0xb1: {  	_ =	task.clear_ibuf [dreg:s6], $0x5FFFF;
	_ =	strace $0x90000046  }
0xb2: {  	s29 =	simm.s32 $0x9;
	_ =	strace $0x80000048  }
0xb3: {  	_ =	swait.ge [sflag:s29], $0x1  }
0xb4: {  	[sflag:s29] =	ssyncadd.s32 $0xFFFFFFFF  }
0xb5: {  	_ =	strace $0x90000048  }
0xb6: {  	_ =	sfence  }
0xb7: {  	s30 =	sld [smem:$0x0];
	_ =	sdelay $0x2  }
0xb8: {  	s31 =	sshll.u32 s1, $0xD;
	s1 =	sshrl.u32 s1, $0x2  }
0xb9: {  	s3 =	sand.u32 $0x4000, s31;
	s1 =	sadd.s32 s1, s30  }
0xba: {  	s0 =	sor.u32 s3, s0;
	s1 =	sshll.u32 s1, $0x11  }
0xbb: {  	s0 =	sor.u32 s1, s0  }
0xbc: {  	s0 =	sadd.s32 $0x8F2B, s0  }
0xbd: {  	[sflag:s0] =	ssyncadd.remote.s32 $0x1  }
0xbe: {  	_ =	sfence.sel $0xFFFF  }
0xbf: {  	[dreg:$0x0] =	wrdreg $0xFFFFFFFF;
	(pc) =	sbr.abs _section_cstart, $3  }
0xc0: {  	[dreg:$0x1] =	wrdreg $0xFFFFFFFF  }
0xc1: {  	_ =	task.clear_ibuf [dreg:s6], $0x2FFFF;
	_ =	strace $0x9FFFFFFF  }
0xc2: {  	(tm) =	ssettm $0x7FFFFFFF  }
0xc3: {  	_ =	shalt  }
tec
execute0_lowered:
.L_overlay_start_1:
0x0: {  	(tag) =	ssettag $0x1  }
0x1: {  	s7 =	rddreg [dreg:$0x0]  }
0x2: {  	s2 =	rddreg [dreg:$0x1]  }
0x3: {  	s0 =	rddreg [dreg:$0x2];
	s1 =	stileid.u32  }
0x4: {  	s5 =	srdreg.scid;
	s3 =	simm.s32 $0x0;
	s19 =	simm.s32 $0x1  }
0x5: {  	s20 =	simm.s32 $0x14080;
	s21 =	simm.s32 $0x14000;
	s4 =	smul.u32 $0x9E0, s1  }
0x6: {  	s22 =	simm.s32 $0x80;
	s23 =	simm.s32 $0x0;
	s6 =	smul.u32 $0x280, s1  }
0x7: {  	s10 =	sand.u32 $0x1, s5;
	[smem:$0x7FF] =	sst s3;
	s9 =	smul.u32 $0x50000, s1  }
0x8: {  	s5 =	sadd.s32 $0xE200, s7;
	s8 =	smul.u32 $0x2800, s10;
	_ =	strace $0x80000047  }
0x9: {  	s31 =	ssub.s32 $0x2, s10;
	s18 =	smul.u32 $0x4F0, s10;
	s15 =	sadd.s32 s4, s7  }
0xa: {  	s4 =	sadd.s32 $0xDA00, s7;
	s12 =	sshrl.u32 s31, $0x1;
	s6 =	sadd.s32 s6, s8  }
0xb: {  	s9 =	sshrl.u32 s9, $0x2;
	s17 =	ssub.s32 s31, s12;
	s11 =	sshll.u32 s6, $0x4  }
0xc: {  	s18 =	sadd.s32 s18, s15;
	s6 =	sadd.s32 s9, s2;
	s16 =	sadd.s32 s11, s7  }
0xd: {  	s7 =	sadd.s32 $0x4000, s6;
	s8 =	sadd.s32 $0x8000, s6;
	s9 =	sadd.s32 $0xC000, s6  }
0xe: {  	s10 =	sadd.s32 $0x10000, s6;
	s11 =	sadd.s32 $0xEA00, s16;
	s12 =	sadd.s32 $0xF200, s16  }
0xf: {  	s13 =	sadd.s32 $0xFA00, s16;
	s14 =	sadd.s32 $0x10200, s16;
	s15 =	sadd.s32 $0x10A00, s16  }
0x10: {  	s16 =	smax.u32 s17, $0x1;
	s17 =	sadd.s32 $0x3800, s18;
	s18 =	simm.s32 $0x18080  }
.LBB2_1:
0x11: {  	[tilespmem:s18], [sflag:$0x1] =	stream.linear.gather [hbm4b:s4+s3], $0x4000, $0x38;
	[tilespmem:$0x1C080] =	vst v63  }
0x12: {  	_ =	swait.ge [sflag:s19], $0x4000  }
0x13: {  	[sflag:s19] =	ssyncset.done $0x0  }
0x14: {  	[sflag:s19] =	ssyncadd.s32 $0xFFFFC000  }
0x15: {  	[spmem:s6] =	stream.linear.scatter [tilespmem:s18], [sflag:$0x1], $0x4000, $0x38;
	[tilespmem:$0x1C080] =	vst v63  }
0x16: {  	_ =	swait.ge [sflag:s19], $0x4000  }
0x17: {  	[sflag:s19] =	ssyncset.done $0x0  }
0x18: {  	[sflag:s19] =	ssyncadd.s32 $0xFFFFC000  }
0x19: {  	[spmem:s7] =	stream.linear.scatter [tilespmem:s18], [sflag:$0x1], $0x4000, $0x38;
	[tilespmem:$0x1C080] =	vst v63  }
0x1a: {  	_ =	swait.ge [sflag:s19], $0x4000  }
0x1b: {  	[sflag:s19] =	ssyncset.done $0x0  }
0x1c: {  	[sflag:s19] =	ssyncadd.s32 $0xFFFFC000  }
0x1d: {  	[spmem:s8] =	stream.linear.scatter [tilespmem:s18], [sflag:$0x1], $0x4000, $0x38;
	[tilespmem:$0x1C080] =	vst v63  }
0x1e: {  	_ =	swait.ge [sflag:s19], $0x4000  }
0x1f: {  	[sflag:s19] =	ssyncset.done $0x0  }
0x20: {  	[sflag:s19] =	ssyncadd.s32 $0xFFFFC000  }
0x21: {  	[spmem:s9] =	stream.linear.scatter [tilespmem:s18], [sflag:$0x1], $0x4000, $0x38;
	[tilespmem:$0x1C080] =	vst v63  }
0x22: {  	_ =	swait.ge [sflag:s19], $0x4000  }
0x23: {  	[sflag:s19] =	ssyncset.done $0x0  }
0x24: {  	[sflag:s19] =	ssyncadd.s32 $0xFFFFC000  }
0x25: {  	[spmem:s10] =	stream.linear.scatter [tilespmem:s18], [sflag:$0x1], $0x4000, $0x38;
	[tilespmem:$0x1C080] =	vst v63  }
0x26: {  	_ =	swait.ge [sflag:s19], $0x4000  }
0x27: {  	[sflag:s19] =	ssyncset.done $0x0  }
0x28: {  	[sflag:s19] =	ssyncadd.s32 $0xFFFFC000  }
0x29: {  	[tilespmem:s20], [sflag:$0x1] =	stream.linear.gather [hbm4b:s5+s3], $0x4000, $0x38;
	[tilespmem:$0x1C080] =	vst v63  }
0x2a: {  	_ =	swait.ge [sflag:s19], $0x4000  }
0x2b: {  	[sflag:s19] =	ssyncset.done $0x0  }
0x2c: {  	[sflag:s19] =	ssyncadd.s32 $0xFFFFC000  }
0x2d: {  	s24 =	sadd.s32 $0x0, s17;
	[bflag:$0x0] =	sbarrier.arrive $0xFFFF  }
0x2e: {  	[tilespmem:s21], [sflag:$0x1] =	stream.linear.gather [hbm4b:s24+s3], $0x80, $0x38;
	[tilespmem:$0x1C080] =	vst v63  }
0x2f: {  	_ =	swait.ge [sflag:s19], $0x80  }
0x30: {  	[sflag:s19] =	ssyncset.done $0x0  }
0x31: {  	[sflag:s19] =	ssyncadd.s32 $0xFFFFFF80  }
0x32: {  	[spmem:s2] =	stream.indirect.scatter.add.f32 [tilespmem:s20], [sflag:$0x1], $0x80, s21, s22, $0xb8;
	[tilespmem:$0x1C080] =	vst v63  }
0x33: {  	_ =	swait.ge [sflag:s19], $0x4000  }
0x34: {  	s25 =	simm.s32 $0x20;
	s24 =	simm.s32 $0x10;
	[sflag:s19] =	ssyncset.done $0x0  }
.LBB2_2:
0x35: {  	s26 =	sadd.s32 s24, s17  }
0x36: {  	[sflag:s19] =	ssyncadd.s32 $0xFFFFC000;
	s24 =	smov.u32 s25;
	s28 =	sadd.s32 $0x10, s25  }
0x37: {  	[tilespmem:s21], [sflag:$0x1] =	stream.linear.gather [hbm4b:s26+s3], $0x80, $0x38;
	[tilespmem:$0x1C080] =	vst v63  }
0x38: {  	p0 =	sne.s32 s25, $0x4E0;
	_ =	swait.ge [sflag:s19], $0x80  }
.Ltmp0:
0x39: {  	[sflag:s19] =	ssyncset.done $0x0;
	(pc) =	sbr.rel @p0 .LBB2_2-.Ltmp0, $4  }
0x3a: {  	[sflag:s19] =	ssyncadd.s32 $0xFFFFFF80  }
0x3b: {  	[spmem:s2] =	stream.indirect.scatter.add.f32 [tilespmem:s20], [sflag:$0x1], $0x80, s21, s22, $0xb8;
	[tilespmem:$0x1C080] =	vst v63  }
0x3c: {  	_ =	swait.ge [sflag:s19], $0x4000  }
0x3d: {  	s25 =	smov.u32 s28;
	[sflag:s19] =	ssyncset.done $0x0  }
0x3e: {  	s24 =	sadd.s32 s24, s17;
	[sflag:s19] =	ssyncadd.s32 $0xFFFFC000  }
0x3f: {  	[tilespmem:s21], [sflag:$0x1] =	stream.linear.gather [hbm4b:s24+s3], $0x80, $0x38;
	[tilespmem:$0x1C080] =	vst v63  }
0x40: {  	_ =	swait.ge [sflag:s19], $0x80  }
0x41: {  	[sflag:s19] =	ssyncset.done $0x0  }
0x42: {  	[sflag:s19] =	ssyncadd.s32 $0xFFFFFF80  }
0x43: {  	[spmem:s2] =	stream.indirect.scatter.add.f32 [tilespmem:s20], [sflag:$0x1], $0x80, s21, s22, $0xb8;
	[tilespmem:$0x1C080] =	vst v63  }
0x44: {  	_ =	swait.ge [sflag:s19], $0x4000  }
0x45: {  	[sflag:s19] =	ssyncset.done $0x0  }
0x46: {  	[sflag:s19] =	ssyncadd.s32 $0xFFFFC000  }
0x47: {  	[bflag:$0x0] =	sbarrier.arrive $0xFFFF  }
0x48: {  	[tilespmem:s18], [sflag:$0x1] =	stream.linear.gather [spmem:s6], $0x4000, $0x38;
	[tilespmem:$0x1C080] =	vst v63  }
0x49: {  	_ =	swait.ge [sflag:s19], $0x4000  }
0x4a: {  	[sflag:s19] =	ssyncset.done $0x0  }
0x4b: {  	[sflag:s19] =	ssyncadd.s32 $0xFFFFC000  }
0x4c: {  	[hbm4b:s11+s3] =	stream.linear.scatter [tilespmem:s18], [sflag:$0x1], $0x4000, $0x38;
	[tilespmem:$0x1C080] =	vst v63  }
0x4d: {  	_ =	swait.ge [sflag:s19], $0x4000  }
0x4e: {  	[sflag:s19] =	ssyncset.done $0x0  }
0x4f: {  	[sflag:s19] =	ssyncadd.s32 $0xFFFFC000  }
0x50: {  	[tilespmem:s18], [sflag:$0x1] =	stream.linear.gather [spmem:s7], $0x4000, $0x38;
	[tilespmem:$0x1C080] =	vst v63  }
0x51: {  	_ =	swait.ge [sflag:s19], $0x4000  }
0x52: {  	[sflag:s19] =	ssyncset.done $0x0  }
0x53: {  	[sflag:s19] =	ssyncadd.s32 $0xFFFFC000  }
0x54: {  	[hbm4b:s12+s3] =	stream.linear.scatter [tilespmem:s18], [sflag:$0x1], $0x4000, $0x38;
	[tilespmem:$0x1C080] =	vst v63  }
0x55: {  	_ =	swait.ge [sflag:s19], $0x4000  }
0x56: {  	[sflag:s19] =	ssyncset.done $0x0  }
0x57: {  	[sflag:s19] =	ssyncadd.s32 $0xFFFFC000  }
0x58: {  	[tilespmem:s18], [sflag:$0x1] =	stream.linear.gather [spmem:s8], $0x4000, $0x38;
	[tilespmem:$0x1C080] =	vst v63  }
0x59: {  	_ =	swait.ge [sflag:s19], $0x4000  }
0x5a: {  	[sflag:s19] =	ssyncset.done $0x0  }
0x5b: {  	[sflag:s19] =	ssyncadd.s32 $0xFFFFC000  }
0x5c: {  	[hbm4b:s13+s3] =	stream.linear.scatter [tilespmem:s18], [sflag:$0x1], $0x4000, $0x38;
	[tilespmem:$0x1C080] =	vst v63  }
0x5d: {  	_ =	swait.ge [sflag:s19], $0x4000  }
0x5e: {  	[sflag:s19] =	ssyncset.done $0x0  }
0x5f: {  	[sflag:s19] =	ssyncadd.s32 $0xFFFFC000  }
0x60: {  	[tilespmem:s18], [sflag:$0x1] =	stream.linear.gather [spmem:s9], $0x4000, $0x38;
	[tilespmem:$0x1C080] =	vst v63  }
0x61: {  	_ =	swait.ge [sflag:s19], $0x4000  }
0x62: {  	[sflag:s19] =	ssyncset.done $0x0  }
0x63: {  	[sflag:s19] =	ssyncadd.s32 $0xFFFFC000  }
0x64: {  	[hbm4b:s14+s3] =	stream.linear.scatter [tilespmem:s18], [sflag:$0x1], $0x4000, $0x38;
	[tilespmem:$0x1C080] =	vst v63  }
0x65: {  	_ =	swait.ge [sflag:s19], $0x4000  }
0x66: {  	[sflag:s19] =	ssyncset.done $0x0  }
0x67: {  	[sflag:s19] =	ssyncadd.s32 $0xFFFFC000  }
0x68: {  	[tilespmem:s18], [sflag:$0x1] =	stream.linear.gather [spmem:s10], $0x4000, $0x38;
	[tilespmem:$0x1C080] =	vst v63  }
0x69: {  	s23 =	sadd.s32 $0x1, s23;
	_ =	swait.ge [sflag:s19], $0x4000  }
0x6a: {  	p0 =	sne.s32 s23, s16;
	[sflag:s19] =	ssyncset.done $0x0  }
.Ltmp1:
0x6b: {  	[sflag:s19] =	ssyncadd.s32 $0xFFFFC000;
	(pc) =	sbr.rel @p0 .LBB2_1-.Ltmp1, $4  }
0x6c: {  	[hbm4b:s15+s3] =	stream.linear.scatter [tilespmem:s18], [sflag:$0x1], $0x4000, $0x38;
	[tilespmem:$0x1C080] =	vst v63  }
0x6d: {  	_ =	swait.ge [sflag:s19], $0x4000  }
0x6e: {  	[sflag:s19] =	ssyncset.done $0x0  }
0x6f: {  	[sflag:s19] =	ssyncadd.s32 $0xFFFFC000  }
0x70: {  	_ =	sfence.sel $0x180000  }
0x71: {  	[bflag:$0x0] =	sbarrier.arrive $0xFFFF  }
0x72: {  	p0 =	sne.s32 s1, $0x0;
	_ =	strace $0x90000047  }
0x73: {  	s0 =	sadd.s32 @!p0 $0x100000, s0;
	[bflag:$0x2] =	sbarrier.arrive $0xFFFF  }
0x74: {  	[sflag:s0] =	ssyncadd.tile.s32 @!p0 $0x1;
	_ =	shalt  }
.Lfunc_end2:
_tile_overlayer_lowered:
.L_overlay_start_2:
0x75: {  	(tag) =	ssettag $0x2  }
0x76: {  	s0 =	rddreg [dreg:$0x0];
	s2 =	stileid.u32  }
0x77: {  	s1 =	rddreg [dreg:$0x1];
	p0 =	sne.s32 s2, $0x0  }
0x78: {  	s3 =	rddreg [dreg:$0x2];
	[bflag:$0x3] =	sbarrier.arrive $0xFFFF;
	s2 =	simm.s32 @!p0 $0x1C01  }
0x79: {  	[timem:s3], [sflag:s2] =	dma.local @!p0 [hbm:s0], s1  }
0x7a: {  	s0 =	simm.s32 @!p0 $0x1  }
0x7b: {  	_ =	swait.ge @!p0 [sflag:s0], s1  }
0x7c: {  	s1 =	ssub.s32 @!p0 $0x0, s1;
	[sflag:s0] =	ssyncset.done @!p0 $0x0  }
0x7d: {  	[sflag:s0] =	ssyncadd.s32 @!p0 s1  }
0x7e: {  	[bflag:$0x3] =	sbarrier.arrive $0xFFFF  }
0x7f: {  	_ =	shalt  }

// kernel: kernel.13.cloned.1.call-start
scs
__scs_entry_jumppad:
0x0: {  	(pc) =	sbr.rel $0x88, $3  }
0x1: {  	(tag) =	ssettag $0x0;
	lr =	simm.s32 $0x1  }
0x2: {  	[smem:$0x3F93] =	sst lr;
	_ =	strace $0xD0000000  }
0x3: {  	_ = 	snop  }
0x4: {  	_ = 	snop  }
0x5: {  	_ = 	snop  }
0x6: {  	_ = 	snop  }
0x7: {  	_ = 	snop  }
__scs_overlays_trampoline_lowered:
0x8: {  	[smem:$0x3FA2] =	sst s0  }
0x9: {  	[smem:$0x3FA3] =	sst s1  }
0xa: {  	[smem:$0x3FA4] =	sst s2  }
0xb: {  	[smem:$0x3FA5] =	sst s3  }
0xc: {  	[smem:$0x3FA6] =	sst s4  }
0xd: {  	[smem:$0x3FA7] =	sst s5  }
0xe: {  	[smem:$0x3FA8] =	sst s6  }
0xf: {  	[smem:$0x3FA9] =	sst s7  }
0x10: {  	[smem:$0x3FAA] =	sst s8  }
0x11: {  	[smem:$0x3FAB] =	sst s9;
	s0 =	simm.s32 @!p0 $0x0  }
0x12: {  	s1 =	sld [smem:$0x3F91];
	s0 =	simm.s32 @p0 $0x1  }
0x13: {  	[smem:$0x3FAC] =	sst s0;
	s0 =	simm.s32 @!p1 $0x0  }
0x14: {  	s2 =	sld [smem:$0x3F90];
	s0 =	simm.s32 @p1 $0x1  }
0x15: {  	[smem:$0x3FAD] =	sst s0;
	s0 =	simm.s32 @!p2 $0x0  }
0x16: {  	s3 =	sld [smem:$0x3FDB];
	s0 =	simm.s32 @p2 $0x1  }
0x17: {  	s4 =	simm.s32 $0x1BF5;
	[smem:$0x3FAF] =	sst s0  }
0x18: {  	s0 =	sld [smem:$0x3F92];
	_ =	swait.ge [sflag:s4], $0x0  }
0x19: {  	s7 =	sld [smem:$0x3F93]  }
0x1a: {  	s8 =	sadd.s32 $0xFFFFE003, lr  }
0x1b: {  	s9 =	sadd.s32 $0xFFFFFEF7, lr;
	s5 =	simm.s32 $0xFFFFFFFF;
	p2 =	slt.u32 s8, $0xFFFFF086  }
0x1c: {  	p1 =	slt.u32 s9, $0xF7A;
	s5 =	simm.s32 @!p2 $0x0  }
0x1d: {  	s5 =	simm.s32 @p1 $0x1;
	p0 =	seq.s32 s7, s2  }
0x1e: {  	s7 =	smul.u32 @!p0 $0xF7A, s2;
	p2 =	seq.s32 @!p0 s5, $0x0  }
0x1f: {  	s9 =	smul.u32 $0xF7A, s1;
	s8 =	simm.s32 @!p0 $0x1BF5;
	p2 =	por !p2, p0  }
0x20: {  	[sflag:s8] =	ssyncset.s32 @!p0 $0xFFFFF086;
	s6 =	sadd.s32 @!p0 s3, s7;
	s7 =	simm.s32 @!p0 $0x108  }
0x21: {  	s3 =	sadd.s32 s3, s9;
	s6 =	sadd.s32 @!p0 $0x88, s6;
	s7 =	simm.s32 @p2 $0x1082  }
0x22: {  	[simem:s7], [sflag:s8] =	dma.local @!p0 [hbm:s6], $0xF7A  }
0x23: {  	s9 =	sor.u32 $0xD0000000, s2;
	s6 =	simm.s32 $0x108;
	_ =	swait.ge @!p0 [sflag:s8], $0x0  }
0x24: {  	s3 =	sadd.s32 $0x88, s3;
	s6 =	simm.s32 @!p1 $0x1082;
	[sflag:s4] =	ssyncset.s32 $0xFFFFF086  }
0x25: {  	[simem:s6], [sflag:s4] =	dma.local [hbm:s3], $0xF7A  }
0x26: {  	[smem:$0x3F93] =	sst s1;
	(tag) =	ssettag s2;
	_ =	strace s9  }
0x27: {  	s1 =	sld [smem:$0x3FA3]  }
0x28: {  	s2 =	sld [smem:$0x3FA4]  }
0x29: {  	s4 =	sld [smem:$0x3FA6]  }
0x2a: {  	p0 =	seq.s32 s5, $0x0;
	s5 =	sld [smem:$0x3FA7]  }
0x2b: {  	s6 =	sld [smem:$0x3FA8]  }
0x2c: {  	s7 =	sld [smem:$0x3FA9]  }
0x2d: {  	s3 =	simm.s32 $0x108;
	s8 =	sld [smem:$0x3FAA]  }
0x2e: {  	s3 =	simm.s32 @!p0 $0x1082;
	s9 =	sld [smem:$0x3FAB]  }
0x2f: {  	lr =	sadd.s32 s0, s3;
	s0 =	sld [smem:$0x3FA2]  }
0x30: {  	s3 =	sld [smem:$0x3FA5]  }
0x31: {  	[smem:$0x3FAE] =	sst s10  }
0x32: {  	s10 =	sld [smem:$0x3FAC];
	_ =	sdelay $0x3  }
0x33: {  	p0 =	seq.s32 s10, $0x1;
	s10 =	sld [smem:$0x3FAE];
	_ =	sdelay $0x3  }
0x34: {  	[smem:$0x3FAE] =	sst s10  }
0x35: {  	s10 =	sld [smem:$0x3FAD];
	_ =	sdelay $0x3  }
0x36: {  	p1 =	seq.s32 s10, $0x1;
	s10 =	sld [smem:$0x3FAE];
	_ =	sdelay $0x3  }
0x37: {  	[smem:$0x3FAE] =	sst s10  }
0x38: {  	s10 =	sld [smem:$0x3FAF]  }
0x39: {  	_ = 	snop;
	(pc) =	sbr.ind lr, $3  }
0x3a: {  	_ = 	snop  }
0x3b: {  	_ = 	snop  }
0x3c: {  	p2 =	seq.s32 s10, $0x1;
	s10 =	sld [smem:$0x3FAE]  }
0x3d: {  	_ =	shalt  }
0x3e: {  	_ =	shalt  }
0x3f: {  	_ =	shalt  }
0x40: {  	_ =	shalt  }
0x41: {  	_ =	shalt  }
0x42: {  	_ =	shalt  }
0x43: {  	_ =	shalt  }
0x44: {  	_ =	shalt  }
0x45: {  	_ =	shalt  }
0x46: {  	_ =	shalt  }
0x47: {  	_ =	shalt  }
0x48: {  	_ =	shalt  }
0x49: {  	_ =	shalt  }
0x4a: {  	_ =	shalt  }
0x4b: {  	_ =	shalt  }
0x4c: {  	_ =	shalt  }
0x4d: {  	_ =	shalt  }
0x4e: {  	_ =	shalt  }
0x4f: {  	_ =	shalt  }
0x50: {  	_ =	shalt  }
0x51: {  	_ =	shalt  }
0x52: {  	_ =	shalt  }
0x53: {  	_ =	shalt  }
0x54: {  	_ =	shalt  }
0x55: {  	_ =	shalt  }
0x56: {  	_ =	shalt  }
0x57: {  	_ =	shalt  }
0x58: {  	_ =	shalt  }
0x59: {  	_ =	shalt  }
0x5a: {  	_ =	shalt  }
0x5b: {  	_ =	shalt  }
0x5c: {  	_ =	shalt  }
0x5d: {  	_ =	shalt  }
0x5e: {  	_ =	shalt  }
0x5f: {  	_ =	shalt  }
0x60: {  	_ =	shalt  }
0x61: {  	_ =	shalt  }
0x62: {  	_ =	shalt  }
0x63: {  	_ =	shalt  }
0x64: {  	_ =	shalt  }
0x65: {  	_ =	shalt  }
0x66: {  	_ =	shalt  }
0x67: {  	_ =	shalt  }
0x68: {  	_ =	shalt  }
0x69: {  	_ =	shalt  }
0x6a: {  	_ =	shalt  }
0x6b: {  	_ =	shalt  }
0x6c: {  	_ =	shalt  }
0x6d: {  	_ =	shalt  }
0x6e: {  	_ =	shalt  }
0x6f: {  	_ =	shalt  }
0x70: {  	_ =	shalt  }
0x71: {  	_ =	shalt  }
0x72: {  	_ =	shalt  }
0x73: {  	_ =	shalt  }
0x74: {  	_ =	shalt  }
0x75: {  	_ =	shalt  }
0x76: {  	_ =	shalt  }
0x77: {  	_ =	shalt  }
0x78: {  	_ =	shalt  }
0x79: {  	_ =	shalt  }
0x7a: {  	_ =	shalt  }
0x7b: {  	_ =	shalt  }
0x7c: {  	_ =	shalt  }
0x7d: {  	_ =	shalt  }
0x7e: {  	_ =	shalt  }
0x7f: {  	_ =	shalt  }
0x80: {  	_ =	shalt  }
0x81: {  	_ =	shalt  }
0x82: {  	_ =	shalt  }
0x83: {  	_ =	shalt  }
0x84: {  	_ =	shalt  }
0x85: {  	_ =	shalt  }
0x86: {  	_ =	shalt  }
0x87: {  	_ =	shalt  }
.Lfunc_end0:
.L_simem_size_0:
called_computation.1_lowered:
.L_overlay_start_0:
0x88: {  	s2 =	sld [smem:$0x3FD9]  }
0x89: {  	s3 =	sld [smem:$0x3FFE];
	_ =	sdelay $0x1  }
0x8a: {  	s1 =	srdreg.scid  }
0x8b: {  	s0 =	sand.u32 $0x1, s1  }
0x8c: {  	s17 =	sshll.u32 s0, $0xA;
	s2 =	sadd.s32 s3, s2  }
0x8d: {  	s2 =	sadd.s32 s2, s17  }
0x8e: {  	[smem:$0x3FBA] =	sst s2  }
0x8f: {  	_ = 	snop  }
0x90: {  	s18 =	sld [smem:$0x3FD0];
	(tm) =	ssettm $0x1  }
0x91: {  	s19 =	sld [smem:$0x3FFB];
	_ =	sdelay $0x3  }
0x92: {  	_ =	strace s19  }
0x93: {  	s2 =	sld [smem:$0x3FFC];
	_ =	sdelay $0x3  }
0x94: {  	_ =	strace s2  }
0x95: {  	s2 =	sld [smem:$0x3FFD];
	_ =	sdelay $0x3  }
0x96: {  	_ =	strace s2  }
0x97: {  	_ =	strace $0x8FFFFFFF  }
0x98: {  	s20 =	sld [smem:$0x3FDB];
	_ =	sdelay $0x1  }
0x99: {  	s4 =	simm.s32 $_scs_section_size  }
0x9a: {  	s5 =	simm.s32 $_size__tile_overlayer_lowered;
	s6 =	simm.s32 $_tile_overlayer_lowered  }
0x9b: {  	s7 =	simm.s32 $0x1BFF;
	s21 =	sshll.u32 s6, $0x1;
	s4 =	sadd.s32 s4, s20  }
0x9c: {  	s22 =	simm.s32 $0x0;
	s5 =	sshll.u32 s5, $0x1;
	s6 =	sadd.s32 s21, s4  }
0x9d: {  	[timem:s22], [sflag:s7] =	dma.local [hbm:s6], s5  }
0x9e: {  	_ =	swait.ge [sflag:s7], s5  }
0x9f: {  	s5 =	ssub.s32 $0x0, s5;
	[sflag:s7] =	ssyncset.done $0x0  }
0xa0: {  	[sflag:s7] =	ssyncadd.s32 s5;
	_ =	sdelay $0x1  }
0xa1: {  	s23 =	simm.s32 $0x1B8B  }
0xa2: {  	_ =	swait.ge [sflag:s23], $0x1  }
0xa3: {  	[sflag:s23] =	ssyncset.done $0x0  }
0xa4: {  	[sflag:s23] =	ssyncadd.s32 $0xFFFFFFFF  }
0xa5: {  	s5 =	sld [smem:$0x0]  }
0xa6: {  	s6 =	sand.u32 $0xFFFFFFFE, s1  }
0xa7: {  	p0 =	sne.s32 s1, s6  }
0xa8: {  	s6 =	sshll.u32 @p0 s6, $0xE  }
0xa9: {  	s6 =	sadd.s32 @p0 $0x11B8D, s6;
	s7 =	sshll.u32 @p0 s5, $0x11  }
0xaa: {  	s6 =	sor.u32 @p0 s7, s6  }
0xab: {  	[sflag:s6] =	ssyncadd.remote.s32 @p0 $0x1;
	_ =	sdelay $0x1  }
0xac: {  	s6 =	simm.s32 @p0 $0x1B8D  }
0xad: {  	_ =	swait.eq @p0 [sflag:s6], $0x1  }
0xae: {  	[sflag:s6] =	ssyncadd.s32 @p0 $0xFFFFFFFF  }
0xaf: {  	s7 =	sshll.u32 @!p0 s1, $0xE  }
0xb0: {  	s7 =	sor.u32 @!p0 $0x4000, s7;
	s6 =	simm.s32 @!p0 $0x1B8D  }
0xb1: {  	s5 =	sshll.u32 @!p0 s5, $0x11;
	s7 =	sadd.s32 @!p0 $0x11B8D, s7;
	_ =	swait.eq @!p0 [sflag:s6], $0x1  }
0xb2: {  	s5 =	sor.u32 @!p0 s5, s7;
	[sflag:s6] =	ssyncadd.s32 @!p0 $0xFFFFFFFF  }
0xb3: {  	s25 =	simm.s32 $0x1B8E;
	s24 =	sld [smem:$0x3FFE];
	[sflag:s5] =	ssyncadd.remote.s32 @!p0 $0x1  }
0xb4: {  	s26 =	simm.s32 $execute0_lowered;
	[smem:$0x3FD2] =	sst s25  }
0xb5: {  	s6 =	sshll.u32 s26, $0x1;
	_ =	strace $0x80000049;
	[dreg:$0x1] =	wrdreg $0xFFFFFFFF  }
0xb6: {  	s28 =	simm.s32 $_size_execute0_lowered;
	s4 =	sadd.s32 s4, s6;
	[dreg:$0x0] =	wrdreg $0x0  }
0xb7: {  	s6 =	sshll.u32 s28, $0x1;
	[dreg:$0x2] =	wrdreg s4  }
0xb8: {  	[dreg:$0x3] =	wrdreg s6  }
0xb9: {  	[dreg:$0x4] =	wrdreg $0xC0  }
0xba: {  	_ =	task [dreg:s22], $0x5FFFF  }
0xbb: {  	[dreg:$0x1] =	wrdreg $0xFFFFFFFF  }
0xbc: {  	[dreg:$0x0] =	wrdreg $0x60  }
0xbd: {  	[dreg:$0x2] =	wrdreg s18  }
0xbe: {  	[dreg:$0x3] =	wrdreg s24  }
0xbf: {  	[dreg:$0x4] =	wrdreg $0x0  }
0xc0: {  	[dreg:$0x5] =	wrdreg $0xA  }
0xc1: {  	_ =	task.clear_ibuf [dreg:s22], $0x6FFFF;
	_ =	strace $0x90000049  }
0xc2: {  	s29 =	simm.s32 $0xA;
	_ =	strace $0x8000004B  }
0xc3: {  	_ =	swait.ge [sflag:s29], $0x1  }
0xc4: {  	[sflag:s29] =	ssyncadd.s32 $0xFFFFFFFF  }
0xc5: {  	_ =	strace $0x9000004B  }
0xc6: {  	_ =	sfence  }
0xc7: {  	s30 =	sld [smem:$0x0];
	_ =	sdelay $0x2  }
0xc8: {  	s31 =	sshll.u32 s1, $0xD;
	s1 =	sshrl.u32 s1, $0x2  }
0xc9: {  	s4 =	sand.u32 $0x4000, s31;
	s1 =	sadd.s32 s1, s30  }
0xca: {  	s0 =	sor.u32 s4, s0;
	s1 =	sshll.u32 s1, $0x11  }
0xcb: {  	s0 =	sor.u32 s1, s0  }
0xcc: {  	s0 =	sadd.s32 $0x8F2B, s0  }
0xcd: {  	[sflag:s0] =	ssyncadd.remote.s32 $0x1  }
0xce: {  	_ =	sfence.sel $0xFFFF  }
0xcf: {  	[dreg:$0x0] =	wrdreg $0xFFFFFFFF;
	(pc) =	sbr.abs _section_cstart, $3  }
0xd0: {  	[dreg:$0x1] =	wrdreg $0xFFFFFFFF  }
0xd1: {  	_ =	task.clear_ibuf [dreg:s22], $0x2FFFF;
	_ =	strace $0x9FFFFFFF  }
0xd2: {  	(tm) =	ssettm $0x7FFFFFFF  }
0xd3: {  	_ =	shalt  }
tec
execute0_lowered:
.L_overlay_start_1:
0x0: {  	(tag) =	ssettag $0x1  }
0x1: {  	s1 =	rddreg [dreg:$0x0]  }
0x2: {  	s0 =	rddreg [dreg:$0x1]  }
0x3: {  	s3 =	rddreg [dreg:$0x2]  }
0x4: {  	s2 =	srdreg.scid;
	s13 =	stileid.u32;
	s4 =	simm.s32 $0x0  }
0x5: {  	s28 =	simm.s32 $0x14200;
	s29 =	simm.s32 $0x5;
	s30 =	simm.s32 $0x14000  }
0x6: {  	s31 =	simm.s32 $0x14080;
	s2 =	sand.u32 $0x1, s2;
	s7 =	smul.u32 $0x280, s13  }
0x7: {  	[smem:$0x7FF] =	sst s4;
	s5 =	sadd.s32 $0x5EA00, s0;
	s9 =	sadd.s32 $0xDA00, s0  }
0x8: {  	s14 =	smul.u32 $0x50000, s13;
	s15 =	sadd.s32 $0xD800, s0;
	s16 =	sshll.u32 s13, $0x1  }
0x9: {  	s13 =	smul.u32 $0x4F00, s13;
	_ =	strace $0x8000004A;
	[dreg:$0x4] =	wrdreg s9  }
0xa: {  	s6 =	sadd.s32 $0x3800, s0;
	s8 =	smul.u32 $0x2800, s2;
	[dreg:$0x5] =	wrdreg s15  }
0xb: {  	s10 =	ssub.s32 $0x2, s2;
	s9 =	sor.u32 s2, s16;
	s2 =	smul.u32 $0x2780, s2  }
0xc: {  	s16 =	simm.s32 $0x2;
	s11 =	sshrl.u32 s10, $0x1;
	s12 =	smul.u32 $0x2780, s9  }
0xd: {  	s7 =	sadd.s32 s7, s8;
	s8 =	sshrl.u32 s14, $0x2;
	s17 =	ssub.s32 s10, s11  }
0xe: {  	s2 =	sadd.s32 s2, s13;
	s13 =	simm.s32 $0x14100;
	s7 =	sshll.u32 s7, $0x4  }
0xf: {  	s9 =	sadd.s32 s8, s3;
	s18 =	sshrl.u32 s12, $0x3;
	s24 =	sadd.s32 $0x80, s2  }
0x10: {  	s0 =	sadd.s32 s7, s0;
	s10 =	sadd.s32 $0x4000, s9;
	s15 =	sadd.s32 s5, s18  }
0x11: {  	s14 =	sadd.s32 $0x4F0, s18;
	s8 =	sadd.s32 s6, s18;
	[dreg:$0x6] =	wrdreg s15  }
0x12: {  	s11 =	sadd.s32 $0x8000, s9;
	[dreg:$0x7] =	wrdreg s8;
	s19 =	sadd.s32 s5, s14  }
0x13: {  	s12 =	sadd.s32 $0xC000, s9;
	s20 =	sadd.s32 s6, s14;
	[dreg:$0x8] =	wrdreg s19  }
0x14: {  	s26 =	sshrl.u32 s24, $0x3;
	s21 =	sadd.s32 $0x68A00, s0;
	[dreg:$0x9] =	wrdreg s20  }
0x15: {  	s7 =	simm.s32 $0x18200;
	s22 =	sadd.s32 $0x69200, s0;
	[dreg:$0xa] =	wrdreg s21  }
0x16: {  	s23 =	sadd.s32 $0x69A00, s0;
	s25 =	sadd.s32 $0x6A200, s0;
	[dreg:$0xb] =	wrdreg s22  }
0x17: {  	s0 =	sadd.s32 $0x6AA00, s0;
	s24 =	sadd.s32 s26, s6;
	[dreg:$0xc] =	wrdreg s23  }
0x18: {  	s8 =	simm.s32 $0x1;
	s14 =	simm.s32 $0x3;
	[dreg:$0xd] =	wrdreg s25  }
0x19: {  	s15 =	simm.s32 $0x4;
	[dreg:$0xe] =	wrdreg s0;
	s22 =	smax.u32 s17, $0x1  }
0x1a: {  	s23 =	sadd.s32 $0x100, s2;
	s25 =	sadd.s32 s26, s5;
	s26 =	sadd.s32 $0x10000, s9  }
0x1b: {  	s0 =	simm.s32 $0x14180;
	s2 =	simm.s32 $0x80;
	s17 =	simm.s32 $0x0  }
.LBB2_1:
0x1c: {  	s18 =	rddreg [dreg:$0x4]  }
0x1d: {  	[tilespmem:s28], [sflag:$0x5] =	stream.linear.gather [hbm4b:s18+s4], $0x4000, $0x38;
	[tilespmem:$0x1C200] =	vst v63  }
0x1e: {  	_ =	swait.ge [sflag:s29], $0x4000  }
0x1f: {  	[sflag:s29] =	ssyncset.done $0x0  }
0x20: {  	[sflag:s29] =	ssyncadd.s32 $0xFFFFC000  }
0x21: {  	[spmem:s9] =	stream.linear.scatter [tilespmem:s28], [sflag:$0x5], $0x4000, $0x38;
	[tilespmem:$0x1C200] =	vst v63  }
0x22: {  	_ =	swait.ge [sflag:s29], $0x4000  }
0x23: {  	[sflag:s29] =	ssyncset.done $0x0  }
0x24: {  	[sflag:s29] =	ssyncadd.s32 $0xFFFFC000  }
0x25: {  	[spmem:s10] =	stream.linear.scatter [tilespmem:s28], [sflag:$0x5], $0x4000, $0x38;
	[tilespmem:$0x1C200] =	vst v63  }
0x26: {  	_ =	swait.ge [sflag:s29], $0x4000  }
0x27: {  	[sflag:s29] =	ssyncset.done $0x0  }
0x28: {  	[sflag:s29] =	ssyncadd.s32 $0xFFFFC000  }
0x29: {  	[spmem:s11] =	stream.linear.scatter [tilespmem:s28], [sflag:$0x5], $0x4000, $0x38;
	[tilespmem:$0x1C200] =	vst v63  }
0x2a: {  	_ =	swait.ge [sflag:s29], $0x4000  }
0x2b: {  	[sflag:s29] =	ssyncset.done $0x0  }
0x2c: {  	[sflag:s29] =	ssyncadd.s32 $0xFFFFC000  }
0x2d: {  	[spmem:s12] =	stream.linear.scatter [tilespmem:s28], [sflag:$0x5], $0x4000, $0x38;
	[tilespmem:$0x1C200] =	vst v63  }
0x2e: {  	_ =	swait.ge [sflag:s29], $0x4000  }
0x2f: {  	[sflag:s29] =	ssyncset.done $0x0  }
0x30: {  	[sflag:s29] =	ssyncadd.s32 $0xFFFFC000  }
0x31: {  	[spmem:s26] =	stream.linear.scatter [tilespmem:s28], [sflag:$0x5], $0x4000, $0x38;
	[tilespmem:$0x1C200] =	vst v63  }
0x32: {  	_ =	swait.ge [sflag:s29], $0x4000  }
0x33: {  	[sflag:s29] =	ssyncset.done $0x0  }
0x34: {  	s19 =	rddreg [dreg:$0x6];
	[sflag:s29] =	ssyncadd.s32 $0xFFFFC000  }
0x35: {  	[tilespmem:s30], [sflag:$0x5] =	stream.linear.gather [hbm4b:s19+s4], $0x80, $0x38;
	[tilespmem:$0x1C200] =	vst v63  }
0x36: {  	_ =	swait.ge [sflag:s29], $0x80  }
0x37: {  	[sflag:s29] =	ssyncset.done $0x0  }
0x38: {  	s20 =	rddreg [dreg:$0x7];
	[sflag:s29] =	ssyncadd.s32 $0xFFFFFF80  }
0x39: {  	[tilespmem:s31], [sflag:$0x5] =	stream.linear.gather [hbm4b:s20+s4], $0x80, $0x38;
	[tilespmem:$0x1C200] =	vst v63  }
0x3a: {  	_ =	swait.ge [sflag:s29], $0x80  }
0x3b: {  	[sflag:s29] =	ssyncset.done $0x0  }
0x3c: {  	s21 =	rddreg [dreg:$0x5];
	[sflag:s29] =	ssyncadd.s32 $0xFFFFFF80  }
0x3d: {  	[tilespmem:s0], [sflag:$0x5] =	stream.linear.gather [hbm4b:s21+s4], $0x80, $0x38;
	[tilespmem:$0x1C200] =	vst v63  }
0x3e: {  	_ =	swait.ge [sflag:s29], $0x80  }
0x3f: {  	[sflag:s29] =	ssyncset.done $0x0  }
0x40: {  	[sflag:s29] =	ssyncadd.s32 $0xFFFFFF80  }
0x41: {  	[bflag:$0x0] =	sbarrier.arrive $0xFFFF  }
0x42: {  	[spmem:s3] =	stream.indirect.scatter.add.f32 [tilespmem:s7], [sflag:$0x3], $0x80, s0, s2, $0xb8;
	[tilespmem:$0x1C200] =	vst v63  }
0x43: {  	_ = 	snop  }
0x44: {  	[tilespmem:s28], [sflag:$0x1] =	stream.indirect.gather [hbm4b:s1+s2], $0x80, s30, s2, $0xb8;
	[tilespmem:$0x1C200] =	vst v63  }
0x45: {  	_ =	swait.ge [sflag:s8], $0x4000  }
0x46: {  	[sflag:s8] =	ssyncset.done $0x0  }
0x47: {  	[sflag:s8] =	ssyncadd.s32 $0xFFFFC000  }
0x48: {  	[spmem:s3] =	stream.indirect.scatter.add.f32 [tilespmem:s28], [sflag:$0x2], $0x80, s31, s2, $0xb8;
	[tilespmem:$0x1C200] =	vst v63  }
0x49: {  	s19 =	sadd.s32 $0x0, s25  }
0x4a: {  	[tilespmem:s13], [sflag:$0x4] =	stream.linear.gather [hbm4b:s19+s4], $0x80, $0x38;
	[tilespmem:$0x1C200] =	vst v63  }
0x4b: {  	_ =	swait.ge [sflag:s14], $0x4000  }
0x4c: {  	[sflag:s14] =	ssyncset.done $0x0  }
0x4d: {  	s20 =	sadd.s32 $0x0, s24;
	[sflag:s14] =	ssyncadd.s32 $0xFFFFC000  }
0x4e: {  	[tilespmem:s0], [sflag:$0x4] =	stream.linear.gather [hbm4b:s20+s4], $0x80, $0x38;
	[tilespmem:$0x1C200] =	vst v63  }
0x4f: {  	_ =	swait.ge [sflag:s15], $0x80  }
0x50: {  	[sflag:s15] =	ssyncset.done $0x0  }
0x51: {  	[sflag:s15] =	ssyncadd.s32 $0xFFFFFF80  }
0x52: {  	_ =	swait.ge [sflag:s15], $0x80  }
0x53: {  	[sflag:s15] =	ssyncset.done $0x0  }
0x54: {  	[sflag:s15] =	ssyncadd.s32 $0xFFFFFF80  }
0x55: {  	[tilespmem:s7], [sflag:$0x1] =	stream.indirect.gather [hbm4b:s1+s2], $0x80, s13, s2, $0xb8;
	[tilespmem:$0x1C200] =	vst v63  }
0x56: {  	_ =	swait.ge [sflag:s8], $0x4000  }
0x57: {  	[sflag:s8] =	ssyncset.done $0x0  }
0x58: {  	s21 =	sshrl.u32 s23, $0x3;
	[sflag:s8] =	ssyncadd.s32 $0xFFFFC000  }
0x59: {  	[spmem:s3] =	stream.indirect.scatter.add.f32 [tilespmem:s7], [sflag:$0x3], $0x80, s0, s2, $0xb8;
	[tilespmem:$0x1C200] =	vst v63  }
0x5a: {  	s19 =	sadd.s32 s5, s21  }
0x5b: {  	[tilespmem:s30], [sflag:$0x4] =	stream.linear.gather [hbm4b:s19+s4], $0x80, $0x38;
	[tilespmem:$0x1C200] =	vst v63  }
0x5c: {  	_ =	swait.ge [sflag:s16], $0x4000  }
0x5d: {  	[sflag:s16] =	ssyncset.done $0x0  }
0x5e: {  	s18 =	sadd.s32 s6, s21;
	[sflag:s16] =	ssyncadd.s32 $0xFFFFC000  }
0x5f: {  	[tilespmem:s31], [sflag:$0x4] =	stream.linear.gather [hbm4b:s18+s4], $0x80, $0x38;
	[tilespmem:$0x1C200] =	vst v63  }
0x60: {  	_ =	swait.ge [sflag:s15], $0x80  }
0x61: {  	[sflag:s15] =	ssyncset.done $0x0  }
0x62: {  	[sflag:s15] =	ssyncadd.s32 $0xFFFFFF80  }
0x63: {  	_ =	swait.ge [sflag:s15], $0x80  }
0x64: {  	[sflag:s15] =	ssyncset.done $0x0  }
0x65: {  	s19 =	sadd.s32 $0x100, s23;
	s18 =	simm.s32 $0x20;
	[sflag:s15] =	ssyncadd.s32 $0xFFFFFF80  }
.LBB2_2:
0x66: {  	[tilespmem:s28], [sflag:$0x1] =	stream.indirect.gather [hbm4b:s1+s2], $0x80, s30, s2, $0xb8;
	[tilespmem:$0x1C200] =	vst v63  }
0x67: {  	s20 =	smov.u32 s18  }
0x68: {  	p0 =	sne.s32 s18, $0x4C0;
	s18 =	sadd.s32 $0x20, s18;
	_ =	swait.ge [sflag:s8], $0x4000  }
0x69: {  	[sflag:s8] =	ssyncset.done $0x0  }
0x6a: {  	[sflag:s8] =	ssyncadd.s32 $0xFFFFC000  }
0x6b: {  	[spmem:s3] =	stream.indirect.scatter.add.f32 [tilespmem:s28], [sflag:$0x2], $0x80, s31, s2, $0xb8;
	[tilespmem:$0x1C200] =	vst v63  }
0x6c: {  	s21 =	sadd.s32 s20, s25  }
0x6d: {  	[tilespmem:s13], [sflag:$0x4] =	stream.linear.gather [hbm4b:s21+s4], $0x80, $0x38;
	[tilespmem:$0x1C200] =	vst v63  }
0x6e: {  	_ =	swait.ge [sflag:s14], $0x4000  }
0x6f: {  	[sflag:s14] =	ssyncset.done $0x0  }
0x70: {  	s20 =	sadd.s32 s20, s24;
	[sflag:s14] =	ssyncadd.s32 $0xFFFFC000  }
0x71: {  	[tilespmem:s0], [sflag:$0x4] =	stream.linear.gather [hbm4b:s20+s4], $0x80, $0x38;
	[tilespmem:$0x1C200] =	vst v63  }
0x72: {  	_ =	swait.ge [sflag:s15], $0x80  }
0x73: {  	[sflag:s15] =	ssyncset.done $0x0  }
0x74: {  	[sflag:s15] =	ssyncadd.s32 $0xFFFFFF80  }
0x75: {  	_ =	swait.ge [sflag:s15], $0x80  }
0x76: {  	[sflag:s15] =	ssyncset.done $0x0  }
0x77: {  	[sflag:s15] =	ssyncadd.s32 $0xFFFFFF80  }
0x78: {  	[tilespmem:s7], [sflag:$0x1] =	stream.indirect.gather [hbm4b:s1+s2], $0x80, s13, s2, $0xb8;
	[tilespmem:$0x1C200] =	vst v63  }
0x79: {  	_ =	swait.ge [sflag:s8], $0x4000  }
0x7a: {  	[sflag:s8] =	ssyncset.done $0x0  }
0x7b: {  	s20 =	sshrl.u32 s19, $0x3;
	[sflag:s8] =	ssyncadd.s32 $0xFFFFC000  }
0x7c: {  	[spmem:s3] =	stream.indirect.scatter.add.f32 [tilespmem:s7], [sflag:$0x3], $0x80, s0, s2, $0xb8;
	[tilespmem:$0x1C200] =	vst v63  }
0x7d: {  	s21 =	sadd.s32 s5, s20  }
0x7e: {  	[tilespmem:s30], [sflag:$0x4] =	stream.linear.gather [hbm4b:s21+s4], $0x80, $0x38;
	[tilespmem:$0x1C200] =	vst v63  }
0x7f: {  	_ =	swait.ge [sflag:s16], $0x4000  }
0x80: {  	[sflag:s16] =	ssyncset.done $0x0  }
0x81: {  	s20 =	sadd.s32 s6, s20;
	[sflag:s16] =	ssyncadd.s32 $0xFFFFC000  }
0x82: {  	[tilespmem:s31], [sflag:$0x4] =	stream.linear.gather [hbm4b:s20+s4], $0x80, $0x38;
	[tilespmem:$0x1C200] =	vst v63  }
0x83: {  	_ =	swait.ge [sflag:s15], $0x80  }
.Ltmp0:
0x84: {  	[sflag:s15] =	ssyncset.done $0x0;
	(pc) =	sbr.rel @p0 .LBB2_2-.Ltmp0, $4  }
0x85: {  	[sflag:s15] =	ssyncadd.s32 $0xFFFFFF80  }
0x86: {  	_ =	swait.ge [sflag:s15], $0x80  }
0x87: {  	[sflag:s15] =	ssyncset.done $0x0  }
0x88: {  	s19 =	sadd.s32 $0x100, s19;
	[sflag:s15] =	ssyncadd.s32 $0xFFFFFF80  }
0x89: {  	[tilespmem:s28], [sflag:$0x1] =	stream.indirect.gather [hbm4b:s1+s2], $0x80, s30, s2, $0xb8;
	[tilespmem:$0x1C200] =	vst v63  }
0x8a: {  	_ =	swait.ge [sflag:s8], $0x4000  }
0x8b: {  	[sflag:s8] =	ssyncset.done $0x0  }
0x8c: {  	[sflag:s8] =	ssyncadd.s32 $0xFFFFC000  }
0x8d: {  	[spmem:s3] =	stream.indirect.scatter.add.f32 [tilespmem:s28], [sflag:$0x2], $0x80, s31, s2, $0xb8;
	[tilespmem:$0x1C200] =	vst v63  }
0x8e: {  	s18 =	rddreg [dreg:$0x8]  }
0x8f: {  	[tilespmem:s13], [sflag:$0x4] =	stream.linear.gather [hbm4b:s18+s4], $0x80, $0x38;
	[tilespmem:$0x1C200] =	vst v63  }
0x90: {  	_ =	swait.ge [sflag:s14], $0x4000  }
0x91: {  	[sflag:s14] =	ssyncset.done $0x0  }
0x92: {  	s19 =	rddreg [dreg:$0x9];
	[sflag:s14] =	ssyncadd.s32 $0xFFFFC000  }
0x93: {  	[tilespmem:s0], [sflag:$0x4] =	stream.linear.gather [hbm4b:s19+s4], $0x80, $0x38;
	[tilespmem:$0x1C200] =	vst v63  }
0x94: {  	_ =	swait.ge [sflag:s15], $0x80  }
0x95: {  	[sflag:s15] =	ssyncset.done $0x0  }
0x96: {  	[sflag:s15] =	ssyncadd.s32 $0xFFFFFF80  }
0x97: {  	_ =	swait.ge [sflag:s15], $0x80  }
0x98: {  	[sflag:s15] =	ssyncset.done $0x0  }
0x99: {  	[sflag:s15] =	ssyncadd.s32 $0xFFFFFF80  }
0x9a: {  	[tilespmem:s7], [sflag:$0x1] =	stream.indirect.gather [hbm4b:s1+s2], $0x80, s13, s2, $0xb8;
	[tilespmem:$0x1C200] =	vst v63  }
0x9b: {  	_ =	swait.ge [sflag:s8], $0x4000  }
0x9c: {  	[sflag:s8] =	ssyncset.done $0x0  }
0x9d: {  	[sflag:s8] =	ssyncadd.s32 $0xFFFFC000  }
0x9e: {  	_ =	swait.ge [sflag:s16], $0x4000  }
0x9f: {  	[sflag:s16] =	ssyncset.done $0x0  }
0xa0: {  	[sflag:s16] =	ssyncadd.s32 $0xFFFFC000  }
0xa1: {  	[bflag:$0x0] =	sbarrier.arrive $0xFFFF  }
0xa2: {  	[tilespmem:s28], [sflag:$0x5] =	stream.linear.gather [spmem:s9], $0x4000, $0x38;
	[tilespmem:$0x1C200] =	vst v63  }
0xa3: {  	_ =	swait.ge [sflag:s29], $0x4000  }
0xa4: {  	[sflag:s29] =	ssyncset.done $0x0  }
0xa5: {  	s20 =	rddreg [dreg:$0xa];
	[sflag:s29] =	ssyncadd.s32 $0xFFFFC000  }
0xa6: {  	[hbm4b:s20+s4] =	stream.linear.scatter [tilespmem:s28], [sflag:$0x5], $0x4000, $0x38;
	[tilespmem:$0x1C200] =	vst v63  }
0xa7: {  	_ =	swait.ge [sflag:s29], $0x4000  }
0xa8: {  	[sflag:s29] =	ssyncset.done $0x0  }
0xa9: {  	[sflag:s29] =	ssyncadd.s32 $0xFFFFC000  }
0xaa: {  	[tilespmem:s28], [sflag:$0x5] =	stream.linear.gather [spmem:s10], $0x4000, $0x38;
	[tilespmem:$0x1C200] =	vst v63  }
0xab: {  	_ =	swait.ge [sflag:s29], $0x4000  }
0xac: {  	[sflag:s29] =	ssyncset.done $0x0  }
0xad: {  	s21 =	rddreg [dreg:$0xb];
	[sflag:s29] =	ssyncadd.s32 $0xFFFFC000  }
0xae: {  	[hbm4b:s21+s4] =	stream.linear.scatter [tilespmem:s28], [sflag:$0x5], $0x4000, $0x38;
	[tilespmem:$0x1C200] =	vst v63  }
0xaf: {  	_ =	swait.ge [sflag:s29], $0x4000  }
0xb0: {  	[sflag:s29] =	ssyncset.done $0x0  }
0xb1: {  	[sflag:s29] =	ssyncadd.s32 $0xFFFFC000  }
0xb2: {  	[tilespmem:s28], [sflag:$0x5] =	stream.linear.gather [spmem:s11], $0x4000, $0x38;
	[tilespmem:$0x1C200] =	vst v63  }
0xb3: {  	_ =	swait.ge [sflag:s29], $0x4000  }
0xb4: {  	[sflag:s29] =	ssyncset.done $0x0  }
0xb5: {  	s19 =	rddreg [dreg:$0xc];
	[sflag:s29] =	ssyncadd.s32 $0xFFFFC000  }
0xb6: {  	[hbm4b:s19+s4] =	stream.linear.scatter [tilespmem:s28], [sflag:$0x5], $0x4000, $0x38;
	[tilespmem:$0x1C200] =	vst v63  }
0xb7: {  	_ =	swait.ge [sflag:s29], $0x4000  }
0xb8: {  	[sflag:s29] =	ssyncset.done $0x0  }
0xb9: {  	[sflag:s29] =	ssyncadd.s32 $0xFFFFC000  }
0xba: {  	[tilespmem:s28], [sflag:$0x5] =	stream.linear.gather [spmem:s12], $0x4000, $0x38;
	[tilespmem:$0x1C200] =	vst v63  }
0xbb: {  	_ =	swait.ge [sflag:s29], $0x4000  }
0xbc: {  	[sflag:s29] =	ssyncset.done $0x0  }
0xbd: {  	s20 =	rddreg [dreg:$0xd];
	[sflag:s29] =	ssyncadd.s32 $0xFFFFC000  }
0xbe: {  	[hbm4b:s20+s4] =	stream.linear.scatter [tilespmem:s28], [sflag:$0x5], $0x4000, $0x38;
	[tilespmem:$0x1C200] =	vst v63  }
0xbf: {  	_ =	swait.ge [sflag:s29], $0x4000  }
0xc0: {  	[sflag:s29] =	ssyncset.done $0x0  }
0xc1: {  	[sflag:s29] =	ssyncadd.s32 $0xFFFFC000  }
0xc2: {  	[tilespmem:s28], [sflag:$0x5] =	stream.linear.gather [spmem:s26], $0x4000, $0x38;
	[tilespmem:$0x1C200] =	vst v63  }
0xc3: {  	s17 =	sadd.s32 $0x1, s17;
	_ =	swait.ge [sflag:s29], $0x4000  }
0xc4: {  	p0 =	sne.s32 s17, s22;
	[sflag:s29] =	ssyncset.done $0x0  }
.Ltmp1:
0xc5: {  	s21 =	rddreg [dreg:$0xe];
	[sflag:s29] =	ssyncadd.s32 $0xFFFFC000;
	(pc) =	sbr.rel @p0 .LBB2_1-.Ltmp1, $4  }
0xc6: {  	[hbm4b:s21+s4] =	stream.linear.scatter [tilespmem:s28], [sflag:$0x5], $0x4000, $0x38;
	[tilespmem:$0x1C200] =	vst v63  }
0xc7: {  	_ =	swait.ge [sflag:s29], $0x4000  }
0xc8: {  	[sflag:s29] =	ssyncset.done $0x0  }
0xc9: {  	[sflag:s29] =	ssyncadd.s32 $0xFFFFC000  }
0xca: {  	_ =	sfence.sel $0x180000  }
0xcb: {  	[bflag:$0x0] =	sbarrier.arrive $0xFFFF  }
0xcc: {  	_ =	strace $0x9000004A  }
0xcd: {  	s0 =	stileid.u32;
	[bflag:$0x2] =	sbarrier.arrive $0xFFFF  }
0xce: {  	p0 =	sne.s32 s0, $0x0;
	s0 =	rddreg [dreg:$0x3]  }
0xcf: {  	s0 =	sadd.s32 @!p0 $0x100000, s0  }
0xd0: {  	[sflag:s0] =	ssyncadd.tile.s32 @!p0 $0x1;
	_ =	shalt  }
.Lfunc_end2:
_tile_overlayer_lowered:
.L_overlay_start_2:
0xd1: {  	(tag) =	ssettag $0x2  }
0xd2: {  	s0 =	rddreg [dreg:$0x0];
	s2 =	stileid.u32  }
0xd3: {  	s1 =	rddreg [dreg:$0x1];
	p0 =	sne.s32 s2, $0x0  }
0xd4: {  	s3 =	rddreg [dreg:$0x2];
	[bflag:$0x3] =	sbarrier.arrive $0xFFFF;
	s2 =	simm.s32 @!p0 $0x1C05  }
0xd5: {  	[timem:s3], [sflag:s2] =	dma.local @!p0 [hbm:s0], s1  }
0xd6: {  	s0 =	simm.s32 @!p0 $0x5  }
0xd7: {  	_ =	swait.ge @!p0 [sflag:s0], s1  }
0xd8: {  	s1 =	ssub.s32 @!p0 $0x0, s1;
	[sflag:s0] =	ssyncset.done @!p0 $0x0  }
0xd9: {  	[sflag:s0] =	ssyncadd.s32 @!p0 s1  }
0xda: {  	[bflag:$0x3] =	sbarrier.arrive $0xFFFF  }
0xdb: {  	_ =	shalt  }

// kernel: kernel.16.cloned.1.call-start
scs
__scs_entry_jumppad:
0x0: {  	(pc) =	sbr.rel $0x88, $3  }
0x1: {  	(tag) =	ssettag $0x0;
	lr =	simm.s32 $0x1  }
0x2: {  	[smem:$0x3F93] =	sst lr;
	_ =	strace $0xD0000000  }
0x3: {  	_ = 	snop  }
0x4: {  	_ = 	snop  }
0x5: {  	_ = 	snop  }
0x6: {  	_ = 	snop  }
0x7: {  	_ = 	snop  }
__scs_overlays_trampoline_lowered:
0x8: {  	[smem:$0x3FA2] =	sst s0  }
0x9: {  	[smem:$0x3FA3] =	sst s1  }
0xa: {  	[smem:$0x3FA4] =	sst s2  }
0xb: {  	[smem:$0x3FA5] =	sst s3  }
0xc: {  	[smem:$0x3FA6] =	sst s4  }
0xd: {  	[smem:$0x3FA7] =	sst s5  }
0xe: {  	[smem:$0x3FA8] =	sst s6  }
0xf: {  	[smem:$0x3FA9] =	sst s7  }
0x10: {  	[smem:$0x3FAA] =	sst s8  }
0x11: {  	[smem:$0x3FAB] =	sst s9;
	s0 =	simm.s32 @!p0 $0x0  }
0x12: {  	s1 =	sld [smem:$0x3F91];
	s0 =	simm.s32 @p0 $0x1  }
0x13: {  	[smem:$0x3FAC] =	sst s0;
	s0 =	simm.s32 @!p1 $0x0  }
0x14: {  	s2 =	sld [smem:$0x3F90];
	s0 =	simm.s32 @p1 $0x1  }
0x15: {  	[smem:$0x3FAD] =	sst s0;
	s0 =	simm.s32 @!p2 $0x0  }
0x16: {  	s3 =	sld [smem:$0x3FDB];
	s0 =	simm.s32 @p2 $0x1  }
0x17: {  	s4 =	simm.s32 $0x1BF5;
	[smem:$0x3FAF] =	sst s0  }
0x18: {  	s0 =	sld [smem:$0x3F92];
	_ =	swait.ge [sflag:s4], $0x0  }
0x19: {  	s7 =	sld [smem:$0x3F93]  }
0x1a: {  	s8 =	sadd.s32 $0xFFFFE003, lr  }
0x1b: {  	s9 =	sadd.s32 $0xFFFFFEF7, lr;
	s5 =	simm.s32 $0xFFFFFFFF;
	p2 =	slt.u32 s8, $0xFFFFF086  }
0x1c: {  	p1 =	slt.u32 s9, $0xF7A;
	s5 =	simm.s32 @!p2 $0x0  }
0x1d: {  	s5 =	simm.s32 @p1 $0x1;
	p0 =	seq.s32 s7, s2  }
0x1e: {  	s7 =	smul.u32 @!p0 $0xF7A, s2;
	p2 =	seq.s32 @!p0 s5, $0x0  }
0x1f: {  	s9 =	smul.u32 $0xF7A, s1;
	s8 =	simm.s32 @!p0 $0x1BF5;
	p2 =	por !p2, p0  }
0x20: {  	[sflag:s8] =	ssyncset.s32 @!p0 $0xFFFFF086;
	s6 =	sadd.s32 @!p0 s3, s7;
	s7 =	simm.s32 @!p0 $0x108  }
0x21: {  	s3 =	sadd.s32 s3, s9;
	s6 =	sadd.s32 @!p0 $0x88, s6;
	s7 =	simm.s32 @p2 $0x1082  }
0x22: {  	[simem:s7], [sflag:s8] =	dma.local @!p0 [hbm:s6], $0xF7A  }
0x23: {  	s9 =	sor.u32 $0xD0000000, s2;
	s6 =	simm.s32 $0x108;
	_ =	swait.ge @!p0 [sflag:s8], $0x0  }
0x24: {  	s3 =	sadd.s32 $0x88, s3;
	s6 =	simm.s32 @!p1 $0x1082;
	[sflag:s4] =	ssyncset.s32 $0xFFFFF086  }
0x25: {  	[simem:s6], [sflag:s4] =	dma.local [hbm:s3], $0xF7A  }
0x26: {  	[smem:$0x3F93] =	sst s1;
	(tag) =	ssettag s2;
	_ =	strace s9  }
0x27: {  	s1 =	sld [smem:$0x3FA3]  }
0x28: {  	s2 =	sld [smem:$0x3FA4]  }
0x29: {  	s4 =	sld [smem:$0x3FA6]  }
0x2a: {  	p0 =	seq.s32 s5, $0x0;
	s5 =	sld [smem:$0x3FA7]  }
0x2b: {  	s6 =	sld [smem:$0x3FA8]  }
0x2c: {  	s7 =	sld [smem:$0x3FA9]  }
0x2d: {  	s3 =	simm.s32 $0x108;
	s8 =	sld [smem:$0x3FAA]  }
0x2e: {  	s3 =	simm.s32 @!p0 $0x1082;
	s9 =	sld [smem:$0x3FAB]  }
0x2f: {  	lr =	sadd.s32 s0, s3;
	s0 =	sld [smem:$0x3FA2]  }
0x30: {  	s3 =	sld [smem:$0x3FA5]  }
0x31: {  	[smem:$0x3FAE] =	sst s10  }
0x32: {  	s10 =	sld [smem:$0x3FAC];
	_ =	sdelay $0x3  }
0x33: {  	p0 =	seq.s32 s10, $0x1;
	s10 =	sld [smem:$0x3FAE];
	_ =	sdelay $0x3  }
0x34: {  	[smem:$0x3FAE] =	sst s10  }
0x35: {  	s10 =	sld [smem:$0x3FAD];
	_ =	sdelay $0x3  }
0x36: {  	p1 =	seq.s32 s10, $0x1;
	s10 =	sld [smem:$0x3FAE];
	_ =	sdelay $0x3  }
0x37: {  	[smem:$0x3FAE] =	sst s10  }
0x38: {  	s10 =	sld [smem:$0x3FAF]  }
0x39: {  	_ = 	snop;
	(pc) =	sbr.ind lr, $3  }
0x3a: {  	_ = 	snop  }
0x3b: {  	_ = 	snop  }
0x3c: {  	p2 =	seq.s32 s10, $0x1;
	s10 =	sld [smem:$0x3FAE]  }
0x3d: {  	_ =	shalt  }
0x3e: {  	_ =	shalt  }
0x3f: {  	_ =	shalt  }
0x40: {  	_ =	shalt  }
0x41: {  	_ =	shalt  }
0x42: {  	_ =	shalt  }
0x43: {  	_ =	shalt  }
0x44: {  	_ =	shalt  }
0x45: {  	_ =	shalt  }
0x46: {  	_ =	shalt  }
0x47: {  	_ =	shalt  }
0x48: {  	_ =	shalt  }
0x49: {  	_ =	shalt  }
0x4a: {  	_ =	shalt  }
0x4b: {  	_ =	shalt  }
0x4c: {  	_ =	shalt  }
0x4d: {  	_ =	shalt  }
0x4e: {  	_ =	shalt  }
0x4f: {  	_ =	shalt  }
0x50: {  	_ =	shalt  }
0x51: {  	_ =	shalt  }
0x52: {  	_ =	shalt  }
0x53: {  	_ =	shalt  }
0x54: {  	_ =	shalt  }
0x55: {  	_ =	shalt  }
0x56: {  	_ =	shalt  }
0x57: {  	_ =	shalt  }
0x58: {  	_ =	shalt  }
0x59: {  	_ =	shalt  }
0x5a: {  	_ =	shalt  }
0x5b: {  	_ =	shalt  }
0x5c: {  	_ =	shalt  }
0x5d: {  	_ =	shalt  }
0x5e: {  	_ =	shalt  }
0x5f: {  	_ =	shalt  }
0x60: {  	_ =	shalt  }
0x61: {  	_ =	shalt  }
0x62: {  	_ =	shalt  }
0x63: {  	_ =	shalt  }
0x64: {  	_ =	shalt  }
0x65: {  	_ =	shalt  }
0x66: {  	_ =	shalt  }
0x67: {  	_ =	shalt  }
0x68: {  	_ =	shalt  }
0x69: {  	_ =	shalt  }
0x6a: {  	_ =	shalt  }
0x6b: {  	_ =	shalt  }
0x6c: {  	_ =	shalt  }
0x6d: {  	_ =	shalt  }
0x6e: {  	_ =	shalt  }
0x6f: {  	_ =	shalt  }
0x70: {  	_ =	shalt  }
0x71: {  	_ =	shalt  }
0x72: {  	_ =	shalt  }
0x73: {  	_ =	shalt  }
0x74: {  	_ =	shalt  }
0x75: {  	_ =	shalt  }
0x76: {  	_ =	shalt  }
0x77: {  	_ =	shalt  }
0x78: {  	_ =	shalt  }
0x79: {  	_ =	shalt  }
0x7a: {  	_ =	shalt  }
0x7b: {  	_ =	shalt  }
0x7c: {  	_ =	shalt  }
0x7d: {  	_ =	shalt  }
0x7e: {  	_ =	shalt  }
0x7f: {  	_ =	shalt  }
0x80: {  	_ =	shalt  }
0x81: {  	_ =	shalt  }
0x82: {  	_ =	shalt  }
0x83: {  	_ =	shalt  }
0x84: {  	_ =	shalt  }
0x85: {  	_ =	shalt  }
0x86: {  	_ =	shalt  }
0x87: {  	_ =	shalt  }
.Lfunc_end0:
.L_simem_size_0:
called_computation.2_lowered:
.L_overlay_start_0:
0x88: {  	s2 =	sld [smem:$0x3FD9]  }
0x89: {  	s3 =	sld [smem:$0x3FFE];
	_ =	sdelay $0x1  }
0x8a: {  	s1 =	srdreg.scid  }
0x8b: {  	s0 =	sand.u32 $0x1, s1  }
0x8c: {  	s17 =	sshll.u32 s0, $0xA;
	s2 =	sadd.s32 s3, s2  }
0x8d: {  	s2 =	sadd.s32 s2, s17  }
0x8e: {  	[smem:$0x3FBA] =	sst s2  }
0x8f: {  	_ = 	snop  }
0x90: {  	s2 =	sld [smem:$0x3FD0];
	(tm) =	ssettm $0x1  }
0x91: {  	s18 =	sld [smem:$0x3FFB];
	_ =	sdelay $0x3  }
0x92: {  	_ =	strace s18  }
0x93: {  	s3 =	sld [smem:$0x3FFC];
	_ =	sdelay $0x3  }
0x94: {  	_ =	strace s3  }
0x95: {  	s3 =	sld [smem:$0x3FFD];
	_ =	sdelay $0x3  }
0x96: {  	_ =	strace s3  }
0x97: {  	_ =	strace $0x8FFFFFFF  }
0x98: {  	s19 =	sld [smem:$0x3FDB];
	_ =	sdelay $0x1  }
0x99: {  	s4 =	simm.s32 $_scs_section_size  }
0x9a: {  	s5 =	simm.s32 $_size__tile_overlayer_lowered;
	s6 =	simm.s32 $_tile_overlayer_lowered  }
0x9b: {  	s22 =	simm.s32 $0x1BFF;
	s21 =	sshll.u32 s6, $0x1;
	s3 =	sadd.s32 s4, s19  }
0x9c: {  	s7 =	simm.s32 $0x0;
	s20 =	sshll.u32 s5, $0x1;
	s5 =	sadd.s32 s21, s3  }
0x9d: {  	[timem:s7], [sflag:s22] =	dma.local [hbm:s5], s20  }
0x9e: {  	_ =	swait.ge [sflag:s22], s20  }
0x9f: {  	s4 =	ssub.s32 $0x0, s20;
	[sflag:s22] =	ssyncset.done $0x0  }
0xa0: {  	[sflag:s22] =	ssyncadd.s32 s4;
	_ =	sdelay $0x1  }
0xa1: {  	s23 =	simm.s32 $0x1B8B  }
0xa2: {  	_ =	swait.ge [sflag:s23], $0x1  }
0xa3: {  	[sflag:s23] =	ssyncset.done $0x0  }
0xa4: {  	s25 =	simm.s32 $0x1B8E;
	s24 =	sld [smem:$0x3FFE];
	[sflag:s23] =	ssyncadd.s32 $0xFFFFFFFF  }
0xa5: {  	s26 =	simm.s32 $execute0_lowered;
	[smem:$0x3FD2] =	sst s25  }
0xa6: {  	s5 =	sshll.u32 s26, $0x1;
	_ =	strace $0x8000004C;
	[dreg:$0x1] =	wrdreg $0xFFFFFFFF  }
0xa7: {  	s28 =	simm.s32 $_size_execute0_lowered;
	s3 =	sadd.s32 s3, s5;
	[dreg:$0x0] =	wrdreg $0x0  }
0xa8: {  	s5 =	sshll.u32 s28, $0x1;
	[dreg:$0x2] =	wrdreg s3  }
0xa9: {  	[dreg:$0x3] =	wrdreg s5  }
0xaa: {  	[dreg:$0x4] =	wrdreg $0xC0  }
0xab: {  	_ =	task [dreg:s7], $0x5FFFF  }
0xac: {  	[dreg:$0x1] =	wrdreg $0xFFFFFFFF  }
0xad: {  	[dreg:$0x0] =	wrdreg $0x60  }
0xae: {  	[dreg:$0x2] =	wrdreg s2  }
0xaf: {  	[dreg:$0x3] =	wrdreg s24  }
0xb0: {  	[dreg:$0x4] =	wrdreg $0x0  }
0xb1: {  	[dreg:$0x5] =	wrdreg $0x9  }
0xb2: {  	_ =	task.clear_ibuf [dreg:s7], $0x6FFFF;
	_ =	strace $0x9000004C  }
0xb3: {  	s29 =	simm.s32 $0x9;
	_ =	strace $0x8000004E  }
0xb4: {  	_ =	swait.ge [sflag:s29], $0x1  }
0xb5: {  	[sflag:s29] =	ssyncadd.s32 $0xFFFFFFFF  }
0xb6: {  	_ =	strace $0x9000004E  }
0xb7: {  	_ =	sfence  }
0xb8: {  	s30 =	sld [smem:$0x0];
	_ =	sdelay $0x2  }
0xb9: {  	s31 =	sshll.u32 s1, $0xD;
	s1 =	sshrl.u32 s1, $0x2  }
0xba: {  	s3 =	sand.u32 $0x4000, s31;
	s1 =	sadd.s32 s1, s30  }
0xbb: {  	s0 =	sor.u32 s3, s0;
	s1 =	sshll.u32 s1, $0x11  }
0xbc: {  	s0 =	sor.u32 s1, s0  }
0xbd: {  	s0 =	sadd.s32 $0x8F2B, s0  }
0xbe: {  	[sflag:s0] =	ssyncadd.remote.s32 $0x1  }
0xbf: {  	_ =	sfence.sel $0xFFFF  }
0xc0: {  	[dreg:$0x0] =	wrdreg $0xFFFFFFFF;
	(pc) =	sbr.abs _section_cstart, $3  }
0xc1: {  	[dreg:$0x1] =	wrdreg $0xFFFFFFFF  }
0xc2: {  	_ =	task.clear_ibuf [dreg:s7], $0x2FFFF;
	_ =	strace $0x9FFFFFFF  }
0xc3: {  	(tm) =	ssettm $0x7FFFFFFF  }
tec
execute0_lowered:
.L_overlay_start_1:
0x0: {  	(tag) =	ssettag $0x1  }
0x1: {  	s1 =	rddreg [dreg:$0x0]  }
0x2: {  	s0 =	rddreg [dreg:$0x1]  }
0x3: {  	s3 =	rddreg [dreg:$0x2]  }
0x4: {  	s2 =	srdreg.scid;
	s13 =	stileid.u32;
	s4 =	simm.s32 $0x0  }
0x5: {  	s28 =	simm.s32 $0x14200;
	s29 =	simm.s32 $0x5;
	s30 =	simm.s32 $0x14000  }
0x6: {  	s31 =	simm.s32 $0x14080;
	s2 =	sand.u32 $0x1, s2;
	s7 =	smul.u32 $0x280, s13  }
0x7: {  	[smem:$0x7FF] =	sst s4;
	s5 =	sadd.s32 $0x5EA00, s0;
	s9 =	sadd.s32 $0xDA00, s0  }
0x8: {  	s14 =	smul.u32 $0x50000, s13;
	s15 =	sadd.s32 $0xD800, s0;
	s16 =	sshll.u32 s13, $0x1  }
0x9: {  	s13 =	smul.u32 $0x4F00, s13;
	_ =	strace $0x8000004D;
	[dreg:$0x4] =	wrdreg s9  }
0xa: {  	s6 =	sadd.s32 $0x3800, s0;
	s8 =	smul.u32 $0x2800, s2;
	[dreg:$0x5] =	wrdreg s15  }
0xb: {  	s10 =	ssub.s32 $0x2, s2;
	s9 =	sor.u32 s2, s16;
	s2 =	smul.u32 $0x2780, s2  }
0xc: {  	s16 =	simm.s32 $0x2;
	s11 =	sshrl.u32 s10, $0x1;
	s12 =	smul.u32 $0x2780, s9  }
0xd: {  	s7 =	sadd.s32 s7, s8;
	s8 =	sshrl.u32 s14, $0x2;
	s17 =	ssub.s32 s10, s11  }
0xe: {  	s2 =	sadd.s32 s2, s13;
	s13 =	simm.s32 $0x14100;
	s7 =	sshll.u32 s7, $0x4  }
0xf: {  	s9 =	sadd.s32 s8, s3;
	s18 =	sshrl.u32 s12, $0x3;
	s24 =	sadd.s32 $0x80, s2  }
0x10: {  	s0 =	sadd.s32 s7, s0;
	s10 =	sadd.s32 $0x4000, s9;
	s15 =	sadd.s32 s5, s18  }
0x11: {  	s14 =	sadd.s32 $0x4F0, s18;
	s8 =	sadd.s32 s6, s18;
	[dreg:$0x6] =	wrdreg s15  }
0x12: {  	s11 =	sadd.s32 $0x8000, s9;
	[dreg:$0x7] =	wrdreg s8;
	s19 =	sadd.s32 s5, s14  }
0x13: {  	s12 =	sadd.s32 $0xC000, s9;
	s20 =	sadd.s32 s6, s14;
	[dreg:$0x8] =	wrdreg s19  }
0x14: {  	s26 =	sshrl.u32 s24, $0x3;
	s21 =	sadd.s32 $0xE200, s0;
	[dreg:$0x9] =	wrdreg s20  }
0x15: {  	s7 =	simm.s32 $0x18200;
	s22 =	sadd.s32 $0xEA00, s0;
	[dreg:$0xa] =	wrdreg s21  }
0x16: {  	s23 =	sadd.s32 $0xF200, s0;
	s25 =	sadd.s32 $0xFA00, s0;
	[dreg:$0xb] =	wrdreg s22  }
0x17: {  	s0 =	sadd.s32 $0x10200, s0;
	s24 =	sadd.s32 s26, s6;
	[dreg:$0xc] =	wrdreg s23  }
0x18: {  	s8 =	simm.s32 $0x1;
	s14 =	simm.s32 $0x3;
	[dreg:$0xd] =	wrdreg s25  }
0x19: {  	s15 =	simm.s32 $0x4;
	[dreg:$0xe] =	wrdreg s0;
	s22 =	smax.u32 s17, $0x1  }
0x1a: {  	s23 =	sadd.s32 $0x100, s2;
	s25 =	sadd.s32 s26, s5;
	s26 =	sadd.s32 $0x10000, s9  }
0x1b: {  	s0 =	simm.s32 $0x14180;
	s2 =	simm.s32 $0x80;
	s17 =	simm.s32 $0x0  }
.LBB2_1:
0x1c: {  	s18 =	rddreg [dreg:$0x4]  }
0x1d: {  	[tilespmem:s28], [sflag:$0x5] =	stream.linear.gather [hbm4b:s18+s4], $0x4000, $0x38;
	[tilespmem:$0x1C200] =	vst v63  }
0x1e: {  	_ =	swait.ge [sflag:s29], $0x4000  }
0x1f: {  	[sflag:s29] =	ssyncset.done $0x0  }
0x20: {  	[sflag:s29] =	ssyncadd.s32 $0xFFFFC000  }
0x21: {  	[spmem:s9] =	stream.linear.scatter [tilespmem:s28], [sflag:$0x5], $0x4000, $0x38;
	[tilespmem:$0x1C200] =	vst v63  }
0x22: {  	_ =	swait.ge [sflag:s29], $0x4000  }
0x23: {  	[sflag:s29] =	ssyncset.done $0x0  }
0x24: {  	[sflag:s29] =	ssyncadd.s32 $0xFFFFC000  }
0x25: {  	[spmem:s10] =	stream.linear.scatter [tilespmem:s28], [sflag:$0x5], $0x4000, $0x38;
	[tilespmem:$0x1C200] =	vst v63  }
0x26: {  	_ =	swait.ge [sflag:s29], $0x4000  }
0x27: {  	[sflag:s29] =	ssyncset.done $0x0  }
0x28: {  	[sflag:s29] =	ssyncadd.s32 $0xFFFFC000  }
0x29: {  	[spmem:s11] =	stream.linear.scatter [tilespmem:s28], [sflag:$0x5], $0x4000, $0x38;
	[tilespmem:$0x1C200] =	vst v63  }
0x2a: {  	_ =	swait.ge [sflag:s29], $0x4000  }
0x2b: {  	[sflag:s29] =	ssyncset.done $0x0  }
0x2c: {  	[sflag:s29] =	ssyncadd.s32 $0xFFFFC000  }
0x2d: {  	[spmem:s12] =	stream.linear.scatter [tilespmem:s28], [sflag:$0x5], $0x4000, $0x38;
	[tilespmem:$0x1C200] =	vst v63  }
0x2e: {  	_ =	swait.ge [sflag:s29], $0x4000  }
0x2f: {  	[sflag:s29] =	ssyncset.done $0x0  }
0x30: {  	[sflag:s29] =	ssyncadd.s32 $0xFFFFC000  }
0x31: {  	[spmem:s26] =	stream.linear.scatter [tilespmem:s28], [sflag:$0x5], $0x4000, $0x38;
	[tilespmem:$0x1C200] =	vst v63  }
0x32: {  	_ =	swait.ge [sflag:s29], $0x4000  }
0x33: {  	[sflag:s29] =	ssyncset.done $0x0  }
0x34: {  	s19 =	rddreg [dreg:$0x6];
	[sflag:s29] =	ssyncadd.s32 $0xFFFFC000  }
0x35: {  	[tilespmem:s30], [sflag:$0x5] =	stream.linear.gather [hbm4b:s19+s4], $0x80, $0x38;
	[tilespmem:$0x1C200] =	vst v63  }
0x36: {  	_ =	swait.ge [sflag:s29], $0x80  }
0x37: {  	[sflag:s29] =	ssyncset.done $0x0  }
0x38: {  	s20 =	rddreg [dreg:$0x7];
	[sflag:s29] =	ssyncadd.s32 $0xFFFFFF80  }
0x39: {  	[tilespmem:s31], [sflag:$0x5] =	stream.linear.gather [hbm4b:s20+s4], $0x80, $0x38;
	[tilespmem:$0x1C200] =	vst v63  }
0x3a: {  	_ =	swait.ge [sflag:s29], $0x80  }
0x3b: {  	[sflag:s29] =	ssyncset.done $0x0  }
0x3c: {  	s21 =	rddreg [dreg:$0x5];
	[sflag:s29] =	ssyncadd.s32 $0xFFFFFF80  }
0x3d: {  	[tilespmem:s0], [sflag:$0x5] =	stream.linear.gather [hbm4b:s21+s4], $0x80, $0x38;
	[tilespmem:$0x1C200] =	vst v63  }
0x3e: {  	_ =	swait.ge [sflag:s29], $0x80  }
0x3f: {  	[sflag:s29] =	ssyncset.done $0x0  }
0x40: {  	[sflag:s29] =	ssyncadd.s32 $0xFFFFFF80  }
0x41: {  	[bflag:$0x0] =	sbarrier.arrive $0xFFFF  }
0x42: {  	[spmem:s3] =	stream.indirect.scatter.add.f32 [tilespmem:s7], [sflag:$0x3], $0x80, s0, s2, $0xb8;
	[tilespmem:$0x1C200] =	vst v63  }
0x43: {  	_ = 	snop  }
0x44: {  	[tilespmem:s28], [sflag:$0x1] =	stream.indirect.gather [hbm4b:s1+s2], $0x80, s30, s2, $0xb8;
	[tilespmem:$0x1C200] =	vst v63  }
0x45: {  	_ =	swait.ge [sflag:s8], $0x4000  }
0x46: {  	[sflag:s8] =	ssyncset.done $0x0  }
0x47: {  	[sflag:s8] =	ssyncadd.s32 $0xFFFFC000  }
0x48: {  	[spmem:s3] =	stream.indirect.scatter.add.f32 [tilespmem:s28], [sflag:$0x2], $0x80, s31, s2, $0xb8;
	[tilespmem:$0x1C200] =	vst v63  }
0x49: {  	s19 =	sadd.s32 $0x0, s25  }
0x4a: {  	[tilespmem:s13], [sflag:$0x4] =	stream.linear.gather [hbm4b:s19+s4], $0x80, $0x38;
	[tilespmem:$0x1C200] =	vst v63  }
0x4b: {  	_ =	swait.ge [sflag:s14], $0x4000  }
0x4c: {  	[sflag:s14] =	ssyncset.done $0x0  }
0x4d: {  	s20 =	sadd.s32 $0x0, s24;
	[sflag:s14] =	ssyncadd.s32 $0xFFFFC000  }
0x4e: {  	[tilespmem:s0], [sflag:$0x4] =	stream.linear.gather [hbm4b:s20+s4], $0x80, $0x38;
	[tilespmem:$0x1C200] =	vst v63  }
0x4f: {  	_ =	swait.ge [sflag:s15], $0x80  }
0x50: {  	[sflag:s15] =	ssyncset.done $0x0  }
0x51: {  	[sflag:s15] =	ssyncadd.s32 $0xFFFFFF80  }
0x52: {  	_ =	swait.ge [sflag:s15], $0x80  }
0x53: {  	[sflag:s15] =	ssyncset.done $0x0  }
0x54: {  	[sflag:s15] =	ssyncadd.s32 $0xFFFFFF80  }
0x55: {  	[tilespmem:s7], [sflag:$0x1] =	stream.indirect.gather [hbm4b:s1+s2], $0x80, s13, s2, $0xb8;
	[tilespmem:$0x1C200] =	vst v63  }
0x56: {  	_ =	swait.ge [sflag:s8], $0x4000  }
0x57: {  	[sflag:s8] =	ssyncset.done $0x0  }
0x58: {  	s21 =	sshrl.u32 s23, $0x3;
	[sflag:s8] =	ssyncadd.s32 $0xFFFFC000  }
0x59: {  	[spmem:s3] =	stream.indirect.scatter.add.f32 [tilespmem:s7], [sflag:$0x3], $0x80, s0, s2, $0xb8;
	[tilespmem:$0x1C200] =	vst v63  }
0x5a: {  	s19 =	sadd.s32 s5, s21  }
0x5b: {  	[tilespmem:s30], [sflag:$0x4] =	stream.linear.gather [hbm4b:s19+s4], $0x80, $0x38;
	[tilespmem:$0x1C200] =	vst v63  }
0x5c: {  	_ =	swait.ge [sflag:s16], $0x4000  }
0x5d: {  	[sflag:s16] =	ssyncset.done $0x0  }
0x5e: {  	s18 =	sadd.s32 s6, s21;
	[sflag:s16] =	ssyncadd.s32 $0xFFFFC000  }
0x5f: {  	[tilespmem:s31], [sflag:$0x4] =	stream.linear.gather [hbm4b:s18+s4], $0x80, $0x38;
	[tilespmem:$0x1C200] =	vst v63  }
0x60: {  	_ =	swait.ge [sflag:s15], $0x80  }
0x61: {  	[sflag:s15] =	ssyncset.done $0x0  }
0x62: {  	[sflag:s15] =	ssyncadd.s32 $0xFFFFFF80  }
0x63: {  	_ =	swait.ge [sflag:s15], $0x80  }
0x64: {  	[sflag:s15] =	ssyncset.done $0x0  }
0x65: {  	s19 =	sadd.s32 $0x100, s23;
	s18 =	simm.s32 $0x20;
	[sflag:s15] =	ssyncadd.s32 $0xFFFFFF80  }
.LBB2_2:
0x66: {  	[tilespmem:s28], [sflag:$0x1] =	stream.indirect.gather [hbm4b:s1+s2], $0x80, s30, s2, $0xb8;
	[tilespmem:$0x1C200] =	vst v63  }
0x67: {  	s20 =	smov.u32 s18  }
0x68: {  	p0 =	sne.s32 s18, $0x4C0;
	s18 =	sadd.s32 $0x20, s18;
	_ =	swait.ge [sflag:s8], $0x4000  }
0x69: {  	[sflag:s8] =	ssyncset.done $0x0  }
0x6a: {  	[sflag:s8] =	ssyncadd.s32 $0xFFFFC000  }
0x6b: {  	[spmem:s3] =	stream.indirect.scatter.add.f32 [tilespmem:s28], [sflag:$0x2], $0x80, s31, s2, $0xb8;
	[tilespmem:$0x1C200] =	vst v63  }
0x6c: {  	s21 =	sadd.s32 s20, s25  }
0x6d: {  	[tilespmem:s13], [sflag:$0x4] =	stream.linear.gather [hbm4b:s21+s4], $0x80, $0x38;
	[tilespmem:$0x1C200] =	vst v63  }
0x6e: {  	_ =	swait.ge [sflag:s14], $0x4000  }
0x6f: {  	[sflag:s14] =	ssyncset.done $0x0  }
0x70: {  	s20 =	sadd.s32 s20, s24;
	[sflag:s14] =	ssyncadd.s32 $0xFFFFC000  }
0x71: {  	[tilespmem:s0], [sflag:$0x4] =	stream.linear.gather [hbm4b:s20+s4], $0x80, $0x38;
	[tilespmem:$0x1C200] =	vst v63  }
0x72: {  	_ =	swait.ge [sflag:s15], $0x80  }
0x73: {  	[sflag:s15] =	ssyncset.done $0x0  }
0x74: {  	[sflag:s15] =	ssyncadd.s32 $0xFFFFFF80  }
0x75: {  	_ =	swait.ge [sflag:s15], $0x80  }
0x76: {  	[sflag:s15] =	ssyncset.done $0x0  }
0x77: {  	[sflag:s15] =	ssyncadd.s32 $0xFFFFFF80  }
0x78: {  	[tilespmem:s7], [sflag:$0x1] =	stream.indirect.gather [hbm4b:s1+s2], $0x80, s13, s2, $0xb8;
	[tilespmem:$0x1C200] =	vst v63  }
0x79: {  	_ =	swait.ge [sflag:s8], $0x4000  }
0x7a: {  	[sflag:s8] =	ssyncset.done $0x0  }
0x7b: {  	s20 =	sshrl.u32 s19, $0x3;
	[sflag:s8] =	ssyncadd.s32 $0xFFFFC000  }
0x7c: {  	[spmem:s3] =	stream.indirect.scatter.add.f32 [tilespmem:s7], [sflag:$0x3], $0x80, s0, s2, $0xb8;
	[tilespmem:$0x1C200] =	vst v63  }
0x7d: {  	s21 =	sadd.s32 s5, s20  }
0x7e: {  	[tilespmem:s30], [sflag:$0x4] =	stream.linear.gather [hbm4b:s21+s4], $0x80, $0x38;
	[tilespmem:$0x1C200] =	vst v63  }
0x7f: {  	_ =	swait.ge [sflag:s16], $0x4000  }
0x80: {  	[sflag:s16] =	ssyncset.done $0x0  }
0x81: {  	s20 =	sadd.s32 s6, s20;
	[sflag:s16] =	ssyncadd.s32 $0xFFFFC000  }
0x82: {  	[tilespmem:s31], [sflag:$0x4] =	stream.linear.gather [hbm4b:s20+s4], $0x80, $0x38;
	[tilespmem:$0x1C200] =	vst v63  }
0x83: {  	_ =	swait.ge [sflag:s15], $0x80  }
.Ltmp0:
0x84: {  	[sflag:s15] =	ssyncset.done $0x0;
	(pc) =	sbr.rel @p0 .LBB2_2-.Ltmp0, $4  }
0x85: {  	[sflag:s15] =	ssyncadd.s32 $0xFFFFFF80  }
0x86: {  	_ =	swait.ge [sflag:s15], $0x80  }
0x87: {  	[sflag:s15] =	ssyncset.done $0x0  }
0x88: {  	s19 =	sadd.s32 $0x100, s19;
	[sflag:s15] =	ssyncadd.s32 $0xFFFFFF80  }
0x89: {  	[tilespmem:s28], [sflag:$0x1] =	stream.indirect.gather [hbm4b:s1+s2], $0x80, s30, s2, $0xb8;
	[tilespmem:$0x1C200] =	vst v63  }
0x8a: {  	_ =	swait.ge [sflag:s8], $0x4000  }
0x8b: {  	[sflag:s8] =	ssyncset.done $0x0  }
0x8c: {  	[sflag:s8] =	ssyncadd.s32 $0xFFFFC000  }
0x8d: {  	[spmem:s3] =	stream.indirect.scatter.add.f32 [tilespmem:s28], [sflag:$0x2], $0x80, s31, s2, $0xb8;
	[tilespmem:$0x1C200] =	vst v63  }
0x8e: {  	s18 =	rddreg [dreg:$0x8]  }
0x8f: {  	[tilespmem:s13], [sflag:$0x4] =	stream.linear.gather [hbm4b:s18+s4], $0x80, $0x38;
	[tilespmem:$0x1C200] =	vst v63  }
0x90: {  	_ =	swait.ge [sflag:s14], $0x4000  }
0x91: {  	[sflag:s14] =	ssyncset.done $0x0  }
0x92: {  	s19 =	rddreg [dreg:$0x9];
	[sflag:s14] =	ssyncadd.s32 $0xFFFFC000  }
0x93: {  	[tilespmem:s0], [sflag:$0x4] =	stream.linear.gather [hbm4b:s19+s4], $0x80, $0x38;
	[tilespmem:$0x1C200] =	vst v63  }
0x94: {  	_ =	swait.ge [sflag:s15], $0x80  }
0x95: {  	[sflag:s15] =	ssyncset.done $0x0  }
0x96: {  	[sflag:s15] =	ssyncadd.s32 $0xFFFFFF80  }
0x97: {  	_ =	swait.ge [sflag:s15], $0x80  }
0x98: {  	[sflag:s15] =	ssyncset.done $0x0  }
0x99: {  	[sflag:s15] =	ssyncadd.s32 $0xFFFFFF80  }
0x9a: {  	[tilespmem:s7], [sflag:$0x1] =	stream.indirect.gather [hbm4b:s1+s2], $0x80, s13, s2, $0xb8;
	[tilespmem:$0x1C200] =	vst v63  }
0x9b: {  	_ =	swait.ge [sflag:s8], $0x4000  }
0x9c: {  	[sflag:s8] =	ssyncset.done $0x0  }
0x9d: {  	[sflag:s8] =	ssyncadd.s32 $0xFFFFC000  }
0x9e: {  	_ =	swait.ge [sflag:s16], $0x4000  }
0x9f: {  	[sflag:s16] =	ssyncset.done $0x0  }
0xa0: {  	[sflag:s16] =	ssyncadd.s32 $0xFFFFC000  }
0xa1: {  	[bflag:$0x0] =	sbarrier.arrive $0xFFFF  }
0xa2: {  	[tilespmem:s28], [sflag:$0x5] =	stream.linear.gather [spmem:s9], $0x4000, $0x38;
	[tilespmem:$0x1C200] =	vst v63  }
0xa3: {  	_ =	swait.ge [sflag:s29], $0x4000  }
0xa4: {  	[sflag:s29] =	ssyncset.done $0x0  }
0xa5: {  	s20 =	rddreg [dreg:$0xa];
	[sflag:s29] =	ssyncadd.s32 $0xFFFFC000  }
0xa6: {  	[hbm4b:s20+s4] =	stream.linear.scatter [tilespmem:s28], [sflag:$0x5], $0x4000, $0x38;
	[tilespmem:$0x1C200] =	vst v63  }
0xa7: {  	_ =	swait.ge [sflag:s29], $0x4000  }
0xa8: {  	[sflag:s29] =	ssyncset.done $0x0  }
0xa9: {  	[sflag:s29] =	ssyncadd.s32 $0xFFFFC000  }
0xaa: {  	[tilespmem:s28], [sflag:$0x5] =	stream.linear.gather [spmem:s10], $0x4000, $0x38;
	[tilespmem:$0x1C200] =	vst v63  }
0xab: {  	_ =	swait.ge [sflag:s29], $0x4000  }
0xac: {  	[sflag:s29] =	ssyncset.done $0x0  }
0xad: {  	s21 =	rddreg [dreg:$0xb];
	[sflag:s29] =	ssyncadd.s32 $0xFFFFC000  }
0xae: {  	[hbm4b:s21+s4] =	stream.linear.scatter [tilespmem:s28], [sflag:$0x5], $0x4000, $0x38;
	[tilespmem:$0x1C200] =	vst v63  }
0xaf: {  	_ =	swait.ge [sflag:s29], $0x4000  }
0xb0: {  	[sflag:s29] =	ssyncset.done $0x0  }
0xb1: {  	[sflag:s29] =	ssyncadd.s32 $0xFFFFC000  }
0xb2: {  	[tilespmem:s28], [sflag:$0x5] =	stream.linear.gather [spmem:s11], $0x4000, $0x38;
	[tilespmem:$0x1C200] =	vst v63  }
0xb3: {  	_ =	swait.ge [sflag:s29], $0x4000  }
0xb4: {  	[sflag:s29] =	ssyncset.done $0x0  }
0xb5: {  	s19 =	rddreg [dreg:$0xc];
	[sflag:s29] =	ssyncadd.s32 $0xFFFFC000  }
0xb6: {  	[hbm4b:s19+s4] =	stream.linear.scatter [tilespmem:s28], [sflag:$0x5], $0x4000, $0x38;
	[tilespmem:$0x1C200] =	vst v63  }
0xb7: {  	_ =	swait.ge [sflag:s29], $0x4000  }
0xb8: {  	[sflag:s29] =	ssyncset.done $0x0  }
0xb9: {  	[sflag:s29] =	ssyncadd.s32 $0xFFFFC000  }
0xba: {  	[tilespmem:s28], [sflag:$0x5] =	stream.linear.gather [spmem:s12], $0x4000, $0x38;
	[tilespmem:$0x1C200] =	vst v63  }
0xbb: {  	_ =	swait.ge [sflag:s29], $0x4000  }
0xbc: {  	[sflag:s29] =	ssyncset.done $0x0  }
0xbd: {  	s20 =	rddreg [dreg:$0xd];
	[sflag:s29] =	ssyncadd.s32 $0xFFFFC000  }
0xbe: {  	[hbm4b:s20+s4] =	stream.linear.scatter [tilespmem:s28], [sflag:$0x5], $0x4000, $0x38;
	[tilespmem:$0x1C200] =	vst v63  }
0xbf: {  	_ =	swait.ge [sflag:s29], $0x4000  }
0xc0: {  	[sflag:s29] =	ssyncset.done $0x0  }
0xc1: {  	[sflag:s29] =	ssyncadd.s32 $0xFFFFC000  }
0xc2: {  	[tilespmem:s28], [sflag:$0x5] =	stream.linear.gather [spmem:s26], $0x4000, $0x38;
	[tilespmem:$0x1C200] =	vst v63  }
0xc3: {  	s17 =	sadd.s32 $0x1, s17;
	_ =	swait.ge [sflag:s29], $0x4000  }
0xc4: {  	p0 =	sne.s32 s17, s22;
	[sflag:s29] =	ssyncset.done $0x0  }
.Ltmp1:
0xc5: {  	s21 =	rddreg [dreg:$0xe];
	[sflag:s29] =	ssyncadd.s32 $0xFFFFC000;
	(pc) =	sbr.rel @p0 .LBB2_1-.Ltmp1, $4  }
0xc6: {  	[hbm4b:s21+s4] =	stream.linear.scatter [tilespmem:s28], [sflag:$0x5], $0x4000, $0x38;
	[tilespmem:$0x1C200] =	vst v63  }
0xc7: {  	_ =	swait.ge [sflag:s29], $0x4000  }
0xc8: {  	[sflag:s29] =	ssyncset.done $0x0  }
0xc9: {  	[sflag:s29] =	ssyncadd.s32 $0xFFFFC000  }
0xca: {  	_ =	sfence.sel $0x180000  }
0xcb: {  	[bflag:$0x0] =	sbarrier.arrive $0xFFFF  }
0xcc: {  	_ =	strace $0x9000004D  }
0xcd: {  	s0 =	stileid.u32;
	[bflag:$0x2] =	sbarrier.arrive $0xFFFF  }
0xce: {  	p0 =	sne.s32 s0, $0x0;
	s0 =	rddreg [dreg:$0x3]  }
0xcf: {  	s0 =	sadd.s32 @!p0 $0x100000, s0  }
0xd0: {  	[sflag:s0] =	ssyncadd.tile.s32 @!p0 $0x1;
	_ =	shalt  }
.Lfunc_end2:
_tile_overlayer_lowered:
.L_overlay_start_2:
0xd1: {  	(tag) =	ssettag $0x2  }
0xd2: {  	s0 =	rddreg [dreg:$0x0];
	s2 =	stileid.u32  }
0xd3: {  	s1 =	rddreg [dreg:$0x1];
	p0 =	sne.s32 s2, $0x0  }
0xd4: {  	s3 =	rddreg [dreg:$0x2];
	[bflag:$0x3] =	sbarrier.arrive $0xFFFF;
	s2 =	simm.s32 @!p0 $0x1C05  }
0xd5: {  	[timem:s3], [sflag:s2] =	dma.local @!p0 [hbm:s0], s1  }
0xd6: {  	s0 =	simm.s32 @!p0 $0x5  }
0xd7: {  	_ =	swait.ge @!p0 [sflag:s0], s1  }
0xd8: {  	s1 =	ssub.s32 @!p0 $0x0, s1;
	[sflag:s0] =	ssyncset.done @!p0 $0x0  }
0xd9: {  	[sflag:s0] =	ssyncadd.s32 @!p0 s1  }
0xda: {  	[bflag:$0x3] =	sbarrier.arrive $0xFFFF  }
0xdb: {  	_ =	shalt  }

</sc_bundles>
